<compile_context>
chip_gen: v7x
topology: tpu7x:2x2x1
jax: 0.10.2.dev20260603
libtpu: 0.0.44.dev20260713+nightly
codegen_flags: <defaults>
</compile_context>

<pallas_src>
import functools

import jax
import jax.numpy as jnp
from jax import lax
from jax.experimental import pallas as pl
from jax.experimental.pallas import tpu as pltpu
from jax.experimental.pallas import tpu_sc as plsc

B = 16384
EMB = 64
HID = 192
EPS = 1e-5
NC, NS = 2, 16
NW = NC * NS
BPW = B // NW


def _sc_gather(idx_all, t1, t2, t3, t4):
    mesh = plsc.VectorSubcoreMesh(core_axis_name="c", subcore_axis_name="s")
    out_type = jax.ShapeDtypeStruct((4 * B, EMB), jnp.float32)
    scratch = (
        [pltpu.VMEM((4, BPW), jnp.int32)]
        + [pltpu.VMEM((BPW, EMB), jnp.float32)]
        + [pltpu.SemaphoreType.DMA]
    )

    @functools.partial(pl.kernel, mesh=mesh, out_type=out_type,
                       scratch_types=scratch)
    def k(idx_r, t1r, t2r, t3r, t4r, out_r, idx_v, rows_v, sem):
        wid = lax.axis_index("s") * NC + lax.axis_index("c")
        base = wid * BPW

        cps = [pltpu.async_copy(idx_r.at[pl.ds(t * B + base, BPW)],
                                idx_v.at[t], sem) for t in range(4)]
        for cp in cps:
            cp.wait()

        def gather_one(t, tab):
            def grp(g, _):
                vec = idx_v[t, pl.ds(g * 16, 16)]
                tid = lax.shift_right_logical(vec, 3)
                ph = jnp.bitwise_and(vec, 7)
                for j in range(16):
                    pltpu.async_copy(
                        tab.at[tid[j], pl.ds(ph[j], 1), :],
                        rows_v.at[pl.ds(g * 16 + j, 1), :], sem)
                return 0
            lax.fori_loop(0, BPW // 16, grp, 0)
            pltpu.make_async_copy(out_r.at[pl.ds(0, BPW), :], rows_v,
                                  sem).wait()
            pltpu.sync_copy(rows_v, out_r.at[pl.ds(t * B + base, BPW), :])

        gather_one(0, t1r)
        gather_one(1, t2r)
        gather_one(2, t3r)
        gather_one(3, t4r)

    return k(idx_all, t1, t2, t3, t4)


BCHUNK = 1024
NBCHUNK = B // BCHUNK
CAT = 4 * EMB


def _dense_body(e1, e2, e3, e4, gamma, beta, g, v, bias, out,
                acc, ws_s, b2_s, x_cache):
    phase = pl.program_id(0)
    step = pl.program_id(1)

    @pl.when(phase == 0)
    def _stats():
        @pl.when(step == 0)
        def _init():
            acc[...] = jnp.zeros_like(acc)

        x = jnp.concatenate([e1[...], e2[...], e3[...], e4[...]], axis=1)
        x_cache[pl.ds(step * BCHUNK, BCHUNK), :] = x
        acc[0:1, :] += jnp.sum(x, axis=0, keepdims=True)
        acc[1:2, :] += jnp.sum(x * x, axis=0, keepdims=True)

        @pl.when(step == NBCHUNK - 1)
        def _finalize():
            mean = acc[0:1, :] / B
            var = acc[1:2, :] / B - mean * mean
            s = gamma[...][None, :] / jnp.sqrt(var + EPS)
            shift = beta[...][None, :] - mean * s
            vv = v[...]
            v_norm = jnp.sqrt(jnp.sum(vv * vv, axis=1, keepdims=True))
            W = (g[...][:, None] / v_norm) * vv
            ws_s[...] = W * s
            b2 = bias[...] + lax.dot_general(
                W, shift[0], (((1,), (0,)), ((), ())),
                preferred_element_type=jnp.float32)
            b2_s[...] = b2[None, :]

    @pl.when(phase == 1)
    def _matmul():
        x = x_cache[pl.ds(step * BCHUNK, BCHUNK), :]
        y = lax.dot_general(x, ws_s[...], (((1,), (1,)), ((), ())),
                            preferred_element_type=jnp.float32)
        out[...] = jax.nn.sigmoid(y + b2_s[...])


def _tc_stage(e_all, bn_gamma, bn_beta, wn_g, wn_v, bias):
    especs = [
        pl.BlockSpec(
            (BCHUNK, EMB),
            functools.partial(
                lambda t, p, i: (t * NBCHUNK + jnp.where(p == 0, i, 0), 0), t))
        for t in range(4)]
    full = lambda shape: pl.BlockSpec(
        shape, lambda p, i: tuple(0 for _ in shape))
    out = pl.pallas_call(
        _dense_body,
        grid=(2, NBCHUNK),
        in_specs=especs + [full((CAT,)), full((CAT,)), full((HID,)),
                           full((HID, CAT)), full((HID,))],
        out_specs=pl.BlockSpec((BCHUNK, HID),
                               lambda p, i: (jnp.where(p == 0, 0, i), 0)),
        out_shape=jax.ShapeDtypeStruct((B, HID), jnp.float32),
        scratch_shapes=[pltpu.VMEM((2, CAT), jnp.float32),
                        pltpu.VMEM((HID, CAT), jnp.float32),
                        pltpu.VMEM((1, HID), jnp.float32),
                        pltpu.VMEM((B, CAT), jnp.float32)],
    )(e_all, e_all, e_all, e_all, bn_gamma, bn_beta, wn_g, wn_v, bias)
    return out


def kernel(last_test, last_question, last_tag, last_qclass,
           emb_test, emb_question, emb_tag, emb_qclass,
           bn_gamma, bn_beta, wn_g, wn_v, bias):
    idx_all = jnp.concatenate([
        last_test.astype(jnp.int32), last_question.astype(jnp.int32),
        last_tag.astype(jnp.int32), last_qclass.astype(jnp.int32)])
    e_all = _sc_gather(idx_all,
                       emb_test.reshape(-1, 8, EMB),
                       emb_question.reshape(-1, 8, EMB),
                       emb_tag.reshape(-1, 8, EMB),
                       emb_qclass.reshape(-1, 8, EMB))
    return _tc_stage(e_all, bn_gamma, bn_beta, wn_g, wn_v, bias)

# --- scband reference (transcript-rebuilt; emitter-appended) ---
"""Pipeline reference for scband-mask-model-16776142258835 (READ-ONLY COPY).

The authoritative reference and input builder live on the scoring server;
editing this copy changes nothing except your own understanding.
"""

import jax, jax.numpy as jnp
import numpy as np

B = 16384
EMB = 64          # hidden_dim // 3
HID = 192         # hidden_dim
CAT = EMB * 4     # concat of 4 embeddings
N_TEST = 100000
N_QUESTIONS = 1000000
N_TAG = 1000
N_CLASS = 1000
EPS = 1e-5


def setup_inputs(seed: int = 0) -> dict:
    key = jax.random.key(seed)
    ks = jax.random.split(key, 12)
    last_test = jax.random.randint(ks[0], (B,), 0, N_TEST, dtype=jnp.int64 if jax.config.jax_enable_x64 else jnp.int32)
    last_question = jax.random.randint(ks[1], (B,), 0, N_QUESTIONS, dtype=last_test.dtype)
    last_tag = jax.random.randint(ks[2], (B,), 0, N_TAG, dtype=last_test.dtype)
    last_qclass = jax.random.randint(ks[3], (B,), 0, N_CLASS, dtype=last_test.dtype)
    emb_test = jax.random.normal(ks[4], (N_TEST, EMB), dtype=jnp.float32) * 0.02
    emb_question = jax.random.normal(ks[5], (N_QUESTIONS, EMB), dtype=jnp.float32) * 0.02
    emb_tag = jax.random.normal(ks[6], (N_TAG, EMB), dtype=jnp.float32) * 0.02
    emb_qclass = jax.random.normal(ks[7], (N_CLASS, EMB), dtype=jnp.float32) * 0.02
    bn_gamma = jnp.ones((CAT,), dtype=jnp.float32)
    bn_beta = jnp.zeros((CAT,), dtype=jnp.float32)
    wn_v = jax.random.normal(ks[8], (HID, CAT), dtype=jnp.float32) * 0.05
    wn_g = jnp.sqrt(jnp.sum(wn_v ** 2, axis=1))  # weight_norm init: g = ||v|| per output row
    bias = jnp.zeros((HID,), dtype=jnp.float32)
    return {
        'last_test': last_test, 'last_question': last_question,
        'last_tag': last_tag, 'last_qclass': last_qclass,
        'emb_test': emb_test, 'emb_question': emb_question,
        'emb_tag': emb_tag, 'emb_qclass': emb_qclass,
        'bn_gamma': bn_gamma, 'bn_beta': bn_beta,
        'wn_g': wn_g, 'wn_v': wn_v, 'bias': bias,
    }


def reference(last_test, last_question, last_tag, last_qclass,
              emb_test, emb_question, emb_tag, emb_qclass,
              bn_gamma, bn_beta, wn_g, wn_v, bias):
    # Embedding lookups (gather)
    e_test = jnp.take(emb_test, last_test, axis=0)
    e_question = jnp.take(emb_question, last_question, axis=0)
    e_tag = jnp.take(emb_tag, last_tag, axis=0)
    e_qclass = jnp.take(emb_qclass, last_qclass, axis=0)
    x = jnp.concatenate([e_test, e_question, e_tag, e_qclass], axis=1)
    # BatchNorm1d in training mode: biased batch statistics
    mean = jnp.mean(x, axis=0)
    var = jnp.mean((x - mean) ** 2, axis=0)
    xn = (x - mean) / jnp.sqrt(var + EPS) * bn_gamma + bn_beta
    # weight_norm linear (dim=0): W[i,:] = g[i] * v[i,:] / ||v[i,:]||
    v_norm = jnp.sqrt(jnp.sum(wn_v ** 2, axis=1, keepdims=True))
    W = (wn_g[:, None] * wn_v) / v_norm
    out = xn @ W.T + bias
    return jax.nn.sigmoid(out)

if __name__ == "__main__":
    import jax
    _d = setup_inputs()
    print(jax.jit(kernel)(*tuple(_d.values())))

</pallas_src>

<mosaic_0001>
#map = affine_map<(d0, d1) -> (0)>
#map1 = affine_map<(d0, d1) -> (0, 0, 0)>
#map2 = affine_map<(d0, d1) -> (0, 0)>
module attributes {stable_mosaic.version = 14 : i64} {
  func.func @k(%arg0: i32, %arg1: i32, %arg2: memref<65536xi32, #tpu.memory_space<hbm>>, %arg3: memref<12500x8x64xf32, #tpu.memory_space<hbm>>, %arg4: memref<125000x8x64xf32, #tpu.memory_space<hbm>>, %arg5: memref<125x8x64xf32, #tpu.memory_space<hbm>>, %arg6: memref<125x8x64xf32, #tpu.memory_space<hbm>>, %arg7: memref<65536x64xf32, #tpu.memory_space<hbm>>, %arg8: memref<4x512xi32, #tpu.memory_space<vmem>>, %arg9: memref<512x64xf32, #tpu.memory_space<vmem>>, %arg10: memref<!tpu.dma_semaphore, #tpu.memory_space<semaphore_mem>>) attributes {dimension_semantics = [#tpu.dimension_semantics<core_parallel>, #tpu.dimension_semantics<subcore_parallel>], iteration_bounds = array<i64: 2, 16>, scalar_prefetch = 0 : i64, scratch_operands = 3 : i64, tpu.core_type = #tpu.core_type<sc_vector_subcore>, window_params = [{transform_indices = #map}, {transform_indices = #map1}, {transform_indices = #map1}, {transform_indices = #map1}, {transform_indices = #map1}, {transform_indices = #map2}]} {
    %mul3A = arith.constant 2 : i32
    %mul3A_0 = arith.muli %arg1, %mul3A : i32
    %add3A = arith.addi %mul3A_0, %arg0 : i32
    %mul3A_1 = arith.constant 512 : i32
    %mul3A_2 = arith.muli %add3A, %mul3A_1 : i32
    %add3A_3 = arith.constant 0 : i32
    %add3A_4 = arith.addi %add3A_3, %mul3A_2 : i32
    %dma_start3A = arith.constant 0 : i32
    %dma_start3A_5 = arith.constant 0 : i32
    %dma_start3A_6 = tpu.memref_slice %arg8[%dma_start3A, %dma_start3A_5] : memref<4x512xi32, #tpu.memory_space<vmem>> -> memref<1x512xi32, #tpu.memory_space<vmem>>
    %dma_start3A_7 = tpu.memref_squeeze %dma_start3A_6 : memref<1x512xi32, #tpu.memory_space<vmem>> -> memref<512xi32, #tpu.memory_space<vmem>>
    %dma_start3A_8 = tpu.memref_slice %arg2[%add3A_4] : memref<65536xi32, #tpu.memory_space<hbm>> -> memref<512xi32, #tpu.memory_space<hbm>>
    %dma_start3A_9 = arith.constant 0 : i32
    %dma_start3A_10 = tpu.memref_slice %arg8[%dma_start3A, %dma_start3A_9] : memref<4x512xi32, #tpu.memory_space<vmem>> -> memref<1x512xi32, #tpu.memory_space<vmem>>
    %dma_start3A_11 = tpu.memref_squeeze %dma_start3A_10 : memref<1x512xi32, #tpu.memory_space<vmem>> -> memref<512xi32, #tpu.memory_space<vmem>>
    %dma_start3A_12 = tpu.memref_slice %arg2[%add3A_4] : memref<65536xi32, #tpu.memory_space<hbm>> -> memref<512xi32, #tpu.memory_space<hbm>>
    tpu.enqueue_dma source(%dma_start3A_12 : memref<512xi32, #tpu.memory_space<hbm>>) target(%dma_start3A_11 : memref<512xi32, #tpu.memory_space<vmem>>) target_semaphore(%arg10 : memref<!tpu.dma_semaphore, #tpu.memory_space<semaphore_mem>>)
    %add3A_13 = arith.constant 16384 : i32
    %add3A_14 = arith.addi %add3A_13, %mul3A_2 : i32
    %dma_start3A_15 = arith.constant 1 : i32
    %dma_start3A_16 = arith.constant 0 : i32
    %dma_start3A_17 = tpu.memref_slice %arg8[%dma_start3A_15, %dma_start3A_16] : memref<4x512xi32, #tpu.memory_space<vmem>> -> memref<1x512xi32, #tpu.memory_space<vmem>>
    %dma_start3A_18 = tpu.memref_squeeze %dma_start3A_17 : memref<1x512xi32, #tpu.memory_space<vmem>> -> memref<512xi32, #tpu.memory_space<vmem>>
    %dma_start3A_19 = tpu.memref_slice %arg2[%add3A_14] : memref<65536xi32, #tpu.memory_space<hbm>> -> memref<512xi32, #tpu.memory_space<hbm>>
    %dma_start3A_20 = arith.constant 0 : i32
    %dma_start3A_21 = tpu.memref_slice %arg8[%dma_start3A_15, %dma_start3A_20] : memref<4x512xi32, #tpu.memory_space<vmem>> -> memref<1x512xi32, #tpu.memory_space<vmem>>
    %dma_start3A_22 = tpu.memref_squeeze %dma_start3A_21 : memref<1x512xi32, #tpu.memory_space<vmem>> -> memref<512xi32, #tpu.memory_space<vmem>>
    %dma_start3A_23 = tpu.memref_slice %arg2[%add3A_14] : memref<65536xi32, #tpu.memory_space<hbm>> -> memref<512xi32, #tpu.memory_space<hbm>>
    tpu.enqueue_dma source(%dma_start3A_23 : memref<512xi32, #tpu.memory_space<hbm>>) target(%dma_start3A_22 : memref<512xi32, #tpu.memory_space<vmem>>) target_semaphore(%arg10 : memref<!tpu.dma_semaphore, #tpu.memory_space<semaphore_mem>>)
    %add3A_24 = arith.constant 32768 : i32
    %add3A_25 = arith.addi %add3A_24, %mul3A_2 : i32
    %dma_start3A_26 = arith.constant 2 : i32
    %dma_start3A_27 = arith.constant 0 : i32
    %dma_start3A_28 = tpu.memref_slice %arg8[%dma_start3A_26, %dma_start3A_27] : memref<4x512xi32, #tpu.memory_space<vmem>> -> memref<1x512xi32, #tpu.memory_space<vmem>>
    %dma_start3A_29 = tpu.memref_squeeze %dma_start3A_28 : memref<1x512xi32, #tpu.memory_space<vmem>> -> memref<512xi32, #tpu.memory_space<vmem>>
    %dma_start3A_30 = tpu.memref_slice %arg2[%add3A_25] : memref<65536xi32, #tpu.memory_space<hbm>> -> memref<512xi32, #tpu.memory_space<hbm>>
    %dma_start3A_31 = arith.constant 0 : i32
    %dma_start3A_32 = tpu.memref_slice %arg8[%dma_start3A_26, %dma_start3A_31] : memref<4x512xi32, #tpu.memory_space<vmem>> -> memref<1x512xi32, #tpu.memory_space<vmem>>
    %dma_start3A_33 = tpu.memref_squeeze %dma_start3A_32 : memref<1x512xi32, #tpu.memory_space<vmem>> -> memref<512xi32, #tpu.memory_space<vmem>>
    %dma_start3A_34 = tpu.memref_slice %arg2[%add3A_25] : memref<65536xi32, #tpu.memory_space<hbm>> -> memref<512xi32, #tpu.memory_space<hbm>>
    tpu.enqueue_dma source(%dma_start3A_34 : memref<512xi32, #tpu.memory_space<hbm>>) target(%dma_start3A_33 : memref<512xi32, #tpu.memory_space<vmem>>) target_semaphore(%arg10 : memref<!tpu.dma_semaphore, #tpu.memory_space<semaphore_mem>>)
    %add3A_35 = arith.constant 49152 : i32
    %add3A_36 = arith.addi %add3A_35, %mul3A_2 : i32
    %dma_start3A_37 = arith.constant 3 : i32
    %dma_start3A_38 = arith.constant 0 : i32
    %dma_start3A_39 = tpu.memref_slice %arg8[%dma_start3A_37, %dma_start3A_38] : memref<4x512xi32, #tpu.memory_space<vmem>> -> memref<1x512xi32, #tpu.memory_space<vmem>>
    %dma_start3A_40 = tpu.memref_squeeze %dma_start3A_39 : memref<1x512xi32, #tpu.memory_space<vmem>> -> memref<512xi32, #tpu.memory_space<vmem>>
    %dma_start3A_41 = tpu.memref_slice %arg2[%add3A_36] : memref<65536xi32, #tpu.memory_space<hbm>> -> memref<512xi32, #tpu.memory_space<hbm>>
    %dma_start3A_42 = arith.constant 0 : i32
    %dma_start3A_43 = tpu.memref_slice %arg8[%dma_start3A_37, %dma_start3A_42] : memref<4x512xi32, #tpu.memory_space<vmem>> -> memref<1x512xi32, #tpu.memory_space<vmem>>
    %dma_start3A_44 = tpu.memref_squeeze %dma_start3A_43 : memref<1x512xi32, #tpu.memory_space<vmem>> -> memref<512xi32, #tpu.memory_space<vmem>>
    %dma_start3A_45 = tpu.memref_slice %arg2[%add3A_36] : memref<65536xi32, #tpu.memory_space<hbm>> -> memref<512xi32, #tpu.memory_space<hbm>>
    tpu.enqueue_dma source(%dma_start3A_45 : memref<512xi32, #tpu.memory_space<hbm>>) target(%dma_start3A_44 : memref<512xi32, #tpu.memory_space<vmem>>) target_semaphore(%arg10 : memref<!tpu.dma_semaphore, #tpu.memory_space<semaphore_mem>>)
    %dma_wait3A = arith.constant 0 : i32
    %dma_wait3A_46 = arith.constant 0 : i32
    %dma_wait3A_47 = tpu.memref_slice %arg8[%dma_wait3A, %dma_wait3A_46] : memref<4x512xi32, #tpu.memory_space<vmem>> -> memref<1x512xi32, #tpu.memory_space<vmem>>
    %dma_wait3A_48 = tpu.memref_squeeze %dma_wait3A_47 : memref<1x512xi32, #tpu.memory_space<vmem>> -> memref<512xi32, #tpu.memory_space<vmem>>
    %dma_wait3A_49 = tpu.memref_slice %arg2[%add3A_4] : memref<65536xi32, #tpu.memory_space<hbm>> -> memref<512xi32, #tpu.memory_space<hbm>>
    %dma_wait3A_50 = arith.constant 0 : i32
    %dma_wait3A_51 = tpu.memref_slice %arg8[%dma_wait3A, %dma_wait3A_50] : memref<4x512xi32, #tpu.memory_space<vmem>> -> memref<1x512xi32, #tpu.memory_space<vmem>>
    %dma_wait3A_52 = tpu.memref_squeeze %dma_wait3A_51 : memref<1x512xi32, #tpu.memory_space<vmem>> -> memref<512xi32, #tpu.memory_space<vmem>>
    %dma_wait3A_53 = tpu.memref_slice %arg2[%add3A_4] : memref<65536xi32, #tpu.memory_space<hbm>> -> memref<512xi32, #tpu.memory_space<hbm>>
    tpu.wait_dma2 semaphore(%arg10 : memref<!tpu.dma_semaphore, #tpu.memory_space<semaphore_mem>>) src(%dma_wait3A_53 : memref<512xi32, #tpu.memory_space<hbm>>) dst(%dma_wait3A_52 : memref<512xi32, #tpu.memory_space<vmem>>)
    %dma_wait3A_54 = arith.constant 1 : i32
    %dma_wait3A_55 = arith.constant 0 : i32
    %dma_wait3A_56 = tpu.memref_slice %arg8[%dma_wait3A_54, %dma_wait3A_55] : memref<4x512xi32, #tpu.memory_space<vmem>> -> memref<1x512xi32, #tpu.memory_space<vmem>>
    %dma_wait3A_57 = tpu.memref_squeeze %dma_wait3A_56 : memref<1x512xi32, #tpu.memory_space<vmem>> -> memref<512xi32, #tpu.memory_space<vmem>>
    %dma_wait3A_58 = tpu.memref_slice %arg2[%add3A_14] : memref<65536xi32, #tpu.memory_space<hbm>> -> memref<512xi32, #tpu.memory_space<hbm>>
    %dma_wait3A_59 = arith.constant 0 : i32
    %dma_wait3A_60 = tpu.memref_slice %arg8[%dma_wait3A_54, %dma_wait3A_59] : memref<4x512xi32, #tpu.memory_space<vmem>> -> memref<1x512xi32, #tpu.memory_space<vmem>>
    %dma_wait3A_61 = tpu.memref_squeeze %dma_wait3A_60 : memref<1x512xi32, #tpu.memory_space<vmem>> -> memref<512xi32, #tpu.memory_space<vmem>>
    %dma_wait3A_62 = tpu.memref_slice %arg2[%add3A_14] : memref<65536xi32, #tpu.memory_space<hbm>> -> memref<512xi32, #tpu.memory_space<hbm>>
    tpu.wait_dma2 semaphore(%arg10 : memref<!tpu.dma_semaphore, #tpu.memory_space<semaphore_mem>>) src(%dma_wait3A_62 : memref<512xi32, #tpu.memory_space<hbm>>) dst(%dma_wait3A_61 : memref<512xi32, #tpu.memory_space<vmem>>)
    %dma_wait3A_63 = arith.constant 2 : i32
    %dma_wait3A_64 = arith.constant 0 : i32
    %dma_wait3A_65 = tpu.memref_slice %arg8[%dma_wait3A_63, %dma_wait3A_64] : memref<4x512xi32, #tpu.memory_space<vmem>> -> memref<1x512xi32, #tpu.memory_space<vmem>>
    %dma_wait3A_66 = tpu.memref_squeeze %dma_wait3A_65 : memref<1x512xi32, #tpu.memory_space<vmem>> -> memref<512xi32, #tpu.memory_space<vmem>>
    %dma_wait3A_67 = tpu.memref_slice %arg2[%add3A_25] : memref<65536xi32, #tpu.memory_space<hbm>> -> memref<512xi32, #tpu.memory_space<hbm>>
    %dma_wait3A_68 = arith.constant 0 : i32
    %dma_wait3A_69 = tpu.memref_slice %arg8[%dma_wait3A_63, %dma_wait3A_68] : memref<4x512xi32, #tpu.memory_space<vmem>> -> memref<1x512xi32, #tpu.memory_space<vmem>>
    %dma_wait3A_70 = tpu.memref_squeeze %dma_wait3A_69 : memref<1x512xi32, #tpu.memory_space<vmem>> -> memref<512xi32, #tpu.memory_space<vmem>>
    %dma_wait3A_71 = tpu.memref_slice %arg2[%add3A_25] : memref<65536xi32, #tpu.memory_space<hbm>> -> memref<512xi32, #tpu.memory_space<hbm>>
    tpu.wait_dma2 semaphore(%arg10 : memref<!tpu.dma_semaphore, #tpu.memory_space<semaphore_mem>>) src(%dma_wait3A_71 : memref<512xi32, #tpu.memory_space<hbm>>) dst(%dma_wait3A_70 : memref<512xi32, #tpu.memory_space<vmem>>)
    %dma_wait3A_72 = arith.constant 3 : i32
    %dma_wait3A_73 = arith.constant 0 : i32
    %dma_wait3A_74 = tpu.memref_slice %arg8[%dma_wait3A_72, %dma_wait3A_73] : memref<4x512xi32, #tpu.memory_space<vmem>> -> memref<1x512xi32, #tpu.memory_space<vmem>>
    %dma_wait3A_75 = tpu.memref_squeeze %dma_wait3A_74 : memref<1x512xi32, #tpu.memory_space<vmem>> -> memref<512xi32, #tpu.memory_space<vmem>>
    %dma_wait3A_76 = tpu.memref_slice %arg2[%add3A_36] : memref<65536xi32, #tpu.memory_space<hbm>> -> memref<512xi32, #tpu.memory_space<hbm>>
    %dma_wait3A_77 = arith.constant 0 : i32
    %dma_wait3A_78 = tpu.memref_slice %arg8[%dma_wait3A_72, %dma_wait3A_77] : memref<4x512xi32, #tpu.memory_space<vmem>> -> memref<1x512xi32, #tpu.memory_space<vmem>>
    %dma_wait3A_79 = tpu.memref_squeeze %dma_wait3A_78 : memref<1x512xi32, #tpu.memory_space<vmem>> -> memref<512xi32, #tpu.memory_space<vmem>>
    %dma_wait3A_80 = tpu.memref_slice %arg2[%add3A_36] : memref<65536xi32, #tpu.memory_space<hbm>> -> memref<512xi32, #tpu.memory_space<hbm>>
    tpu.wait_dma2 semaphore(%arg10 : memref<!tpu.dma_semaphore, #tpu.memory_space<semaphore_mem>>) src(%dma_wait3A_80 : memref<512xi32, #tpu.memory_space<hbm>>) dst(%dma_wait3A_79 : memref<512xi32, #tpu.memory_space<vmem>>)
    %scan3A = arith.constant 0 : i32
    %scan3A_81 = arith.constant 0 : i32
    %scan3A_82 = arith.constant 32 : i32
    %scan3A_83 = arith.addi %scan3A_81, %scan3A_82 : i32
    %scan3A_84 = arith.constant 1 : i32
    %scan3A_85 = scf.for %scan3A_140 = %scan3A_81 to %scan3A_83 step %scan3A_84 iter_args(%scan3A_141 = %scan3A) -> (i32)  : i32 {
      %mul3A_142 = arith.constant 16 : i32
      %mul3A_143 = arith.muli %scan3A_140, %mul3A_142 : i32
      %get3A = arith.constant 0 : i32
      %get3A_144 = arith.index_cast %get3A : i32 to index
      %get3A_145 = arith.index_cast %mul3A_143 : i32 to index
      %get3A_146 = tpu.vector_load %arg8[%get3A_144, %get3A_145] {strides = array<i32>} : memref<4x512xi32, #tpu.memory_space<vmem>>, vector<1x16xi32>,
      %get3A_147 = vector.shape_cast %get3A_146 : vector<1x16xi32> to vector<16xi32>
      %shift_right_logical3A = arith.constant 3 : i32
      %shift_right_logical3A_148 = vector.broadcast %shift_right_logical3A : i32 to vector<16xi32>
      %shift_right_logical3A_149 = arith.shrui %get3A_147, %shift_right_logical3A_148 : vector<16xi32>
      %and3A = arith.constant 7 : i32
      %and3A_150 = vector.broadcast %and3A : i32 to vector<16xi32>
      %and3A_151 = arith.andi %get3A_147, %and3A_150 : vector<16xi32>
      %slice3A = vector.extract_strided_slice %shift_right_logical3A_149 {offsets = [0], sizes = [1], strides = [1]} : vector<16xi32> to vector<1xi32>
      %squeeze3A = vector.extract %slice3A[0] : i32 from vector<1xi32>
      %slice3A_152 = vector.extract_strided_slice %and3A_151 {offsets = [0], sizes = [1], strides = [1]} : vector<16xi32> to vector<1xi32>
      %squeeze3A_153 = vector.extract %slice3A_152[0] : i32 from vector<1xi32>
      %mul3A_154 = arith.constant 16 : i32
      %mul3A_155 = arith.muli %scan3A_140, %mul3A_154 : i32
      %add3A_156 = arith.constant 0 : i32
      %add3A_157 = arith.addi %mul3A_155, %add3A_156 : i32
      %dma_start3A_158 = arith.constant 0 : i32
      %dma_start3A_159 = tpu.memref_slice %arg9[%add3A_157, %dma_start3A_158] : memref<512x64xf32, #tpu.memory_space<vmem>> -> memref<1x64xf32, #tpu.memory_space<vmem>>
      %dma_start3A_160 = arith.constant 0 : i32
      %dma_start3A_161 = tpu.memref_slice %arg3[%squeeze3A, %squeeze3A_153, %dma_start3A_160] : memref<12500x8x64xf32, #tpu.memory_space<hbm>> -> memref<1x1x64xf32, #tpu.memory_space<hbm>>
      %dma_start3A_162 = tpu.memref_squeeze %dma_start3A_161 : memref<1x1x64xf32, #tpu.memory_space<hbm>> -> memref<1x64xf32, #tpu.memory_space<hbm>>
      %dma_start3A_163 = arith.constant 0 : i32
      %dma_start3A_164 = tpu.memref_slice %arg9[%add3A_157, %dma_start3A_163] : memref<512x64xf32, #tpu.memory_space<vmem>> -> memref<1x64xf32, #tpu.memory_space<vmem>>
      %dma_start3A_165 = arith.constant 0 : i32
      %dma_start3A_166 = tpu.memref_slice %arg3[%squeeze3A, %squeeze3A_153, %dma_start3A_165] : memref<12500x8x64xf32, #tpu.memory_space<hbm>> -> memref<1x1x64xf32, #tpu.memory_space<hbm>>
      %dma_start3A_167 = tpu.memref_squeeze %dma_start3A_166 : memref<1x1x64xf32, #tpu.memory_space<hbm>> -> memref<1x64xf32, #tpu.memory_space<hbm>>
      tpu.enqueue_dma source(%dma_start3A_167 : memref<1x64xf32, #tpu.memory_space<hbm>>) target(%dma_start3A_164 : memref<1x64xf32, #tpu.memory_space<vmem>>) target_semaphore(%arg10 : memref<!tpu.dma_semaphore, #tpu.memory_space<semaphore_mem>>)
      %slice3A_168 = vector.extract_strided_slice %shift_right_logical3A_149 {offsets = [1], sizes = [1], strides = [1]} : vector<16xi32> to vector<1xi32>
      %squeeze3A_169 = vector.extract %slice3A_168[0] : i32 from vector<1xi32>
      %slice3A_170 = vector.extract_strided_slice %and3A_151 {offsets = [1], sizes = [1], strides = [1]} : vector<16xi32> to vector<1xi32>
      %squeeze3A_171 = vector.extract %slice3A_170[0] : i32 from vector<1xi32>
      %mul3A_172 = arith.constant 16 : i32
      %mul3A_173 = arith.muli %scan3A_140, %mul3A_172 : i32
      %add3A_174 = arith.constant 1 : i32
      %add3A_175 = arith.addi %mul3A_173, %add3A_174 : i32
      %dma_start3A_176 = arith.constant 0 : i32
      %dma_start3A_177 = tpu.memref_slice %arg9[%add3A_175, %dma_start3A_176] : memref<512x64xf32, #tpu.memory_space<vmem>> -> memref<1x64xf32, #tpu.memory_space<vmem>>
      %dma_start3A_178 = arith.constant 0 : i32
      %dma_start3A_179 = tpu.memref_slice %arg3[%squeeze3A_169, %squeeze3A_171, %dma_start3A_178] : memref<12500x8x64xf32, #tpu.memory_space<hbm>> -> memref<1x1x64xf32, #tpu.memory_space<hbm>>
      %dma_start3A_180 = tpu.memref_squeeze %dma_start3A_179 : memref<1x1x64xf32, #tpu.memory_space<hbm>> -> memref<1x64xf32, #tpu.memory_space<hbm>>
      %dma_start3A_181 = arith.constant 0 : i32
      %dma_start3A_182 = tpu.memref_slice %arg9[%add3A_175, %dma_start3A_181] : memref<512x64xf32, #tpu.memory_space<vmem>> -> memref<1x64xf32, #tpu.memory_space<vmem>>
      %dma_start3A_183 = arith.constant 0 : i32
      %dma_start3A_184 = tpu.memref_slice %arg3[%squeeze3A_169, %squeeze3A_171, %dma_start3A_183] : memref<12500x8x64xf32, #tpu.memory_space<hbm>> -> memref<1x1x64xf32, #tpu.memory_space<hbm>>
      %dma_start3A_185 = tpu.memref_squeeze %dma_start3A_184 : memref<1x1x64xf32, #tpu.memory_space<hbm>> -> memref<1x64xf32, #tpu.memory_space<hbm>>
      tpu.enqueue_dma source(%dma_start3A_185 : memref<1x64xf32, #tpu.memory_space<hbm>>) target(%dma_start3A_182 : memref<1x64xf32, #tpu.memory_space<vmem>>) target_semaphore(%arg10 : memref<!tpu.dma_semaphore, #tpu.memory_space<semaphore_mem>>)
      %slice3A_186 = vector.extract_strided_slice %shift_right_logical3A_149 {offsets = [2], sizes = [1], strides = [1]} : vector<16xi32> to vector<1xi32>
      %squeeze3A_187 = vector.extract %slice3A_186[0] : i32 from vector<1xi32>
      %slice3A_188 = vector.extract_strided_slice %and3A_151 {offsets = [2], sizes = [1], strides = [1]} : vector<16xi32> to vector<1xi32>
      %squeeze3A_189 = vector.extract %slice3A_188[0] : i32 from vector<1xi32>
      %mul3A_190 = arith.constant 16 : i32
      %mul3A_191 = arith.muli %scan3A_140, %mul3A_190 : i32
      %add3A_192 = arith.constant 2 : i32
      %add3A_193 = arith.addi %mul3A_191, %add3A_192 : i32
      %dma_start3A_194 = arith.constant 0 : i32
      %dma_start3A_195 = tpu.memref_slice %arg9[%add3A_193, %dma_start3A_194] : memref<512x64xf32, #tpu.memory_space<vmem>> -> memref<1x64xf32, #tpu.memory_space<vmem>>
      %dma_start3A_196 = arith.constant 0 : i32
      %dma_start3A_197 = tpu.memref_slice %arg3[%squeeze3A_187, %squeeze3A_189, %dma_start3A_196] : memref<12500x8x64xf32, #tpu.memory_space<hbm>> -> memref<1x1x64xf32, #tpu.memory_space<hbm>>
      %dma_start3A_198 = tpu.memref_squeeze %dma_start3A_197 : memref<1x1x64xf32, #tpu.memory_space<hbm>> -> memref<1x64xf32, #tpu.memory_space<hbm>>
      %dma_start3A_199 = arith.constant 0 : i32
      %dma_start3A_200 = tpu.memref_slice %arg9[%add3A_193, %dma_start3A_199] : memref<512x64xf32, #tpu.memory_space<vmem>> -> memref<1x64xf32, #tpu.memory_space<vmem>>
      %dma_start3A_201 = arith.constant 0 : i32
      %dma_start3A_202 = tpu.memref_slice %arg3[%squeeze3A_187, %squeeze3A_189, %dma_start3A_201] : memref<12500x8x64xf32, #tpu.memory_space<hbm>> -> memref<1x1x64xf32, #tpu.memory_space<hbm>>
      %dma_start3A_203 = tpu.memref_squeeze %dma_start3A_202 : memref<1x1x64xf32, #tpu.memory_space<hbm>> -> memref<1x64xf32, #tpu.memory_space<hbm>>
      tpu.enqueue_dma source(%dma_start3A_203 : memref<1x64xf32, #tpu.memory_space<hbm>>) target(%dma_start3A_200 : memref<1x64xf32, #tpu.memory_space<vmem>>) target_semaphore(%arg10 : memref<!tpu.dma_semaphore, #tpu.memory_space<semaphore_mem>>)
      %slice3A_204 = vector.extract_strided_slice %shift_right_logical3A_149 {offsets = [3], sizes = [1], strides = [1]} : vector<16xi32> to vector<1xi32>
      %squeeze3A_205 = vector.extract %slice3A_204[0] : i32 from vector<1xi32>
      %slice3A_206 = vector.extract_strided_slice %and3A_151 {offsets = [3], sizes = [1], strides = [1]} : vector<16xi32> to vector<1xi32>
      %squeeze3A_207 = vector.extract %slice3A_206[0] : i32 from vector<1xi32>
      %mul3A_208 = arith.constant 16 : i32
      %mul3A_209 = arith.muli %scan3A_140, %mul3A_208 : i32
      %add3A_210 = arith.constant 3 : i32
      %add3A_211 = arith.addi %mul3A_209, %add3A_210 : i32
      %dma_start3A_212 = arith.constant 0 : i32
      %dma_start3A_213 = tpu.memref_slice %arg9[%add3A_211, %dma_start3A_212] : memref<512x64xf32, #tpu.memory_space<vmem>> -> memref<1x64xf32, #tpu.memory_space<vmem>>
      %dma_start3A_214 = arith.constant 0 : i32
      %dma_start3A_215 = tpu.memref_slice %arg3[%squeeze3A_205, %squeeze3A_207, %dma_start3A_214] : memref<12500x8x64xf32, #tpu.memory_space<hbm>> -> memref<1x1x64xf32, #tpu.memory_space<hbm>>
      %dma_start3A_216 = tpu.memref_squeeze %dma_start3A_215 : memref<1x1x64xf32, #tpu.memory_space<hbm>> -> memref<1x64xf32, #tpu.memory_space<hbm>>
      %dma_start3A_217 = arith.constant 0 : i32
      %dma_start3A_218 = tpu.memref_slice %arg9[%add3A_211, %dma_start3A_217] : memref<512x64xf32, #tpu.memory_space<vmem>> -> memref<1x64xf32, #tpu.memory_space<vmem>>
      %dma_start3A_219 = arith.constant 0 : i32
      %dma_start3A_220 = tpu.memref_slice %arg3[%squeeze3A_205, %squeeze3A_207, %dma_start3A_219] : memref<12500x8x64xf32, #tpu.memory_space<hbm>> -> memref<1x1x64xf32, #tpu.memory_space<hbm>>
      %dma_start3A_221 = tpu.memref_squeeze %dma_start3A_220 : memref<1x1x64xf32, #tpu.memory_space<hbm>> -> memref<1x64xf32, #tpu.memory_space<hbm>>
      tpu.enqueue_dma source(%dma_start3A_221 : memref<1x64xf32, #tpu.memory_space<hbm>>) target(%dma_start3A_218 : memref<1x64xf32, #tpu.memory_space<vmem>>) target_semaphore(%arg10 : memref<!tpu.dma_semaphore, #tpu.memory_space<semaphore_mem>>)
      %slice3A_222 = vector.extract_strided_slice %shift_right_logical3A_149 {offsets = [4], sizes = [1], strides = [1]} : vector<16xi32> to vector<1xi32>
      %squeeze3A_223 = vector.extract %slice3A_222[0] : i32 from vector<1xi32>
      %slice3A_224 = vector.extract_strided_slice %and3A_151 {offsets = [4], sizes = [1], strides = [1]} : vector<16xi32> to vector<1xi32>
      %squeeze3A_225 = vector.extract %slice3A_224[0] : i32 from vector<1xi32>
      %mul3A_226 = arith.constant 16 : i32
      %mul3A_227 = arith.muli %scan3A_140, %mul3A_226 : i32
      %add3A_228 = arith.constant 4 : i32
      %add3A_229 = arith.addi %mul3A_227, %add3A_228 : i32
      %dma_start3A_230 = arith.constant 0 : i32
      %dma_start3A_231 = tpu.memref_slice %arg9[%add3A_229, %dma_start3A_230] : memref<512x64xf32, #tpu.memory_space<vmem>> -> memref<1x64xf32, #tpu.memory_space<vmem>>
      %dma_start3A_232 = arith.constant 0 : i32
      %dma_start3A_233 = tpu.memref_slice %arg3[%squeeze3A_223, %squeeze3A_225, %dma_start3A_232] : memref<12500x8x64xf32, #tpu.memory_space<hbm>> -> memref<1x1x64xf32, #tpu.memory_space<hbm>>
      %dma_start3A_234 = tpu.memref_squeeze %dma_start3A_233 : memref<1x1x64xf32, #tpu.memory_space<hbm>> -> memref<1x64xf32, #tpu.memory_space<hbm>>
      %dma_start3A_235 = arith.constant 0 : i32
      %dma_start3A_236 = tpu.memref_slice %arg9[%add3A_229, %dma_start3A_235] : memref<512x64xf32, #tpu.memory_space<vmem>> -> memref<1x64xf32, #tpu.memory_space<vmem>>
      %dma_start3A_237 = arith.constant 0 : i32
      %dma_start3A_238 = tpu.memref_slice %arg3[%squeeze3A_223, %squeeze3A_225, %dma_start3A_237] : memref<12500x8x64xf32, #tpu.memory_space<hbm>> -> memref<1x1x64xf32, #tpu.memory_space<hbm>>
      %dma_start3A_239 = tpu.memref_squeeze %dma_start3A_238 : memref<1x1x64xf32, #tpu.memory_space<hbm>> -> memref<1x64xf32, #tpu.memory_space<hbm>>
      tpu.enqueue_dma source(%dma_start3A_239 : memref<1x64xf32, #tpu.memory_space<hbm>>) target(%dma_start3A_236 : memref<1x64xf32, #tpu.memory_space<vmem>>) target_semaphore(%arg10 : memref<!tpu.dma_semaphore, #tpu.memory_space<semaphore_mem>>)
      %slice3A_240 = vector.extract_strided_slice %shift_right_logical3A_149 {offsets = [5], sizes = [1], strides = [1]} : vector<16xi32> to vector<1xi32>
      %squeeze3A_241 = vector.extract %slice3A_240[0] : i32 from vector<1xi32>
      %slice3A_242 = vector.extract_strided_slice %and3A_151 {offsets = [5], sizes = [1], strides = [1]} : vector<16xi32> to vector<1xi32>
      %squeeze3A_243 = vector.extract %slice3A_242[0] : i32 from vector<1xi32>
      %mul3A_244 = arith.constant 16 : i32
      %mul3A_245 = arith.muli %scan3A_140, %mul3A_244 : i32
      %add3A_246 = arith.constant 5 : i32
      %add3A_247 = arith.addi %mul3A_245, %add3A_246 : i32
      %dma_start3A_248 = arith.constant 0 : i32
      %dma_start3A_249 = tpu.memref_slice %arg9[%add3A_247, %dma_start3A_248] : memref<512x64xf32, #tpu.memory_space<vmem>> -> memref<1x64xf32, #tpu.memory_space<vmem>>
      %dma_start3A_250 = arith.constant 0 : i32
      %dma_start3A_251 = tpu.memref_slice %arg3[%squeeze3A_241, %squeeze3A_243, %dma_start3A_250] : memref<12500x8x64xf32, #tpu.memory_space<hbm>> -> memref<1x1x64xf32, #tpu.memory_space<hbm>>
      %dma_start3A_252 = tpu.memref_squeeze %dma_start3A_251 : memref<1x1x64xf32, #tpu.memory_space<hbm>> -> memref<1x64xf32, #tpu.memory_space<hbm>>
      %dma_start3A_253 = arith.constant 0 : i32
      %dma_start3A_254 = tpu.memref_slice %arg9[%add3A_247, %dma_start3A_253] : memref<512x64xf32, #tpu.memory_space<vmem>> -> memref<1x64xf32, #tpu.memory_space<vmem>>
      %dma_start3A_255 = arith.constant 0 : i32
      %dma_start3A_256 = tpu.memref_slice %arg3[%squeeze3A_241, %squeeze3A_243, %dma_start3A_255] : memref<12500x8x64xf32, #tpu.memory_space<hbm>> -> memref<1x1x64xf32, #tpu.memory_space<hbm>>
      %dma_start3A_257 = tpu.memref_squeeze %dma_start3A_256 : memref<1x1x64xf32, #tpu.memory_space<hbm>> -> memref<1x64xf32, #tpu.memory_space<hbm>>
      tpu.enqueue_dma source(%dma_start3A_257 : memref<1x64xf32, #tpu.memory_space<hbm>>) target(%dma_start3A_254 : memref<1x64xf32, #tpu.memory_space<vmem>>) target_semaphore(%arg10 : memref<!tpu.dma_semaphore, #tpu.memory_space<semaphore_mem>>)
      %slice3A_258 = vector.extract_strided_slice %shift_right_logical3A_149 {offsets = [6], sizes = [1], strides = [1]} : vector<16xi32> to vector<1xi32>
      %squeeze3A_259 = vector.extract %slice3A_258[0] : i32 from vector<1xi32>
      %slice3A_260 = vector.extract_strided_slice %and3A_151 {offsets = [6], sizes = [1], strides = [1]} : vector<16xi32> to vector<1xi32>
      %squeeze3A_261 = vector.extract %slice3A_260[0] : i32 from vector<1xi32>
      %mul3A_262 = arith.constant 16 : i32
      %mul3A_263 = arith.muli %scan3A_140, %mul3A_262 : i32
      %add3A_264 = arith.constant 6 : i32
      %add3A_265 = arith.addi %mul3A_263, %add3A_264 : i32
      %dma_start3A_266 = arith.constant 0 : i32
      %dma_start3A_267 = tpu.memref_slice %arg9[%add3A_265, %dma_start3A_266] : memref<512x64xf32, #tpu.memory_space<vmem>> -> memref<1x64xf32, #tpu.memory_space<vmem>>
      %dma_start3A_268 = arith.constant 0 : i32
      %dma_start3A_269 = tpu.memref_slice %arg3[%squeeze3A_259, %squeeze3A_261, %dma_start3A_268] : memref<12500x8x64xf32, #tpu.memory_space<hbm>> -> memref<1x1x64xf32, #tpu.memory_space<hbm>>
      %dma_start3A_270 = tpu.memref_squeeze %dma_start3A_269 : memref<1x1x64xf32, #tpu.memory_space<hbm>> -> memref<1x64xf32, #tpu.memory_space<hbm>>
      %dma_start3A_271 = arith.constant 0 : i32
      %dma_start3A_272 = tpu.memref_slice %arg9[%add3A_265, %dma_start3A_271] : memref<512x64xf32, #tpu.memory_space<vmem>> -> memref<1x64xf32, #tpu.memory_space<vmem>>
      %dma_start3A_273 = arith.constant 0 : i32
      %dma_start3A_274 = tpu.memref_slice %arg3[%squeeze3A_259, %squeeze3A_261, %dma_start3A_273] : memref<12500x8x64xf32, #tpu.memory_space<hbm>> -> memref<1x1x64xf32, #tpu.memory_space<hbm>>
      %dma_start3A_275 = tpu.memref_squeeze %dma_start3A_274 : memref<1x1x64xf32, #tpu.memory_space<hbm>> -> memref<1x64xf32, #tpu.memory_space<hbm>>
      tpu.enqueue_dma source(%dma_start3A_275 : memref<1x64xf32, #tpu.memory_space<hbm>>) target(%dma_start3A_272 : memref<1x64xf32, #tpu.memory_space<vmem>>) target_semaphore(%arg10 : memref<!tpu.dma_semaphore, #tpu.memory_space<semaphore_mem>>)
      %slice3A_276 = vector.extract_strided_slice %shift_right_logical3A_149 {offsets = [7], sizes = [1], strides = [1]} : vector<16xi32> to vector<1xi32>
      %squeeze3A_277 = vector.extract %slice3A_276[0] : i32 from vector<1xi32>
      %slice3A_278 = vector.extract_strided_slice %and3A_151 {offsets = [7], sizes = [1], strides = [1]} : vector<16xi32> to vector<1xi32>
      %squeeze3A_279 = vector.extract %slice3A_278[0] : i32 from vector<1xi32>
      %mul3A_280 = arith.constant 16 : i32
      %mul3A_281 = arith.muli %scan3A_140, %mul3A_280 : i32
      %add3A_282 = arith.constant 7 : i32
      %add3A_283 = arith.addi %mul3A_281, %add3A_282 : i32
      %dma_start3A_284 = arith.constant 0 : i32
      %dma_start3A_285 = tpu.memref_slice %arg9[%add3A_283, %dma_start3A_284] : memref<512x64xf32, #tpu.memory_space<vmem>> -> memref<1x64xf32, #tpu.memory_space<vmem>>
      %dma_start3A_286 = arith.constant 0 : i32
      %dma_start3A_287 = tpu.memref_slice %arg3[%squeeze3A_277, %squeeze3A_279, %dma_start3A_286] : memref<12500x8x64xf32, #tpu.memory_space<hbm>> -> memref<1x1x64xf32, #tpu.memory_space<hbm>>
      %dma_start3A_288 = tpu.memref_squeeze %dma_start3A_287 : memref<1x1x64xf32, #tpu.memory_space<hbm>> -> memref<1x64xf32, #tpu.memory_space<hbm>>
      %dma_start3A_289 = arith.constant 0 : i32
      %dma_start3A_290 = tpu.memref_slice %arg9[%add3A_283, %dma_start3A_289] : memref<512x64xf32, #tpu.memory_space<vmem>> -> memref<1x64xf32, #tpu.memory_space<vmem>>
      %dma_start3A_291 = arith.constant 0 : i32
      %dma_start3A_292 = tpu.memref_slice %arg3[%squeeze3A_277, %squeeze3A_279, %dma_start3A_291] : memref<12500x8x64xf32, #tpu.memory_space<hbm>> -> memref<1x1x64xf32, #tpu.memory_space<hbm>>
      %dma_start3A_293 = tpu.memref_squeeze %dma_start3A_292 : memref<1x1x64xf32, #tpu.memory_space<hbm>> -> memref<1x64xf32, #tpu.memory_space<hbm>>
      tpu.enqueue_dma source(%dma_start3A_293 : memref<1x64xf32, #tpu.memory_space<hbm>>) target(%dma_start3A_290 : memref<1x64xf32, #tpu.memory_space<vmem>>) target_semaphore(%arg10 : memref<!tpu.dma_semaphore, #tpu.memory_space<semaphore_mem>>)
      %slice3A_294 = vector.extract_strided_slice %shift_right_logical3A_149 {offsets = [8], sizes = [1], strides = [1]} : vector<16xi32> to vector<1xi32>
      %squeeze3A_295 = vector.extract %slice3A_294[0] : i32 from vector<1xi32>
      %slice3A_296 = vector.extract_strided_slice %and3A_151 {offsets = [8], sizes = [1], strides = [1]} : vector<16xi32> to vector<1xi32>
      %squeeze3A_297 = vector.extract %slice3A_296[0] : i32 from vector<1xi32>
      %mul3A_298 = arith.constant 16 : i32
      %mul3A_299 = arith.muli %scan3A_140, %mul3A_298 : i32
      %add3A_300 = arith.constant 8 : i32
      %add3A_301 = arith.addi %mul3A_299, %add3A_300 : i32
      %dma_start3A_302 = arith.constant 0 : i32
      %dma_start3A_303 = tpu.memref_slice %arg9[%add3A_301, %dma_start3A_302] : memref<512x64xf32, #tpu.memory_space<vmem>> -> memref<1x64xf32, #tpu.memory_space<vmem>>
      %dma_start3A_304 = arith.constant 0 : i32
      %dma_start3A_305 = tpu.memref_slice %arg3[%squeeze3A_295, %squeeze3A_297, %dma_start3A_304] : memref<12500x8x64xf32, #tpu.memory_space<hbm>> -> memref<1x1x64xf32, #tpu.memory_space<hbm>>
      %dma_start3A_306 = tpu.memref_squeeze %dma_start3A_305 : memref<1x1x64xf32, #tpu.memory_space<hbm>> -> memref<1x64xf32, #tpu.memory_space<hbm>>
      %dma_start3A_307 = arith.constant 0 : i32
      %dma_start3A_308 = tpu.memref_slice %arg9[%add3A_301, %dma_start3A_307] : memref<512x64xf32, #tpu.memory_space<vmem>> -> memref<1x64xf32, #tpu.memory_space<vmem>>
      %dma_start3A_309 = arith.constant 0 : i32
      %dma_start3A_310 = tpu.memref_slice %arg3[%squeeze3A_295, %squeeze3A_297, %dma_start3A_309] : memref<12500x8x64xf32, #tpu.memory_space<hbm>> -> memref<1x1x64xf32, #tpu.memory_space<hbm>>
      %dma_start3A_311 = tpu.memref_squeeze %dma_start3A_310 : memref<1x1x64xf32, #tpu.memory_space<hbm>> -> memref<1x64xf32, #tpu.memory_space<hbm>>
      tpu.enqueue_dma source(%dma_start3A_311 : memref<1x64xf32, #tpu.memory_space<hbm>>) target(%dma_start3A_308 : memref<1x64xf32, #tpu.memory_space<vmem>>) target_semaphore(%arg10 : memref<!tpu.dma_semaphore, #tpu.memory_space<semaphore_mem>>)
      %slice3A_312 = vector.extract_strided_slice %shift_right_logical3A_149 {offsets = [9], sizes = [1], strides = [1]} : vector<16xi32> to vector<1xi32>
      %squeeze3A_313 = vector.extract %slice3A_312[0] : i32 from vector<1xi32>
      %slice3A_314 = vector.extract_strided_slice %and3A_151 {offsets = [9], sizes = [1], strides = [1]} : vector<16xi32> to vector<1xi32>
      %squeeze3A_315 = vector.extract %slice3A_314[0] : i32 from vector<1xi32>
      %mul3A_316 = arith.constant 16 : i32
      %mul3A_317 = arith.muli %scan3A_140, %mul3A_316 : i32
      %add3A_318 = arith.constant 9 : i32
      %add3A_319 = arith.addi %mul3A_317, %add3A_318 : i32
      %dma_start3A_320 = arith.constant 0 : i32
      %dma_start3A_321 = tpu.memref_slice %arg9[%add3A_319, %dma_start3A_320] : memref<512x64xf32, #tpu.memory_space<vmem>> -> memref<1x64xf32, #tpu.memory_space<vmem>>
      %dma_start3A_322 = arith.constant 0 : i32
      %dma_start3A_323 = tpu.memref_slice %arg3[%squeeze3A_313, %squeeze3A_315, %dma_start3A_322] : memref<12500x8x64xf32, #tpu.memory_space<hbm>> -> memref<1x1x64xf32, #tpu.memory_space<hbm>>
      %dma_start3A_324 = tpu.memref_squeeze %dma_start3A_323 : memref<1x1x64xf32, #tpu.memory_space<hbm>> -> memref<1x64xf32, #tpu.memory_space<hbm>>
      %dma_start3A_325 = arith.constant 0 : i32
      %dma_start3A_326 = tpu.memref_slice %arg9[%add3A_319, %dma_start3A_325] : memref<512x64xf32, #tpu.memory_space<vmem>> -> memref<1x64xf32, #tpu.memory_space<vmem>>
      %dma_start3A_327 = arith.constant 0 : i32
      %dma_start3A_328 = tpu.memref_slice %arg3[%squeeze3A_313, %squeeze3A_315, %dma_start3A_327] : memref<12500x8x64xf32, #tpu.memory_space<hbm>> -> memref<1x1x64xf32, #tpu.memory_space<hbm>>
      %dma_start3A_329 = tpu.memref_squeeze %dma_start3A_328 : memref<1x1x64xf32, #tpu.memory_space<hbm>> -> memref<1x64xf32, #tpu.memory_space<hbm>>
      tpu.enqueue_dma source(%dma_start3A_329 : memref<1x64xf32, #tpu.memory_space<hbm>>) target(%dma_start3A_326 : memref<1x64xf32, #tpu.memory_space<vmem>>) target_semaphore(%arg10 : memref<!tpu.dma_semaphore, #tpu.memory_space<semaphore_mem>>)
      %slice3A_330 = vector.extract_strided_slice %shift_right_logical3A_149 {offsets = [10], sizes = [1], strides = [1]} : vector<16xi32> to vector<1xi32>
      %squeeze3A_331 = vector.extract %slice3A_330[0] : i32 from vector<1xi32>
      %slice3A_332 = vector.extract_strided_slice %and3A_151 {offsets = [10], sizes = [1], strides = [1]} : vector<16xi32> to vector<1xi32>
      %squeeze3A_333 = vector.extract %slice3A_332[0] : i32 from vector<1xi32>
      %mul3A_334 = arith.constant 16 : i32
      %mul3A_335 = arith.muli %scan3A_140, %mul3A_334 : i32
      %add3A_336 = arith.constant 10 : i32
      %add3A_337 = arith.addi %mul3A_335, %add3A_336 : i32
      %dma_start3A_338 = arith.constant 0 : i32
      %dma_start3A_339 = tpu.memref_slice %arg9[%add3A_337, %dma_start3A_338] : memref<512x64xf32, #tpu.memory_space<vmem>> -> memref<1x64xf32, #tpu.memory_space<vmem>>
      %dma_start3A_340 = arith.constant 0 : i32
      %dma_start3A_341 = tpu.memref_slice %arg3[%squeeze3A_331, %squeeze3A_333, %dma_start3A_340] : memref<12500x8x64xf32, #tpu.memory_space<hbm>> -> memref<1x1x64xf32, #tpu.memory_space<hbm>>
      %dma_start3A_342 = tpu.memref_squeeze %dma_start3A_341 : memref<1x1x64xf32, #tpu.memory_space<hbm>> -> memref<1x64xf32, #tpu.memory_space<hbm>>
      %dma_start3A_343 = arith.constant 0 : i32
      %dma_start3A_344 = tpu.memref_slice %arg9[%add3A_337, %dma_start3A_343] : memref<512x64xf32, #tpu.memory_space<vmem>> -> memref<1x64xf32, #tpu.memory_space<vmem>>
      %dma_start3A_345 = arith.constant 0 : i32
      %dma_start3A_346 = tpu.memref_slice %arg3[%squeeze3A_331, %squeeze3A_333, %dma_start3A_345] : memref<12500x8x64xf32, #tpu.memory_space<hbm>> -> memref<1x1x64xf32, #tpu.memory_space<hbm>>
      %dma_start3A_347 = tpu.memref_squeeze %dma_start3A_346 : memref<1x1x64xf32, #tpu.memory_space<hbm>> -> memref<1x64xf32, #tpu.memory_space<hbm>>
      tpu.enqueue_dma source(%dma_start3A_347 : memref<1x64xf32, #tpu.memory_space<hbm>>) target(%dma_start3A_344 : memref<1x64xf32, #tpu.memory_space<vmem>>) target_semaphore(%arg10 : memref<!tpu.dma_semaphore, #tpu.memory_space<semaphore_mem>>)
      %slice3A_348 = vector.extract_strided_slice %shift_right_logical3A_149 {offsets = [11], sizes = [1], strides = [1]} : vector<16xi32> to vector<1xi32>
      %squeeze3A_349 = vector.extract %slice3A_348[0] : i32 from vector<1xi32>
      %slice3A_350 = vector.extract_strided_slice %and3A_151 {offsets = [11], sizes = [1], strides = [1]} : vector<16xi32> to vector<1xi32>
      %squeeze3A_351 = vector.extract %slice3A_350[0] : i32 from vector<1xi32>
      %mul3A_352 = arith.constant 16 : i32
      %mul3A_353 = arith.muli %scan3A_140, %mul3A_352 : i32
      %add3A_354 = arith.constant 11 : i32
      %add3A_355 = arith.addi %mul3A_353, %add3A_354 : i32
      %dma_start3A_356 = arith.constant 0 : i32
      %dma_start3A_357 = tpu.memref_slice %arg9[%add3A_355, %dma_start3A_356] : memref<512x64xf32, #tpu.memory_space<vmem>> -> memref<1x64xf32, #tpu.memory_space<vmem>>
      %dma_start3A_358 = arith.constant 0 : i32
      %dma_start3A_359 = tpu.memref_slice %arg3[%squeeze3A_349, %squeeze3A_351, %dma_start3A_358] : memref<12500x8x64xf32, #tpu.memory_space<hbm>> -> memref<1x1x64xf32, #tpu.memory_space<hbm>>
      %dma_start3A_360 = tpu.memref_squeeze %dma_start3A_359 : memref<1x1x64xf32, #tpu.memory_space<hbm>> -> memref<1x64xf32, #tpu.memory_space<hbm>>
      %dma_start3A_361 = arith.constant 0 : i32
      %dma_start3A_362 = tpu.memref_slice %arg9[%add3A_355, %dma_start3A_361] : memref<512x64xf32, #tpu.memory_space<vmem>> -> memref<1x64xf32, #tpu.memory_space<vmem>>
      %dma_start3A_363 = arith.constant 0 : i32
      %dma_start3A_364 = tpu.memref_slice %arg3[%squeeze3A_349, %squeeze3A_351, %dma_start3A_363] : memref<12500x8x64xf32, #tpu.memory_space<hbm>> -> memref<1x1x64xf32, #tpu.memory_space<hbm>>
      %dma_start3A_365 = tpu.memref_squeeze %dma_start3A_364 : memref<1x1x64xf32, #tpu.memory_space<hbm>> -> memref<1x64xf32, #tpu.memory_space<hbm>>
      tpu.enqueue_dma source(%dma_start3A_365 : memref<1x64xf32, #tpu.memory_space<hbm>>) target(%dma_start3A_362 : memref<1x64xf32, #tpu.memory_space<vmem>>) target_semaphore(%arg10 : memref<!tpu.dma_semaphore, #tpu.memory_space<semaphore_mem>>)
      %slice3A_366 = vector.extract_strided_slice %shift_right_logical3A_149 {offsets = [12], sizes = [1], strides = [1]} : vector<16xi32> to vector<1xi32>
      %squeeze3A_367 = vector.extract %slice3A_366[0] : i32 from vector<1xi32>
      %slice3A_368 = vector.extract_strided_slice %and3A_151 {offsets = [12], sizes = [1], strides = [1]} : vector<16xi32> to vector<1xi32>
      %squeeze3A_369 = vector.extract %slice3A_368[0] : i32 from vector<1xi32>
      %mul3A_370 = arith.constant 16 : i32
      %mul3A_371 = arith.muli %scan3A_140, %mul3A_370 : i32
      %add3A_372 = arith.constant 12 : i32
      %add3A_373 = arith.addi %mul3A_371, %add3A_372 : i32
      %dma_start3A_374 = arith.constant 0 : i32
      %dma_start3A_375 = tpu.memref_slice %arg9[%add3A_373, %dma_start3A_374] : memref<512x64xf32, #tpu.memory_space<vmem>> -> memref<1x64xf32, #tpu.memory_space<vmem>>
      %dma_start3A_376 = arith.constant 0 : i32
      %dma_start3A_377 = tpu.memref_slice %arg3[%squeeze3A_367, %squeeze3A_369, %dma_start3A_376] : memref<12500x8x64xf32, #tpu.memory_space<hbm>> -> memref<1x1x64xf32, #tpu.memory_space<hbm>>
      %dma_start3A_378 = tpu.memref_squeeze %dma_start3A_377 : memref<1x1x64xf32, #tpu.memory_space<hbm>> -> memref<1x64xf32, #tpu.memory_space<hbm>>
      %dma_start3A_379 = arith.constant 0 : i32
      %dma_start3A_380 = tpu.memref_slice %arg9[%add3A_373, %dma_start3A_379] : memref<512x64xf32, #tpu.memory_space<vmem>> -> memref<1x64xf32, #tpu.memory_space<vmem>>
      %dma_start3A_381 = arith.constant 0 : i32
      %dma_start3A_382 = tpu.memref_slice %arg3[%squeeze3A_367, %squeeze3A_369, %dma_start3A_381] : memref<12500x8x64xf32, #tpu.memory_space<hbm>> -> memref<1x1x64xf32, #tpu.memory_space<hbm>>
      %dma_start3A_383 = tpu.memref_squeeze %dma_start3A_382 : memref<1x1x64xf32, #tpu.memory_space<hbm>> -> memref<1x64xf32, #tpu.memory_space<hbm>>
      tpu.enqueue_dma source(%dma_start3A_383 : memref<1x64xf32, #tpu.memory_space<hbm>>) target(%dma_start3A_380 : memref<1x64xf32, #tpu.memory_space<vmem>>) target_semaphore(%arg10 : memref<!tpu.dma_semaphore, #tpu.memory_space<semaphore_mem>>)
      %slice3A_384 = vector.extract_strided_slice %shift_right_logical3A_149 {offsets = [13], sizes = [1], strides = [1]} : vector<16xi32> to vector<1xi32>
      %squeeze3A_385 = vector.extract %slice3A_384[0] : i32 from vector<1xi32>
      %slice3A_386 = vector.extract_strided_slice %and3A_151 {offsets = [13], sizes = [1], strides = [1]} : vector<16xi32> to vector<1xi32>
      %squeeze3A_387 = vector.extract %slice3A_386[0] : i32 from vector<1xi32>
      %mul3A_388 = arith.constant 16 : i32
      %mul3A_389 = arith.muli %scan3A_140, %mul3A_388 : i32
      %add3A_390 = arith.constant 13 : i32
      %add3A_391 = arith.addi %mul3A_389, %add3A_390 : i32
      %dma_start3A_392 = arith.constant 0 : i32
      %dma_start3A_393 = tpu.memref_slice %arg9[%add3A_391, %dma_start3A_392] : memref<512x64xf32, #tpu.memory_space<vmem>> -> memref<1x64xf32, #tpu.memory_space<vmem>>
      %dma_start3A_394 = arith.constant 0 : i32
      %dma_start3A_395 = tpu.memref_slice %arg3[%squeeze3A_385, %squeeze3A_387, %dma_start3A_394] : memref<12500x8x64xf32, #tpu.memory_space<hbm>> -> memref<1x1x64xf32, #tpu.memory_space<hbm>>
      %dma_start3A_396 = tpu.memref_squeeze %dma_start3A_395 : memref<1x1x64xf32, #tpu.memory_space<hbm>> -> memref<1x64xf32, #tpu.memory_space<hbm>>
      %dma_start3A_397 = arith.constant 0 : i32
      %dma_start3A_398 = tpu.memref_slice %arg9[%add3A_391, %dma_start3A_397] : memref<512x64xf32, #tpu.memory_space<vmem>> -> memref<1x64xf32, #tpu.memory_space<vmem>>
      %dma_start3A_399 = arith.constant 0 : i32
      %dma_start3A_400 = tpu.memref_slice %arg3[%squeeze3A_385, %squeeze3A_387, %dma_start3A_399] : memref<12500x8x64xf32, #tpu.memory_space<hbm>> -> memref<1x1x64xf32, #tpu.memory_space<hbm>>
      %dma_start3A_401 = tpu.memref_squeeze %dma_start3A_400 : memref<1x1x64xf32, #tpu.memory_space<hbm>> -> memref<1x64xf32, #tpu.memory_space<hbm>>
      tpu.enqueue_dma source(%dma_start3A_401 : memref<1x64xf32, #tpu.memory_space<hbm>>) target(%dma_start3A_398 : memref<1x64xf32, #tpu.memory_space<vmem>>) target_semaphore(%arg10 : memref<!tpu.dma_semaphore, #tpu.memory_space<semaphore_mem>>)
      %slice3A_402 = vector.extract_strided_slice %shift_right_logical3A_149 {offsets = [14], sizes = [1], strides = [1]} : vector<16xi32> to vector<1xi32>
      %squeeze3A_403 = vector.extract %slice3A_402[0] : i32 from vector<1xi32>
      %slice3A_404 = vector.extract_strided_slice %and3A_151 {offsets = [14], sizes = [1], strides = [1]} : vector<16xi32> to vector<1xi32>
      %squeeze3A_405 = vector.extract %slice3A_404[0] : i32 from vector<1xi32>
      %mul3A_406 = arith.constant 16 : i32
      %mul3A_407 = arith.muli %scan3A_140, %mul3A_406 : i32
      %add3A_408 = arith.constant 14 : i32
      %add3A_409 = arith.addi %mul3A_407, %add3A_408 : i32
      %dma_start3A_410 = arith.constant 0 : i32
      %dma_start3A_411 = tpu.memref_slice %arg9[%add3A_409, %dma_start3A_410] : memref<512x64xf32, #tpu.memory_space<vmem>> -> memref<1x64xf32, #tpu.memory_space<vmem>>
      %dma_start3A_412 = arith.constant 0 : i32
      %dma_start3A_413 = tpu.memref_slice %arg3[%squeeze3A_403, %squeeze3A_405, %dma_start3A_412] : memref<12500x8x64xf32, #tpu.memory_space<hbm>> -> memref<1x1x64xf32, #tpu.memory_space<hbm>>
      %dma_start3A_414 = tpu.memref_squeeze %dma_start3A_413 : memref<1x1x64xf32, #tpu.memory_space<hbm>> -> memref<1x64xf32, #tpu.memory_space<hbm>>
      %dma_start3A_415 = arith.constant 0 : i32
      %dma_start3A_416 = tpu.memref_slice %arg9[%add3A_409, %dma_start3A_415] : memref<512x64xf32, #tpu.memory_space<vmem>> -> memref<1x64xf32, #tpu.memory_space<vmem>>
      %dma_start3A_417 = arith.constant 0 : i32
      %dma_start3A_418 = tpu.memref_slice %arg3[%squeeze3A_403, %squeeze3A_405, %dma_start3A_417] : memref<12500x8x64xf32, #tpu.memory_space<hbm>> -> memref<1x1x64xf32, #tpu.memory_space<hbm>>
      %dma_start3A_419 = tpu.memref_squeeze %dma_start3A_418 : memref<1x1x64xf32, #tpu.memory_space<hbm>> -> memref<1x64xf32, #tpu.memory_space<hbm>>
      tpu.enqueue_dma source(%dma_start3A_419 : memref<1x64xf32, #tpu.memory_space<hbm>>) target(%dma_start3A_416 : memref<1x64xf32, #tpu.memory_space<vmem>>) target_semaphore(%arg10 : memref<!tpu.dma_semaphore, #tpu.memory_space<semaphore_mem>>)
      %slice3A_420 = vector.extract_strided_slice %shift_right_logical3A_149 {offsets = [15], sizes = [1], strides = [1]} : vector<16xi32> to vector<1xi32>
      %squeeze3A_421 = vector.extract %slice3A_420[0] : i32 from vector<1xi32>
      %slice3A_422 = vector.extract_strided_slice %and3A_151 {offsets = [15], sizes = [1], strides = [1]} : vector<16xi32> to vector<1xi32>
      %squeeze3A_423 = vector.extract %slice3A_422[0] : i32 from vector<1xi32>
      %mul3A_424 = arith.constant 16 : i32
      %mul3A_425 = arith.muli %scan3A_140, %mul3A_424 : i32
      %add3A_426 = arith.constant 15 : i32
      %add3A_427 = arith.addi %mul3A_425, %add3A_426 : i32
      %dma_start3A_428 = arith.constant 0 : i32
      %dma_start3A_429 = tpu.memref_slice %arg9[%add3A_427, %dma_start3A_428] : memref<512x64xf32, #tpu.memory_space<vmem>> -> memref<1x64xf32, #tpu.memory_space<vmem>>
      %dma_start3A_430 = arith.constant 0 : i32
      %dma_start3A_431 = tpu.memref_slice %arg3[%squeeze3A_421, %squeeze3A_423, %dma_start3A_430] : memref<12500x8x64xf32, #tpu.memory_space<hbm>> -> memref<1x1x64xf32, #tpu.memory_space<hbm>>
      %dma_start3A_432 = tpu.memref_squeeze %dma_start3A_431 : memref<1x1x64xf32, #tpu.memory_space<hbm>> -> memref<1x64xf32, #tpu.memory_space<hbm>>
      %dma_start3A_433 = arith.constant 0 : i32
      %dma_start3A_434 = tpu.memref_slice %arg9[%add3A_427, %dma_start3A_433] : memref<512x64xf32, #tpu.memory_space<vmem>> -> memref<1x64xf32, #tpu.memory_space<vmem>>
      %dma_start3A_435 = arith.constant 0 : i32
      %dma_start3A_436 = tpu.memref_slice %arg3[%squeeze3A_421, %squeeze3A_423, %dma_start3A_435] : memref<12500x8x64xf32, #tpu.memory_space<hbm>> -> memref<1x1x64xf32, #tpu.memory_space<hbm>>
      %dma_start3A_437 = tpu.memref_squeeze %dma_start3A_436 : memref<1x1x64xf32, #tpu.memory_space<hbm>> -> memref<1x64xf32, #tpu.memory_space<hbm>>
      tpu.enqueue_dma source(%dma_start3A_437 : memref<1x64xf32, #tpu.memory_space<hbm>>) target(%dma_start3A_434 : memref<1x64xf32, #tpu.memory_space<vmem>>) target_semaphore(%arg10 : memref<!tpu.dma_semaphore, #tpu.memory_space<semaphore_mem>>)
      %scan3A_438 = arith.constant 0 : i32
      scf.yield %scan3A_438 : i32
    }
    %scan3A_86 = arith.constant 32 : i32
    %dma_wait3A_87 = arith.constant 0 : i32
    %dma_wait3A_88 = arith.constant 0 : i32
    %dma_wait3A_89 = tpu.memref_slice %arg7[%dma_wait3A_87, %dma_wait3A_88] : memref<65536x64xf32, #tpu.memory_space<hbm>> -> memref<512x64xf32, #tpu.memory_space<hbm>>
    %dma_wait3A_90 = arith.constant 0 : i32
    %dma_wait3A_91 = arith.constant 0 : i32
    %dma_wait3A_92 = tpu.memref_slice %arg7[%dma_wait3A_90, %dma_wait3A_91] : memref<65536x64xf32, #tpu.memory_space<hbm>> -> memref<512x64xf32, #tpu.memory_space<hbm>>
    tpu.wait_dma2 semaphore(%arg10 : memref<!tpu.dma_semaphore, #tpu.memory_space<semaphore_mem>>) src(%dma_wait3A_92 : memref<512x64xf32, #tpu.memory_space<hbm>>) dst(%arg9 : memref<512x64xf32, #tpu.memory_space<vmem>>)
    %add3A_93 = arith.constant 0 : i32
    %add3A_94 = arith.addi %add3A_93, %mul3A_2 : i32
    "tpu.region"() ({
      %run_scoped3A = tpu.sem_alloc : memref<!tpu.dma_semaphore, #tpu.memory_space<semaphore_mem>>
      %dma_start3A_140 = arith.constant 0 : i32
      %dma_start3A_141 = tpu.memref_slice %arg7[%add3A_94, %dma_start3A_140] : memref<65536x64xf32, #tpu.memory_space<hbm>> -> memref<512x64xf32, #tpu.memory_space<hbm>>
      %dma_start3A_142 = arith.constant 0 : i32
      %dma_start3A_143 = tpu.memref_slice %arg7[%add3A_94, %dma_start3A_142] : memref<65536x64xf32, #tpu.memory_space<hbm>> -> memref<512x64xf32, #tpu.memory_space<hbm>>
      tpu.enqueue_dma source(%arg9 : memref<512x64xf32, #tpu.memory_space<vmem>>) target(%dma_start3A_143 : memref<512x64xf32, #tpu.memory_space<hbm>>) target_semaphore(%run_scoped3A : memref<!tpu.dma_semaphore, #tpu.memory_space<semaphore_mem>>)
      %dma_wait3A_144 = arith.constant 0 : i32
      %dma_wait3A_145 = tpu.memref_slice %arg7[%add3A_94, %dma_wait3A_144] : memref<65536x64xf32, #tpu.memory_space<hbm>> -> memref<512x64xf32, #tpu.memory_space<hbm>>
      %dma_wait3A_146 = arith.constant 0 : i32
      %dma_wait3A_147 = tpu.memref_slice %arg7[%add3A_94, %dma_wait3A_146] : memref<65536x64xf32, #tpu.memory_space<hbm>> -> memref<512x64xf32, #tpu.memory_space<hbm>>
      tpu.wait_dma2 semaphore(%run_scoped3A : memref<!tpu.dma_semaphore, #tpu.memory_space<semaphore_mem>>) src(%arg9 : memref<512x64xf32, #tpu.memory_space<vmem>>) dst(%dma_wait3A_147 : memref<512x64xf32, #tpu.memory_space<hbm>>)
      tpu.yield
    }) : () -> ()
    %scan3A_95 = arith.constant 0 : i32
    %scan3A_96 = arith.constant 0 : i32
    %scan3A_97 = arith.constant 32 : i32
    %scan3A_98 = arith.addi %scan3A_96, %scan3A_97 : i32
    %scan3A_99 = arith.constant 1 : i32
    %scan3A_100 = scf.for %scan3A_140 = %scan3A_96 to %scan3A_98 step %scan3A_99 iter_args(%scan3A_141 = %scan3A_95) -> (i32)  : i32 {
      %mul3A_142 = arith.constant 16 : i32
      %mul3A_143 = arith.muli %scan3A_140, %mul3A_142 : i32
      %get3A = arith.constant 1 : i32
      %get3A_144 = arith.index_cast %get3A : i32 to index
      %get3A_145 = arith.index_cast %mul3A_143 : i32 to index
      %get3A_146 = tpu.vector_load %arg8[%get3A_144, %get3A_145] {strides = array<i32>} : memref<4x512xi32, #tpu.memory_space<vmem>>, vector<1x16xi32>,
      %get3A_147 = vector.shape_cast %get3A_146 : vector<1x16xi32> to vector<16xi32>
      %shift_right_logical3A = arith.constant 3 : i32
      %shift_right_logical3A_148 = vector.broadcast %shift_right_logical3A : i32 to vector<16xi32>
      %shift_right_logical3A_149 = arith.shrui %get3A_147, %shift_right_logical3A_148 : vector<16xi32>
      %and3A = arith.constant 7 : i32
      %and3A_150 = vector.broadcast %and3A : i32 to vector<16xi32>
      %and3A_151 = arith.andi %get3A_147, %and3A_150 : vector<16xi32>
      %slice3A = vector.extract_strided_slice %shift_right_logical3A_149 {offsets = [0], sizes = [1], strides = [1]} : vector<16xi32> to vector<1xi32>
      %squeeze3A = vector.extract %slice3A[0] : i32 from vector<1xi32>
      %slice3A_152 = vector.extract_strided_slice %and3A_151 {offsets = [0], sizes = [1], strides = [1]} : vector<16xi32> to vector<1xi32>
      %squeeze3A_153 = vector.extract %slice3A_152[0] : i32 from vector<1xi32>
      %mul3A_154 = arith.constant 16 : i32
      %mul3A_155 = arith.muli %scan3A_140, %mul3A_154 : i32
      %add3A_156 = arith.constant 0 : i32
      %add3A_157 = arith.addi %mul3A_155, %add3A_156 : i32
      %dma_start3A_158 = arith.constant 0 : i32
      %dma_start3A_159 = tpu.memref_slice %arg9[%add3A_157, %dma_start3A_158] : memref<512x64xf32, #tpu.memory_space<vmem>> -> memref<1x64xf32, #tpu.memory_space<vmem>>
      %dma_start3A_160 = arith.constant 0 : i32
      %dma_start3A_161 = tpu.memref_slice %arg4[%squeeze3A, %squeeze3A_153, %dma_start3A_160] : memref<125000x8x64xf32, #tpu.memory_space<hbm>> -> memref<1x1x64xf32, #tpu.memory_space<hbm>>
      %dma_start3A_162 = tpu.memref_squeeze %dma_start3A_161 : memref<1x1x64xf32, #tpu.memory_space<hbm>> -> memref<1x64xf32, #tpu.memory_space<hbm>>
      %dma_start3A_163 = arith.constant 0 : i32
      %dma_start3A_164 = tpu.memref_slice %arg9[%add3A_157, %dma_start3A_163] : memref<512x64xf32, #tpu.memory_space<vmem>> -> memref<1x64xf32, #tpu.memory_space<vmem>>
      %dma_start3A_165 = arith.constant 0 : i32
      %dma_start3A_166 = tpu.memref_slice %arg4[%squeeze3A, %squeeze3A_153, %dma_start3A_165] : memref<125000x8x64xf32, #tpu.memory_space<hbm>> -> memref<1x1x64xf32, #tpu.memory_space<hbm>>
      %dma_start3A_167 = tpu.memref_squeeze %dma_start3A_166 : memref<1x1x64xf32, #tpu.memory_space<hbm>> -> memref<1x64xf32, #tpu.memory_space<hbm>>
      tpu.enqueue_dma source(%dma_start3A_167 : memref<1x64xf32, #tpu.memory_space<hbm>>) target(%dma_start3A_164 : memref<1x64xf32, #tpu.memory_space<vmem>>) target_semaphore(%arg10 : memref<!tpu.dma_semaphore, #tpu.memory_space<semaphore_mem>>)
      %slice3A_168 = vector.extract_strided_slice %shift_right_logical3A_149 {offsets = [1], sizes = [1], strides = [1]} : vector<16xi32> to vector<1xi32>
      %squeeze3A_169 = vector.extract %slice3A_168[0] : i32 from vector<1xi32>
      %slice3A_170 = vector.extract_strided_slice %and3A_151 {offsets = [1], sizes = [1], strides = [1]} : vector<16xi32> to vector<1xi32>
      %squeeze3A_171 = vector.extract %slice3A_170[0] : i32 from vector<1xi32>
      %mul3A_172 = arith.constant 16 : i32
      %mul3A_173 = arith.muli %scan3A_140, %mul3A_172 : i32
      %add3A_174 = arith.constant 1 : i32
      %add3A_175 = arith.addi %mul3A_173, %add3A_174 : i32
      %dma_start3A_176 = arith.constant 0 : i32
      %dma_start3A_177 = tpu.memref_slice %arg9[%add3A_175, %dma_start3A_176] : memref<512x64xf32, #tpu.memory_space<vmem>> -> memref<1x64xf32, #tpu.memory_space<vmem>>
      %dma_start3A_178 = arith.constant 0 : i32
      %dma_start3A_179 = tpu.memref_slice %arg4[%squeeze3A_169, %squeeze3A_171, %dma_start3A_178] : memref<125000x8x64xf32, #tpu.memory_space<hbm>> -> memref<1x1x64xf32, #tpu.memory_space<hbm>>
      %dma_start3A_180 = tpu.memref_squeeze %dma_start3A_179 : memref<1x1x64xf32, #tpu.memory_space<hbm>> -> memref<1x64xf32, #tpu.memory_space<hbm>>
      %dma_start3A_181 = arith.constant 0 : i32
      %dma_start3A_182 = tpu.memref_slice %arg9[%add3A_175, %dma_start3A_181] : memref<512x64xf32, #tpu.memory_space<vmem>> -> memref<1x64xf32, #tpu.memory_space<vmem>>
      %dma_start3A_183 = arith.constant 0 : i32
      %dma_start3A_184 = tpu.memref_slice %arg4[%squeeze3A_169, %squeeze3A_171, %dma_start3A_183] : memref<125000x8x64xf32, #tpu.memory_space<hbm>> -> memref<1x1x64xf32, #tpu.memory_space<hbm>>
      %dma_start3A_185 = tpu.memref_squeeze %dma_start3A_184 : memref<1x1x64xf32, #tpu.memory_space<hbm>> -> memref<1x64xf32, #tpu.memory_space<hbm>>
      tpu.enqueue_dma source(%dma_start3A_185 : memref<1x64xf32, #tpu.memory_space<hbm>>) target(%dma_start3A_182 : memref<1x64xf32, #tpu.memory_space<vmem>>) target_semaphore(%arg10 : memref<!tpu.dma_semaphore, #tpu.memory_space<semaphore_mem>>)
      %slice3A_186 = vector.extract_strided_slice %shift_right_logical3A_149 {offsets = [2], sizes = [1], strides = [1]} : vector<16xi32> to vector<1xi32>
      %squeeze3A_187 = vector.extract %slice3A_186[0] : i32 from vector<1xi32>
      %slice3A_188 = vector.extract_strided_slice %and3A_151 {offsets = [2], sizes = [1], strides = [1]} : vector<16xi32> to vector<1xi32>
      %squeeze3A_189 = vector.extract %slice3A_188[0] : i32 from vector<1xi32>
      %mul3A_190 = arith.constant 16 : i32
      %mul3A_191 = arith.muli %scan3A_140, %mul3A_190 : i32
      %add3A_192 = arith.constant 2 : i32
      %add3A_193 = arith.addi %mul3A_191, %add3A_192 : i32
      %dma_start3A_194 = arith.constant 0 : i32
      %dma_start3A_195 = tpu.memref_slice %arg9[%add3A_193, %dma_start3A_194] : memref<512x64xf32, #tpu.memory_space<vmem>> -> memref<1x64xf32, #tpu.memory_space<vmem>>
      %dma_start3A_196 = arith.constant 0 : i32
      %dma_start3A_197 = tpu.memref_slice %arg4[%squeeze3A_187, %squeeze3A_189, %dma_start3A_196] : memref<125000x8x64xf32, #tpu.memory_space<hbm>> -> memref<1x1x64xf32, #tpu.memory_space<hbm>>
      %dma_start3A_198 = tpu.memref_squeeze %dma_start3A_197 : memref<1x1x64xf32, #tpu.memory_space<hbm>> -> memref<1x64xf32, #tpu.memory_space<hbm>>
      %dma_start3A_199 = arith.constant 0 : i32
      %dma_start3A_200 = tpu.memref_slice %arg9[%add3A_193, %dma_start3A_199] : memref<512x64xf32, #tpu.memory_space<vmem>> -> memref<1x64xf32, #tpu.memory_space<vmem>>
      %dma_start3A_201 = arith.constant 0 : i32
      %dma_start3A_202 = tpu.memref_slice %arg4[%squeeze3A_187, %squeeze3A_189, %dma_start3A_201] : memref<125000x8x64xf32, #tpu.memory_space<hbm>> -> memref<1x1x64xf32, #tpu.memory_space<hbm>>
      %dma_start3A_203 = tpu.memref_squeeze %dma_start3A_202 : memref<1x1x64xf32, #tpu.memory_space<hbm>> -> memref<1x64xf32, #tpu.memory_space<hbm>>
      tpu.enqueue_dma source(%dma_start3A_203 : memref<1x64xf32, #tpu.memory_space<hbm>>) target(%dma_start3A_200 : memref<1x64xf32, #tpu.memory_space<vmem>>) target_semaphore(%arg10 : memref<!tpu.dma_semaphore, #tpu.memory_space<semaphore_mem>>)
      %slice3A_204 = vector.extract_strided_slice %shift_right_logical3A_149 {offsets = [3], sizes = [1], strides = [1]} : vector<16xi32> to vector<1xi32>
      %squeeze3A_205 = vector.extract %slice3A_204[0] : i32 from vector<1xi32>
      %slice3A_206 = vector.extract_strided_slice %and3A_151 {offsets = [3], sizes = [1], strides = [1]} : vector<16xi32> to vector<1xi32>
      %squeeze3A_207 = vector.extract %slice3A_206[0] : i32 from vector<1xi32>
      %mul3A_208 = arith.constant 16 : i32
      %mul3A_209 = arith.muli %scan3A_140, %mul3A_208 : i32
      %add3A_210 = arith.constant 3 : i32
      %add3A_211 = arith.addi %mul3A_209, %add3A_210 : i32
      %dma_start3A_212 = arith.constant 0 : i32
      %dma_start3A_213 = tpu.memref_slice %arg9[%add3A_211, %dma_start3A_212] : memref<512x64xf32, #tpu.memory_space<vmem>> -> memref<1x64xf32, #tpu.memory_space<vmem>>
      %dma_start3A_214 = arith.constant 0 : i32
      %dma_start3A_215 = tpu.memref_slice %arg4[%squeeze3A_205, %squeeze3A_207, %dma_start3A_214] : memref<125000x8x64xf32, #tpu.memory_space<hbm>> -> memref<1x1x64xf32, #tpu.memory_space<hbm>>
      %dma_start3A_216 = tpu.memref_squeeze %dma_start3A_215 : memref<1x1x64xf32, #tpu.memory_space<hbm>> -> memref<1x64xf32, #tpu.memory_space<hbm>>
      %dma_start3A_217 = arith.constant 0 : i32
      %dma_start3A_218 = tpu.memref_slice %arg9[%add3A_211, %dma_start3A_217] : memref<512x64xf32, #tpu.memory_space<vmem>> -> memref<1x64xf32, #tpu.memory_space<vmem>>
      %dma_start3A_219 = arith.constant 0 : i32
      %dma_start3A_220 = tpu.memref_slice %arg4[%squeeze3A_205, %squeeze3A_207, %dma_start3A_219] : memref<125000x8x64xf32, #tpu.memory_space<hbm>> -> memref<1x1x64xf32, #tpu.memory_space<hbm>>
      %dma_start3A_221 = tpu.memref_squeeze %dma_start3A_220 : memref<1x1x64xf32, #tpu.memory_space<hbm>> -> memref<1x64xf32, #tpu.memory_space<hbm>>
      tpu.enqueue_dma source(%dma_start3A_221 : memref<1x64xf32, #tpu.memory_space<hbm>>) target(%dma_start3A_218 : memref<1x64xf32, #tpu.memory_space<vmem>>) target_semaphore(%arg10 : memref<!tpu.dma_semaphore, #tpu.memory_space<semaphore_mem>>)
      %slice3A_222 = vector.extract_strided_slice %shift_right_logical3A_149 {offsets = [4], sizes = [1], strides = [1]} : vector<16xi32> to vector<1xi32>
      %squeeze3A_223 = vector.extract %slice3A_222[0] : i32 from vector<1xi32>
      %slice3A_224 = vector.extract_strided_slice %and3A_151 {offsets = [4], sizes = [1], strides = [1]} : vector<16xi32> to vector<1xi32>
      %squeeze3A_225 = vector.extract %slice3A_224[0] : i32 from vector<1xi32>
      %mul3A_226 = arith.constant 16 : i32
      %mul3A_227 = arith.muli %scan3A_140, %mul3A_226 : i32
      %add3A_228 = arith.constant 4 : i32
      %add3A_229 = arith.addi %mul3A_227, %add3A_228 : i32
      %dma_start3A_230 = arith.constant 0 : i32
      %dma_start3A_231 = tpu.memref_slice %arg9[%add3A_229, %dma_start3A_230] : memref<512x64xf32, #tpu.memory_space<vmem>> -> memref<1x64xf32, #tpu.memory_space<vmem>>
      %dma_start3A_232 = arith.constant 0 : i32
      %dma_start3A_233 = tpu.memref_slice %arg4[%squeeze3A_223, %squeeze3A_225, %dma_start3A_232] : memref<125000x8x64xf32, #tpu.memory_space<hbm>> -> memref<1x1x64xf32, #tpu.memory_space<hbm>>
      %dma_start3A_234 = tpu.memref_squeeze %dma_start3A_233 : memref<1x1x64xf32, #tpu.memory_space<hbm>> -> memref<1x64xf32, #tpu.memory_space<hbm>>
      %dma_start3A_235 = arith.constant 0 : i32
      %dma_start3A_236 = tpu.memref_slice %arg9[%add3A_229, %dma_start3A_235] : memref<512x64xf32, #tpu.memory_space<vmem>> -> memref<1x64xf32, #tpu.memory_space<vmem>>
      %dma_start3A_237 = arith.constant 0 : i32
      %dma_start3A_238 = tpu.memref_slice %arg4[%squeeze3A_223, %squeeze3A_225, %dma_start3A_237] : memref<125000x8x64xf32, #tpu.memory_space<hbm>> -> memref<1x1x64xf32, #tpu.memory_space<hbm>>
      %dma_start3A_239 = tpu.memref_squeeze %dma_start3A_238 : memref<1x1x64xf32, #tpu.memory_space<hbm>> -> memref<1x64xf32, #tpu.memory_space<hbm>>
      tpu.enqueue_dma source(%dma_start3A_239 : memref<1x64xf32, #tpu.memory_space<hbm>>) target(%dma_start3A_236 : memref<1x64xf32, #tpu.memory_space<vmem>>) target_semaphore(%arg10 : memref<!tpu.dma_semaphore, #tpu.memory_space<semaphore_mem>>)
      %slice3A_240 = vector.extract_strided_slice %shift_right_logical3A_149 {offsets = [5], sizes = [1], strides = [1]} : vector<16xi32> to vector<1xi32>
      %squeeze3A_241 = vector.extract %slice3A_240[0] : i32 from vector<1xi32>
      %slice3A_242 = vector.extract_strided_slice %and3A_151 {offsets = [5], sizes = [1], strides = [1]} : vector<16xi32> to vector<1xi32>
      %squeeze3A_243 = vector.extract %slice3A_242[0] : i32 from vector<1xi32>
      %mul3A_244 = arith.constant 16 : i32
      %mul3A_245 = arith.muli %scan3A_140, %mul3A_244 : i32
      %add3A_246 = arith.constant 5 : i32
      %add3A_247 = arith.addi %mul3A_245, %add3A_246 : i32
      %dma_start3A_248 = arith.constant 0 : i32
      %dma_start3A_249 = tpu.memref_slice %arg9[%add3A_247, %dma_start3A_248] : memref<512x64xf32, #tpu.memory_space<vmem>> -> memref<1x64xf32, #tpu.memory_space<vmem>>
      %dma_start3A_250 = arith.constant 0 : i32
      %dma_start3A_251 = tpu.memref_slice %arg4[%squeeze3A_241, %squeeze3A_243, %dma_start3A_250] : memref<125000x8x64xf32, #tpu.memory_space<hbm>> -> memref<1x1x64xf32, #tpu.memory_space<hbm>>
      %dma_start3A_252 = tpu.memref_squeeze %dma_start3A_251 : memref<1x1x64xf32, #tpu.memory_space<hbm>> -> memref<1x64xf32, #tpu.memory_space<hbm>>
      %dma_start3A_253 = arith.constant 0 : i32
      %dma_start3A_254 = tpu.memref_slice %arg9[%add3A_247, %dma_start3A_253] : memref<512x64xf32, #tpu.memory_space<vmem>> -> memref<1x64xf32, #tpu.memory_space<vmem>>
      %dma_start3A_255 = arith.constant 0 : i32
      %dma_start3A_256 = tpu.memref_slice %arg4[%squeeze3A_241, %squeeze3A_243, %dma_start3A_255] : memref<125000x8x64xf32, #tpu.memory_space<hbm>> -> memref<1x1x64xf32, #tpu.memory_space<hbm>>
      %dma_start3A_257 = tpu.memref_squeeze %dma_start3A_256 : memref<1x1x64xf32, #tpu.memory_space<hbm>> -> memref<1x64xf32, #tpu.memory_space<hbm>>
      tpu.enqueue_dma source(%dma_start3A_257 : memref<1x64xf32, #tpu.memory_space<hbm>>) target(%dma_start3A_254 : memref<1x64xf32, #tpu.memory_space<vmem>>) target_semaphore(%arg10 : memref<!tpu.dma_semaphore, #tpu.memory_space<semaphore_mem>>)
      %slice3A_258 = vector.extract_strided_slice %shift_right_logical3A_149 {offsets = [6], sizes = [1], strides = [1]} : vector<16xi32> to vector<1xi32>
      %squeeze3A_259 = vector.extract %slice3A_258[0] : i32 from vector<1xi32>
      %slice3A_260 = vector.extract_strided_slice %and3A_151 {offsets = [6], sizes = [1], strides = [1]} : vector<16xi32> to vector<1xi32>
      %squeeze3A_261 = vector.extract %slice3A_260[0] : i32 from vector<1xi32>
      %mul3A_262 = arith.constant 16 : i32
      %mul3A_263 = arith.muli %scan3A_140, %mul3A_262 : i32
      %add3A_264 = arith.constant 6 : i32
      %add3A_265 = arith.addi %mul3A_263, %add3A_264 : i32
      %dma_start3A_266 = arith.constant 0 : i32
      %dma_start3A_267 = tpu.memref_slice %arg9[%add3A_265, %dma_start3A_266] : memref<512x64xf32, #tpu.memory_space<vmem>> -> memref<1x64xf32, #tpu.memory_space<vmem>>
      %dma_start3A_268 = arith.constant 0 : i32
      %dma_start3A_269 = tpu.memref_slice %arg4[%squeeze3A_259, %squeeze3A_261, %dma_start3A_268] : memref<125000x8x64xf32, #tpu.memory_space<hbm>> -> memref<1x1x64xf32, #tpu.memory_space<hbm>>
      %dma_start3A_270 = tpu.memref_squeeze %dma_start3A_269 : memref<1x1x64xf32, #tpu.memory_space<hbm>> -> memref<1x64xf32, #tpu.memory_space<hbm>>
      %dma_start3A_271 = arith.constant 0 : i32
      %dma_start3A_272 = tpu.memref_slice %arg9[%add3A_265, %dma_start3A_271] : memref<512x64xf32, #tpu.memory_space<vmem>> -> memref<1x64xf32, #tpu.memory_space<vmem>>
      %dma_start3A_273 = arith.constant 0 : i32
      %dma_start3A_274 = tpu.memref_slice %arg4[%squeeze3A_259, %squeeze3A_261, %dma_start3A_273] : memref<125000x8x64xf32, #tpu.memory_space<hbm>> -> memref<1x1x64xf32, #tpu.memory_space<hbm>>
      %dma_start3A_275 = tpu.memref_squeeze %dma_start3A_274 : memref<1x1x64xf32, #tpu.memory_space<hbm>> -> memref<1x64xf32, #tpu.memory_space<hbm>>
      tpu.enqueue_dma source(%dma_start3A_275 : memref<1x64xf32, #tpu.memory_space<hbm>>) target(%dma_start3A_272 : memref<1x64xf32, #tpu.memory_space<vmem>>) target_semaphore(%arg10 : memref<!tpu.dma_semaphore, #tpu.memory_space<semaphore_mem>>)
      %slice3A_276 = vector.extract_strided_slice %shift_right_logical3A_149 {offsets = [7], sizes = [1], strides = [1]} : vector<16xi32> to vector<1xi32>
      %squeeze3A_277 = vector.extract %slice3A_276[0] : i32 from vector<1xi32>
      %slice3A_278 = vector.extract_strided_slice %and3A_151 {offsets = [7], sizes = [1], strides = [1]} : vector<16xi32> to vector<1xi32>
      %squeeze3A_279 = vector.extract %slice3A_278[0] : i32 from vector<1xi32>
      %mul3A_280 = arith.constant 16 : i32
      %mul3A_281 = arith.muli %scan3A_140, %mul3A_280 : i32
      %add3A_282 = arith.constant 7 : i32
      %add3A_283 = arith.addi %mul3A_281, %add3A_282 : i32
      %dma_start3A_284 = arith.constant 0 : i32
      %dma_start3A_285 = tpu.memref_slice %arg9[%add3A_283, %dma_start3A_284] : memref<512x64xf32, #tpu.memory_space<vmem>> -> memref<1x64xf32, #tpu.memory_space<vmem>>
      %dma_start3A_286 = arith.constant 0 : i32
      %dma_start3A_287 = tpu.memref_slice %arg4[%squeeze3A_277, %squeeze3A_279, %dma_start3A_286] : memref<125000x8x64xf32, #tpu.memory_space<hbm>> -> memref<1x1x64xf32, #tpu.memory_space<hbm>>
      %dma_start3A_288 = tpu.memref_squeeze %dma_start3A_287 : memref<1x1x64xf32, #tpu.memory_space<hbm>> -> memref<1x64xf32, #tpu.memory_space<hbm>>
      %dma_start3A_289 = arith.constant 0 : i32
      %dma_start3A_290 = tpu.memref_slice %arg9[%add3A_283, %dma_start3A_289] : memref<512x64xf32, #tpu.memory_space<vmem>> -> memref<1x64xf32, #tpu.memory_space<vmem>>
      %dma_start3A_291 = arith.constant 0 : i32
      %dma_start3A_292 = tpu.memref_slice %arg4[%squeeze3A_277, %squeeze3A_279, %dma_start3A_291] : memref<125000x8x64xf32, #tpu.memory_space<hbm>> -> memref<1x1x64xf32, #tpu.memory_space<hbm>>
      %dma_start3A_293 = tpu.memref_squeeze %dma_start3A_292 : memref<1x1x64xf32, #tpu.memory_space<hbm>> -> memref<1x64xf32, #tpu.memory_space<hbm>>
      tpu.enqueue_dma source(%dma_start3A_293 : memref<1x64xf32, #tpu.memory_space<hbm>>) target(%dma_start3A_290 : memref<1x64xf32, #tpu.memory_space<vmem>>) target_semaphore(%arg10 : memref<!tpu.dma_semaphore, #tpu.memory_space<semaphore_mem>>)
      %slice3A_294 = vector.extract_strided_slice %shift_right_logical3A_149 {offsets = [8], sizes = [1], strides = [1]} : vector<16xi32> to vector<1xi32>
      %squeeze3A_295 = vector.extract %slice3A_294[0] : i32 from vector<1xi32>
      %slice3A_296 = vector.extract_strided_slice %and3A_151 {offsets = [8], sizes = [1], strides = [1]} : vector<16xi32> to vector<1xi32>
      %squeeze3A_297 = vector.extract %slice3A_296[0] : i32 from vector<1xi32>
      %mul3A_298 = arith.constant 16 : i32
      %mul3A_299 = arith.muli %scan3A_140, %mul3A_298 : i32
      %add3A_300 = arith.constant 8 : i32
      %add3A_301 = arith.addi %mul3A_299, %add3A_300 : i32
      %dma_start3A_302 = arith.constant 0 : i32
      %dma_start3A_303 = tpu.memref_slice %arg9[%add3A_301, %dma_start3A_302] : memref<512x64xf32, #tpu.memory_space<vmem>> -> memref<1x64xf32, #tpu.memory_space<vmem>>
      %dma_start3A_304 = arith.constant 0 : i32
      %dma_start3A_305 = tpu.memref_slice %arg4[%squeeze3A_295, %squeeze3A_297, %dma_start3A_304] : memref<125000x8x64xf32, #tpu.memory_space<hbm>> -> memref<1x1x64xf32, #tpu.memory_space<hbm>>
      %dma_start3A_306 = tpu.memref_squeeze %dma_start3A_305 : memref<1x1x64xf32, #tpu.memory_space<hbm>> -> memref<1x64xf32, #tpu.memory_space<hbm>>
      %dma_start3A_307 = arith.constant 0 : i32
      %dma_start3A_308 = tpu.memref_slice %arg9[%add3A_301, %dma_start3A_307] : memref<512x64xf32, #tpu.memory_space<vmem>> -> memref<1x64xf32, #tpu.memory_space<vmem>>
      %dma_start3A_309 = arith.constant 0 : i32
      %dma_start3A_310 = tpu.memref_slice %arg4[%squeeze3A_295, %squeeze3A_297, %dma_start3A_309] : memref<125000x8x64xf32, #tpu.memory_space<hbm>> -> memref<1x1x64xf32, #tpu.memory_space<hbm>>
      %dma_start3A_311 = tpu.memref_squeeze %dma_start3A_310 : memref<1x1x64xf32, #tpu.memory_space<hbm>> -> memref<1x64xf32, #tpu.memory_space<hbm>>
      tpu.enqueue_dma source(%dma_start3A_311 : memref<1x64xf32, #tpu.memory_space<hbm>>) target(%dma_start3A_308 : memref<1x64xf32, #tpu.memory_space<vmem>>) target_semaphore(%arg10 : memref<!tpu.dma_semaphore, #tpu.memory_space<semaphore_mem>>)
      %slice3A_312 = vector.extract_strided_slice %shift_right_logical3A_149 {offsets = [9], sizes = [1], strides = [1]} : vector<16xi32> to vector<1xi32>
      %squeeze3A_313 = vector.extract %slice3A_312[0] : i32 from vector<1xi32>
      %slice3A_314 = vector.extract_strided_slice %and3A_151 {offsets = [9], sizes = [1], strides = [1]} : vector<16xi32> to vector<1xi32>
      %squeeze3A_315 = vector.extract %slice3A_314[0] : i32 from vector<1xi32>
      %mul3A_316 = arith.constant 16 : i32
      %mul3A_317 = arith.muli %scan3A_140, %mul3A_316 : i32
      %add3A_318 = arith.constant 9 : i32
      %add3A_319 = arith.addi %mul3A_317, %add3A_318 : i32
      %dma_start3A_320 = arith.constant 0 : i32
      %dma_start3A_321 = tpu.memref_slice %arg9[%add3A_319, %dma_start3A_320] : memref<512x64xf32, #tpu.memory_space<vmem>> -> memref<1x64xf32, #tpu.memory_space<vmem>>
      %dma_start3A_322 = arith.constant 0 : i32
      %dma_start3A_323 = tpu.memref_slice %arg4[%squeeze3A_313, %squeeze3A_315, %dma_start3A_322] : memref<125000x8x64xf32, #tpu.memory_space<hbm>> -> memref<1x1x64xf32, #tpu.memory_space<hbm>>
      %dma_start3A_324 = tpu.memref_squeeze %dma_start3A_323 : memref<1x1x64xf32, #tpu.memory_space<hbm>> -> memref<1x64xf32, #tpu.memory_space<hbm>>
      %dma_start3A_325 = arith.constant 0 : i32
      %dma_start3A_326 = tpu.memref_slice %arg9[%add3A_319, %dma_start3A_325] : memref<512x64xf32, #tpu.memory_space<vmem>> -> memref<1x64xf32, #tpu.memory_space<vmem>>
      %dma_start3A_327 = arith.constant 0 : i32
      %dma_start3A_328 = tpu.memref_slice %arg4[%squeeze3A_313, %squeeze3A_315, %dma_start3A_327] : memref<125000x8x64xf32, #tpu.memory_space<hbm>> -> memref<1x1x64xf32, #tpu.memory_space<hbm>>
      %dma_start3A_329 = tpu.memref_squeeze %dma_start3A_328 : memref<1x1x64xf32, #tpu.memory_space<hbm>> -> memref<1x64xf32, #tpu.memory_space<hbm>>
      tpu.enqueue_dma source(%dma_start3A_329 : memref<1x64xf32, #tpu.memory_space<hbm>>) target(%dma_start3A_326 : memref<1x64xf32, #tpu.memory_space<vmem>>) target_semaphore(%arg10 : memref<!tpu.dma_semaphore, #tpu.memory_space<semaphore_mem>>)
      %slice3A_330 = vector.extract_strided_slice %shift_right_logical3A_149 {offsets = [10], sizes = [1], strides = [1]} : vector<16xi32> to vector<1xi32>
      %squeeze3A_331 = vector.extract %slice3A_330[0] : i32 from vector<1xi32>
      %slice3A_332 = vector.extract_strided_slice %and3A_151 {offsets = [10], sizes = [1], strides = [1]} : vector<16xi32> to vector<1xi32>
      %squeeze3A_333 = vector.extract %slice3A_332[0] : i32 from vector<1xi32>
      %mul3A_334 = arith.constant 16 : i32
      %mul3A_335 = arith.muli %scan3A_140, %mul3A_334 : i32
      %add3A_336 = arith.constant 10 : i32
      %add3A_337 = arith.addi %mul3A_335, %add3A_336 : i32
      %dma_start3A_338 = arith.constant 0 : i32
      %dma_start3A_339 = tpu.memref_slice %arg9[%add3A_337, %dma_start3A_338] : memref<512x64xf32, #tpu.memory_space<vmem>> -> memref<1x64xf32, #tpu.memory_space<vmem>>
      %dma_start3A_340 = arith.constant 0 : i32
      %dma_start3A_341 = tpu.memref_slice %arg4[%squeeze3A_331, %squeeze3A_333, %dma_start3A_340] : memref<125000x8x64xf32, #tpu.memory_space<hbm>> -> memref<1x1x64xf32, #tpu.memory_space<hbm>>
      %dma_start3A_342 = tpu.memref_squeeze %dma_start3A_341 : memref<1x1x64xf32, #tpu.memory_space<hbm>> -> memref<1x64xf32, #tpu.memory_space<hbm>>
      %dma_start3A_343 = arith.constant 0 : i32
      %dma_start3A_344 = tpu.memref_slice %arg9[%add3A_337, %dma_start3A_343] : memref<512x64xf32, #tpu.memory_space<vmem>> -> memref<1x64xf32, #tpu.memory_space<vmem>>
      %dma_start3A_345 = arith.constant 0 : i32
      %dma_start3A_346 = tpu.memref_slice %arg4[%squeeze3A_331, %squeeze3A_333, %dma_start3A_345] : memref<125000x8x64xf32, #tpu.memory_space<hbm>> -> memref<1x1x64xf32, #tpu.memory_space<hbm>>
      %dma_start3A_347 = tpu.memref_squeeze %dma_start3A_346 : memref<1x1x64xf32, #tpu.memory_space<hbm>> -> memref<1x64xf32, #tpu.memory_space<hbm>>
      tpu.enqueue_dma source(%dma_start3A_347 : memref<1x64xf32, #tpu.memory_space<hbm>>) target(%dma_start3A_344 : memref<1x64xf32, #tpu.memory_space<vmem>>) target_semaphore(%arg10 : memref<!tpu.dma_semaphore, #tpu.memory_space<semaphore_mem>>)
      %slice3A_348 = vector.extract_strided_slice %shift_right_logical3A_149 {offsets = [11], sizes = [1], strides = [1]} : vector<16xi32> to vector<1xi32>
      %squeeze3A_349 = vector.extract %slice3A_348[0] : i32 from vector<1xi32>
      %slice3A_350 = vector.extract_strided_slice %and3A_151 {offsets = [11], sizes = [1], strides = [1]} : vector<16xi32> to vector<1xi32>
      %squeeze3A_351 = vector.extract %slice3A_350[0] : i32 from vector<1xi32>
      %mul3A_352 = arith.constant 16 : i32
      %mul3A_353 = arith.muli %scan3A_140, %mul3A_352 : i32
      %add3A_354 = arith.constant 11 : i32
      %add3A_355 = arith.addi %mul3A_353, %add3A_354 : i32
      %dma_start3A_356 = arith.constant 0 : i32
      %dma_start3A_357 = tpu.memref_slice %arg9[%add3A_355, %dma_start3A_356] : memref<512x64xf32, #tpu.memory_space<vmem>> -> memref<1x64xf32, #tpu.memory_space<vmem>>
      %dma_start3A_358 = arith.constant 0 : i32
      %dma_start3A_359 = tpu.memref_slice %arg4[%squeeze3A_349, %squeeze3A_351, %dma_start3A_358] : memref<125000x8x64xf32, #tpu.memory_space<hbm>> -> memref<1x1x64xf32, #tpu.memory_space<hbm>>
      %dma_start3A_360 = tpu.memref_squeeze %dma_start3A_359 : memref<1x1x64xf32, #tpu.memory_space<hbm>> -> memref<1x64xf32, #tpu.memory_space<hbm>>
      %dma_start3A_361 = arith.constant 0 : i32
      %dma_start3A_362 = tpu.memref_slice %arg9[%add3A_355, %dma_start3A_361] : memref<512x64xf32, #tpu.memory_space<vmem>> -> memref<1x64xf32, #tpu.memory_space<vmem>>
      %dma_start3A_363 = arith.constant 0 : i32
      %dma_start3A_364 = tpu.memref_slice %arg4[%squeeze3A_349, %squeeze3A_351, %dma_start3A_363] : memref<125000x8x64xf32, #tpu.memory_space<hbm>> -> memref<1x1x64xf32, #tpu.memory_space<hbm>>
      %dma_start3A_365 = tpu.memref_squeeze %dma_start3A_364 : memref<1x1x64xf32, #tpu.memory_space<hbm>> -> memref<1x64xf32, #tpu.memory_space<hbm>>
      tpu.enqueue_dma source(%dma_start3A_365 : memref<1x64xf32, #tpu.memory_space<hbm>>) target(%dma_start3A_362 : memref<1x64xf32, #tpu.memory_space<vmem>>) target_semaphore(%arg10 : memref<!tpu.dma_semaphore, #tpu.memory_space<semaphore_mem>>)
      %slice3A_366 = vector.extract_strided_slice %shift_right_logical3A_149 {offsets = [12], sizes = [1], strides = [1]} : vector<16xi32> to vector<1xi32>
      %squeeze3A_367 = vector.extract %slice3A_366[0] : i32 from vector<1xi32>
      %slice3A_368 = vector.extract_strided_slice %and3A_151 {offsets = [12], sizes = [1], strides = [1]} : vector<16xi32> to vector<1xi32>
      %squeeze3A_369 = vector.extract %slice3A_368[0] : i32 from vector<1xi32>
      %mul3A_370 = arith.constant 16 : i32
      %mul3A_371 = arith.muli %scan3A_140, %mul3A_370 : i32
      %add3A_372 = arith.constant 12 : i32
      %add3A_373 = arith.addi %mul3A_371, %add3A_372 : i32
      %dma_start3A_374 = arith.constant 0 : i32
      %dma_start3A_375 = tpu.memref_slice %arg9[%add3A_373, %dma_start3A_374] : memref<512x64xf32, #tpu.memory_space<vmem>> -> memref<1x64xf32, #tpu.memory_space<vmem>>
      %dma_start3A_376 = arith.constant 0 : i32
      %dma_start3A_377 = tpu.memref_slice %arg4[%squeeze3A_367, %squeeze3A_369, %dma_start3A_376] : memref<125000x8x64xf32, #tpu.memory_space<hbm>> -> memref<1x1x64xf32, #tpu.memory_space<hbm>>
      %dma_start3A_378 = tpu.memref_squeeze %dma_start3A_377 : memref<1x1x64xf32, #tpu.memory_space<hbm>> -> memref<1x64xf32, #tpu.memory_space<hbm>>
      %dma_start3A_379 = arith.constant 0 : i32
      %dma_start3A_380 = tpu.memref_slice %arg9[%add3A_373, %dma_start3A_379] : memref<512x64xf32, #tpu.memory_space<vmem>> -> memref<1x64xf32, #tpu.memory_space<vmem>>
      %dma_start3A_381 = arith.constant 0 : i32
      %dma_start3A_382 = tpu.memref_slice %arg4[%squeeze3A_367, %squeeze3A_369, %dma_start3A_381] : memref<125000x8x64xf32, #tpu.memory_space<hbm>> -> memref<1x1x64xf32, #tpu.memory_space<hbm>>
      %dma_start3A_383 = tpu.memref_squeeze %dma_start3A_382 : memref<1x1x64xf32, #tpu.memory_space<hbm>> -> memref<1x64xf32, #tpu.memory_space<hbm>>
      tpu.enqueue_dma source(%dma_start3A_383 : memref<1x64xf32, #tpu.memory_space<hbm>>) target(%dma_start3A_380 : memref<1x64xf32, #tpu.memory_space<vmem>>) target_semaphore(%arg10 : memref<!tpu.dma_semaphore, #tpu.memory_space<semaphore_mem>>)
      %slice3A_384 = vector.extract_strided_slice %shift_right_logical3A_149 {offsets = [13], sizes = [1], strides = [1]} : vector<16xi32> to vector<1xi32>
      %squeeze3A_385 = vector.extract %slice3A_384[0] : i32 from vector<1xi32>
      %slice3A_386 = vector.extract_strided_slice %and3A_151 {offsets = [13], sizes = [1], strides = [1]} : vector<16xi32> to vector<1xi32>
      %squeeze3A_387 = vector.extract %slice3A_386[0] : i32 from vector<1xi32>
      %mul3A_388 = arith.constant 16 : i32
      %mul3A_389 = arith.muli %scan3A_140, %mul3A_388 : i32
      %add3A_390 = arith.constant 13 : i32
      %add3A_391 = arith.addi %mul3A_389, %add3A_390 : i32
      %dma_start3A_392 = arith.constant 0 : i32
      %dma_start3A_393 = tpu.memref_slice %arg9[%add3A_391, %dma_start3A_392] : memref<512x64xf32, #tpu.memory_space<vmem>> -> memref<1x64xf32, #tpu.memory_space<vmem>>
      %dma_start3A_394 = arith.constant 0 : i32
      %dma_start3A_395 = tpu.memref_slice %arg4[%squeeze3A_385, %squeeze3A_387, %dma_start3A_394] : memref<125000x8x64xf32, #tpu.memory_space<hbm>> -> memref<1x1x64xf32, #tpu.memory_space<hbm>>
      %dma_start3A_396 = tpu.memref_squeeze %dma_start3A_395 : memref<1x1x64xf32, #tpu.memory_space<hbm>> -> memref<1x64xf32, #tpu.memory_space<hbm>>
      %dma_start3A_397 = arith.constant 0 : i32
      %dma_start3A_398 = tpu.memref_slice %arg9[%add3A_391, %dma_start3A_397] : memref<512x64xf32, #tpu.memory_space<vmem>> -> memref<1x64xf32, #tpu.memory_space<vmem>>
      %dma_start3A_399 = arith.constant 0 : i32
      %dma_start3A_400 = tpu.memref_slice %arg4[%squeeze3A_385, %squeeze3A_387, %dma_start3A_399] : memref<125000x8x64xf32, #tpu.memory_space<hbm>> -> memref<1x1x64xf32, #tpu.memory_space<hbm>>
      %dma_start3A_401 = tpu.memref_squeeze %dma_start3A_400 : memref<1x1x64xf32, #tpu.memory_space<hbm>> -> memref<1x64xf32, #tpu.memory_space<hbm>>
      tpu.enqueue_dma source(%dma_start3A_401 : memref<1x64xf32, #tpu.memory_space<hbm>>) target(%dma_start3A_398 : memref<1x64xf32, #tpu.memory_space<vmem>>) target_semaphore(%arg10 : memref<!tpu.dma_semaphore, #tpu.memory_space<semaphore_mem>>)
      %slice3A_402 = vector.extract_strided_slice %shift_right_logical3A_149 {offsets = [14], sizes = [1], strides = [1]} : vector<16xi32> to vector<1xi32>
      %squeeze3A_403 = vector.extract %slice3A_402[0] : i32 from vector<1xi32>
      %slice3A_404 = vector.extract_strided_slice %and3A_151 {offsets = [14], sizes = [1], strides = [1]} : vector<16xi32> to vector<1xi32>
      %squeeze3A_405 = vector.extract %slice3A_404[0] : i32 from vector<1xi32>
      %mul3A_406 = arith.constant 16 : i32
      %mul3A_407 = arith.muli %scan3A_140, %mul3A_406 : i32
      %add3A_408 = arith.constant 14 : i32
      %add3A_409 = arith.addi %mul3A_407, %add3A_408 : i32
      %dma_start3A_410 = arith.constant 0 : i32
      %dma_start3A_411 = tpu.memref_slice %arg9[%add3A_409, %dma_start3A_410] : memref<512x64xf32, #tpu.memory_space<vmem>> -> memref<1x64xf32, #tpu.memory_space<vmem>>
      %dma_start3A_412 = arith.constant 0 : i32
      %dma_start3A_413 = tpu.memref_slice %arg4[%squeeze3A_403, %squeeze3A_405, %dma_start3A_412] : memref<125000x8x64xf32, #tpu.memory_space<hbm>> -> memref<1x1x64xf32, #tpu.memory_space<hbm>>
      %dma_start3A_414 = tpu.memref_squeeze %dma_start3A_413 : memref<1x1x64xf32, #tpu.memory_space<hbm>> -> memref<1x64xf32, #tpu.memory_space<hbm>>
      %dma_start3A_415 = arith.constant 0 : i32
      %dma_start3A_416 = tpu.memref_slice %arg9[%add3A_409, %dma_start3A_415] : memref<512x64xf32, #tpu.memory_space<vmem>> -> memref<1x64xf32, #tpu.memory_space<vmem>>
      %dma_start3A_417 = arith.constant 0 : i32
      %dma_start3A_418 = tpu.memref_slice %arg4[%squeeze3A_403, %squeeze3A_405, %dma_start3A_417] : memref<125000x8x64xf32, #tpu.memory_space<hbm>> -> memref<1x1x64xf32, #tpu.memory_space<hbm>>
      %dma_start3A_419 = tpu.memref_squeeze %dma_start3A_418 : memref<1x1x64xf32, #tpu.memory_space<hbm>> -> memref<1x64xf32, #tpu.memory_space<hbm>>
      tpu.enqueue_dma source(%dma_start3A_419 : memref<1x64xf32, #tpu.memory_space<hbm>>) target(%dma_start3A_416 : memref<1x64xf32, #tpu.memory_space<vmem>>) target_semaphore(%arg10 : memref<!tpu.dma_semaphore, #tpu.memory_space<semaphore_mem>>)
      %slice3A_420 = vector.extract_strided_slice %shift_right_logical3A_149 {offsets = [15], sizes = [1], strides = [1]} : vector<16xi32> to vector<1xi32>
      %squeeze3A_421 = vector.extract %slice3A_420[0] : i32 from vector<1xi32>
      %slice3A_422 = vector.extract_strided_slice %and3A_151 {offsets = [15], sizes = [1], strides = [1]} : vector<16xi32> to vector<1xi32>
      %squeeze3A_423 = vector.extract %slice3A_422[0] : i32 from vector<1xi32>
      %mul3A_424 = arith.constant 16 : i32
      %mul3A_425 = arith.muli %scan3A_140, %mul3A_424 : i32
      %add3A_426 = arith.constant 15 : i32
      %add3A_427 = arith.addi %mul3A_425, %add3A_426 : i32
      %dma_start3A_428 = arith.constant 0 : i32
      %dma_start3A_429 = tpu.memref_slice %arg9[%add3A_427, %dma_start3A_428] : memref<512x64xf32, #tpu.memory_space<vmem>> -> memref<1x64xf32, #tpu.memory_space<vmem>>
      %dma_start3A_430 = arith.constant 0 : i32
      %dma_start3A_431 = tpu.memref_slice %arg4[%squeeze3A_421, %squeeze3A_423, %dma_start3A_430] : memref<125000x8x64xf32, #tpu.memory_space<hbm>> -> memref<1x1x64xf32, #tpu.memory_space<hbm>>
      %dma_start3A_432 = tpu.memref_squeeze %dma_start3A_431 : memref<1x1x64xf32, #tpu.memory_space<hbm>> -> memref<1x64xf32, #tpu.memory_space<hbm>>
      %dma_start3A_433 = arith.constant 0 : i32
      %dma_start3A_434 = tpu.memref_slice %arg9[%add3A_427, %dma_start3A_433] : memref<512x64xf32, #tpu.memory_space<vmem>> -> memref<1x64xf32, #tpu.memory_space<vmem>>
      %dma_start3A_435 = arith.constant 0 : i32
      %dma_start3A_436 = tpu.memref_slice %arg4[%squeeze3A_421, %squeeze3A_423, %dma_start3A_435] : memref<125000x8x64xf32, #tpu.memory_space<hbm>> -> memref<1x1x64xf32, #tpu.memory_space<hbm>>
      %dma_start3A_437 = tpu.memref_squeeze %dma_start3A_436 : memref<1x1x64xf32, #tpu.memory_space<hbm>> -> memref<1x64xf32, #tpu.memory_space<hbm>>
      tpu.enqueue_dma source(%dma_start3A_437 : memref<1x64xf32, #tpu.memory_space<hbm>>) target(%dma_start3A_434 : memref<1x64xf32, #tpu.memory_space<vmem>>) target_semaphore(%arg10 : memref<!tpu.dma_semaphore, #tpu.memory_space<semaphore_mem>>)
      %scan3A_438 = arith.constant 0 : i32
      scf.yield %scan3A_438 : i32
    }
    %scan3A_101 = arith.constant 32 : i32
    %dma_wait3A_102 = arith.constant 0 : i32
    %dma_wait3A_103 = arith.constant 0 : i32
    %dma_wait3A_104 = tpu.memref_slice %arg7[%dma_wait3A_102, %dma_wait3A_103] : memref<65536x64xf32, #tpu.memory_space<hbm>> -> memref<512x64xf32, #tpu.memory_space<hbm>>
    %dma_wait3A_105 = arith.constant 0 : i32
    %dma_wait3A_106 = arith.constant 0 : i32
    %dma_wait3A_107 = tpu.memref_slice %arg7[%dma_wait3A_105, %dma_wait3A_106] : memref<65536x64xf32, #tpu.memory_space<hbm>> -> memref<512x64xf32, #tpu.memory_space<hbm>>
    tpu.wait_dma2 semaphore(%arg10 : memref<!tpu.dma_semaphore, #tpu.memory_space<semaphore_mem>>) src(%dma_wait3A_107 : memref<512x64xf32, #tpu.memory_space<hbm>>) dst(%arg9 : memref<512x64xf32, #tpu.memory_space<vmem>>)
    %add3A_108 = arith.constant 16384 : i32
    %add3A_109 = arith.addi %add3A_108, %mul3A_2 : i32
    "tpu.region"() ({
      %run_scoped3A = tpu.sem_alloc : memref<!tpu.dma_semaphore, #tpu.memory_space<semaphore_mem>>
      %dma_start3A_140 = arith.constant 0 : i32
      %dma_start3A_141 = tpu.memref_slice %arg7[%add3A_109, %dma_start3A_140] : memref<65536x64xf32, #tpu.memory_space<hbm>> -> memref<512x64xf32, #tpu.memory_space<hbm>>
      %dma_start3A_142 = arith.constant 0 : i32
      %dma_start3A_143 = tpu.memref_slice %arg7[%add3A_109, %dma_start3A_142] : memref<65536x64xf32, #tpu.memory_space<hbm>> -> memref<512x64xf32, #tpu.memory_space<hbm>>
      tpu.enqueue_dma source(%arg9 : memref<512x64xf32, #tpu.memory_space<vmem>>) target(%dma_start3A_143 : memref<512x64xf32, #tpu.memory_space<hbm>>) target_semaphore(%run_scoped3A : memref<!tpu.dma_semaphore, #tpu.memory_space<semaphore_mem>>)
      %dma_wait3A_144 = arith.constant 0 : i32
      %dma_wait3A_145 = tpu.memref_slice %arg7[%add3A_109, %dma_wait3A_144] : memref<65536x64xf32, #tpu.memory_space<hbm>> -> memref<512x64xf32, #tpu.memory_space<hbm>>
      %dma_wait3A_146 = arith.constant 0 : i32
      %dma_wait3A_147 = tpu.memref_slice %arg7[%add3A_109, %dma_wait3A_146] : memref<65536x64xf32, #tpu.memory_space<hbm>> -> memref<512x64xf32, #tpu.memory_space<hbm>>
      tpu.wait_dma2 semaphore(%run_scoped3A : memref<!tpu.dma_semaphore, #tpu.memory_space<semaphore_mem>>) src(%arg9 : memref<512x64xf32, #tpu.memory_space<vmem>>) dst(%dma_wait3A_147 : memref<512x64xf32, #tpu.memory_space<hbm>>)
      tpu.yield
    }) : () -> ()
    %scan3A_110 = arith.constant 0 : i32
    %scan3A_111 = arith.constant 0 : i32
    %scan3A_112 = arith.constant 32 : i32
    %scan3A_113 = arith.addi %scan3A_111, %scan3A_112 : i32
    %scan3A_114 = arith.constant 1 : i32
    %scan3A_115 = scf.for %scan3A_140 = %scan3A_111 to %scan3A_113 step %scan3A_114 iter_args(%scan3A_141 = %scan3A_110) -> (i32)  : i32 {
      %mul3A_142 = arith.constant 16 : i32
      %mul3A_143 = arith.muli %scan3A_140, %mul3A_142 : i32
      %get3A = arith.constant 2 : i32
      %get3A_144 = arith.index_cast %get3A : i32 to index
      %get3A_145 = arith.index_cast %mul3A_143 : i32 to index
      %get3A_146 = tpu.vector_load %arg8[%get3A_144, %get3A_145] {strides = array<i32>} : memref<4x512xi32, #tpu.memory_space<vmem>>, vector<1x16xi32>,
      %get3A_147 = vector.shape_cast %get3A_146 : vector<1x16xi32> to vector<16xi32>
      %shift_right_logical3A = arith.constant 3 : i32
      %shift_right_logical3A_148 = vector.broadcast %shift_right_logical3A : i32 to vector<16xi32>
      %shift_right_logical3A_149 = arith.shrui %get3A_147, %shift_right_logical3A_148 : vector<16xi32>
      %and3A = arith.constant 7 : i32
      %and3A_150 = vector.broadcast %and3A : i32 to vector<16xi32>
      %and3A_151 = arith.andi %get3A_147, %and3A_150 : vector<16xi32>
      %slice3A = vector.extract_strided_slice %shift_right_logical3A_149 {offsets = [0], sizes = [1], strides = [1]} : vector<16xi32> to vector<1xi32>
      %squeeze3A = vector.extract %slice3A[0] : i32 from vector<1xi32>
      %slice3A_152 = vector.extract_strided_slice %and3A_151 {offsets = [0], sizes = [1], strides = [1]} : vector<16xi32> to vector<1xi32>
      %squeeze3A_153 = vector.extract %slice3A_152[0] : i32 from vector<1xi32>
      %mul3A_154 = arith.constant 16 : i32
      %mul3A_155 = arith.muli %scan3A_140, %mul3A_154 : i32
      %add3A_156 = arith.constant 0 : i32
      %add3A_157 = arith.addi %mul3A_155, %add3A_156 : i32
      %dma_start3A_158 = arith.constant 0 : i32
      %dma_start3A_159 = tpu.memref_slice %arg9[%add3A_157, %dma_start3A_158] : memref<512x64xf32, #tpu.memory_space<vmem>> -> memref<1x64xf32, #tpu.memory_space<vmem>>
      %dma_start3A_160 = arith.constant 0 : i32
      %dma_start3A_161 = tpu.memref_slice %arg5[%squeeze3A, %squeeze3A_153, %dma_start3A_160] : memref<125x8x64xf32, #tpu.memory_space<hbm>> -> memref<1x1x64xf32, #tpu.memory_space<hbm>>
      %dma_start3A_162 = tpu.memref_squeeze %dma_start3A_161 : memref<1x1x64xf32, #tpu.memory_space<hbm>> -> memref<1x64xf32, #tpu.memory_space<hbm>>
      %dma_start3A_163 = arith.constant 0 : i32
      %dma_start3A_164 = tpu.memref_slice %arg9[%add3A_157, %dma_start3A_163] : memref<512x64xf32, #tpu.memory_space<vmem>> -> memref<1x64xf32, #tpu.memory_space<vmem>>
      %dma_start3A_165 = arith.constant 0 : i32
      %dma_start3A_166 = tpu.memref_slice %arg5[%squeeze3A, %squeeze3A_153, %dma_start3A_165] : memref<125x8x64xf32, #tpu.memory_space<hbm>> -> memref<1x1x64xf32, #tpu.memory_space<hbm>>
      %dma_start3A_167 = tpu.memref_squeeze %dma_start3A_166 : memref<1x1x64xf32, #tpu.memory_space<hbm>> -> memref<1x64xf32, #tpu.memory_space<hbm>>
      tpu.enqueue_dma source(%dma_start3A_167 : memref<1x64xf32, #tpu.memory_space<hbm>>) target(%dma_start3A_164 : memref<1x64xf32, #tpu.memory_space<vmem>>) target_semaphore(%arg10 : memref<!tpu.dma_semaphore, #tpu.memory_space<semaphore_mem>>)
      %slice3A_168 = vector.extract_strided_slice %shift_right_logical3A_149 {offsets = [1], sizes = [1], strides = [1]} : vector<16xi32> to vector<1xi32>
      %squeeze3A_169 = vector.extract %slice3A_168[0] : i32 from vector<1xi32>
      %slice3A_170 = vector.extract_strided_slice %and3A_151 {offsets = [1], sizes = [1], strides = [1]} : vector<16xi32> to vector<1xi32>
      %squeeze3A_171 = vector.extract %slice3A_170[0] : i32 from vector<1xi32>
      %mul3A_172 = arith.constant 16 : i32
      %mul3A_173 = arith.muli %scan3A_140, %mul3A_172 : i32
      %add3A_174 = arith.constant 1 : i32
      %add3A_175 = arith.addi %mul3A_173, %add3A_174 : i32
      %dma_start3A_176 = arith.constant 0 : i32
      %dma_start3A_177 = tpu.memref_slice %arg9[%add3A_175, %dma_start3A_176] : memref<512x64xf32, #tpu.memory_space<vmem>> -> memref<1x64xf32, #tpu.memory_space<vmem>>
      %dma_start3A_178 = arith.constant 0 : i32
      %dma_start3A_179 = tpu.memref_slice %arg5[%squeeze3A_169, %squeeze3A_171, %dma_start3A_178] : memref<125x8x64xf32, #tpu.memory_space<hbm>> -> memref<1x1x64xf32, #tpu.memory_space<hbm>>
      %dma_start3A_180 = tpu.memref_squeeze %dma_start3A_179 : memref<1x1x64xf32, #tpu.memory_space<hbm>> -> memref<1x64xf32, #tpu.memory_space<hbm>>
      %dma_start3A_181 = arith.constant 0 : i32
      %dma_start3A_182 = tpu.memref_slice %arg9[%add3A_175, %dma_start3A_181] : memref<512x64xf32, #tpu.memory_space<vmem>> -> memref<1x64xf32, #tpu.memory_space<vmem>>
      %dma_start3A_183 = arith.constant 0 : i32
      %dma_start3A_184 = tpu.memref_slice %arg5[%squeeze3A_169, %squeeze3A_171, %dma_start3A_183] : memref<125x8x64xf32, #tpu.memory_space<hbm>> -> memref<1x1x64xf32, #tpu.memory_space<hbm>>
      %dma_start3A_185 = tpu.memref_squeeze %dma_start3A_184 : memref<1x1x64xf32, #tpu.memory_space<hbm>> -> memref<1x64xf32, #tpu.memory_space<hbm>>
      tpu.enqueue_dma source(%dma_start3A_185 : memref<1x64xf32, #tpu.memory_space<hbm>>) target(%dma_start3A_182 : memref<1x64xf32, #tpu.memory_space<vmem>>) target_semaphore(%arg10 : memref<!tpu.dma_semaphore, #tpu.memory_space<semaphore_mem>>)
      %slice3A_186 = vector.extract_strided_slice %shift_right_logical3A_149 {offsets = [2], sizes = [1], strides = [1]} : vector<16xi32> to vector<1xi32>
      %squeeze3A_187 = vector.extract %slice3A_186[0] : i32 from vector<1xi32>
      %slice3A_188 = vector.extract_strided_slice %and3A_151 {offsets = [2], sizes = [1], strides = [1]} : vector<16xi32> to vector<1xi32>
      %squeeze3A_189 = vector.extract %slice3A_188[0] : i32 from vector<1xi32>
      %mul3A_190 = arith.constant 16 : i32
      %mul3A_191 = arith.muli %scan3A_140, %mul3A_190 : i32
      %add3A_192 = arith.constant 2 : i32
      %add3A_193 = arith.addi %mul3A_191, %add3A_192 : i32
      %dma_start3A_194 = arith.constant 0 : i32
      %dma_start3A_195 = tpu.memref_slice %arg9[%add3A_193, %dma_start3A_194] : memref<512x64xf32, #tpu.memory_space<vmem>> -> memref<1x64xf32, #tpu.memory_space<vmem>>
      %dma_start3A_196 = arith.constant 0 : i32
      %dma_start3A_197 = tpu.memref_slice %arg5[%squeeze3A_187, %squeeze3A_189, %dma_start3A_196] : memref<125x8x64xf32, #tpu.memory_space<hbm>> -> memref<1x1x64xf32, #tpu.memory_space<hbm>>
      %dma_start3A_198 = tpu.memref_squeeze %dma_start3A_197 : memref<1x1x64xf32, #tpu.memory_space<hbm>> -> memref<1x64xf32, #tpu.memory_space<hbm>>
      %dma_start3A_199 = arith.constant 0 : i32
      %dma_start3A_200 = tpu.memref_slice %arg9[%add3A_193, %dma_start3A_199] : memref<512x64xf32, #tpu.memory_space<vmem>> -> memref<1x64xf32, #tpu.memory_space<vmem>>
      %dma_start3A_201 = arith.constant 0 : i32
      %dma_start3A_202 = tpu.memref_slice %arg5[%squeeze3A_187, %squeeze3A_189, %dma_start3A_201] : memref<125x8x64xf32, #tpu.memory_space<hbm>> -> memref<1x1x64xf32, #tpu.memory_space<hbm>>
      %dma_start3A_203 = tpu.memref_squeeze %dma_start3A_202 : memref<1x1x64xf32, #tpu.memory_space<hbm>> -> memref<1x64xf32, #tpu.memory_space<hbm>>
      tpu.enqueue_dma source(%dma_start3A_203 : memref<1x64xf32, #tpu.memory_space<hbm>>) target(%dma_start3A_200 : memref<1x64xf32, #tpu.memory_space<vmem>>) target_semaphore(%arg10 : memref<!tpu.dma_semaphore, #tpu.memory_space<semaphore_mem>>)
      %slice3A_204 = vector.extract_strided_slice %shift_right_logical3A_149 {offsets = [3], sizes = [1], strides = [1]} : vector<16xi32> to vector<1xi32>
      %squeeze3A_205 = vector.extract %slice3A_204[0] : i32 from vector<1xi32>
      %slice3A_206 = vector.extract_strided_slice %and3A_151 {offsets = [3], sizes = [1], strides = [1]} : vector<16xi32> to vector<1xi32>
      %squeeze3A_207 = vector.extract %slice3A_206[0] : i32 from vector<1xi32>
      %mul3A_208 = arith.constant 16 : i32
      %mul3A_209 = arith.muli %scan3A_140, %mul3A_208 : i32
      %add3A_210 = arith.constant 3 : i32
      %add3A_211 = arith.addi %mul3A_209, %add3A_210 : i32
      %dma_start3A_212 = arith.constant 0 : i32
      %dma_start3A_213 = tpu.memref_slice %arg9[%add3A_211, %dma_start3A_212] : memref<512x64xf32, #tpu.memory_space<vmem>> -> memref<1x64xf32, #tpu.memory_space<vmem>>
      %dma_start3A_214 = arith.constant 0 : i32
      %dma_start3A_215 = tpu.memref_slice %arg5[%squeeze3A_205, %squeeze3A_207, %dma_start3A_214] : memref<125x8x64xf32, #tpu.memory_space<hbm>> -> memref<1x1x64xf32, #tpu.memory_space<hbm>>
      %dma_start3A_216 = tpu.memref_squeeze %dma_start3A_215 : memref<1x1x64xf32, #tpu.memory_space<hbm>> -> memref<1x64xf32, #tpu.memory_space<hbm>>
      %dma_start3A_217 = arith.constant 0 : i32
      %dma_start3A_218 = tpu.memref_slice %arg9[%add3A_211, %dma_start3A_217] : memref<512x64xf32, #tpu.memory_space<vmem>> -> memref<1x64xf32, #tpu.memory_space<vmem>>
      %dma_start3A_219 = arith.constant 0 : i32
      %dma_start3A_220 = tpu.memref_slice %arg5[%squeeze3A_205, %squeeze3A_207, %dma_start3A_219] : memref<125x8x64xf32, #tpu.memory_space<hbm>> -> memref<1x1x64xf32, #tpu.memory_space<hbm>>
      %dma_start3A_221 = tpu.memref_squeeze %dma_start3A_220 : memref<1x1x64xf32, #tpu.memory_space<hbm>> -> memref<1x64xf32, #tpu.memory_space<hbm>>
      tpu.enqueue_dma source(%dma_start3A_221 : memref<1x64xf32, #tpu.memory_space<hbm>>) target(%dma_start3A_218 : memref<1x64xf32, #tpu.memory_space<vmem>>) target_semaphore(%arg10 : memref<!tpu.dma_semaphore, #tpu.memory_space<semaphore_mem>>)
      %slice3A_222 = vector.extract_strided_slice %shift_right_logical3A_149 {offsets = [4], sizes = [1], strides = [1]} : vector<16xi32> to vector<1xi32>
      %squeeze3A_223 = vector.extract %slice3A_222[0] : i32 from vector<1xi32>
      %slice3A_224 = vector.extract_strided_slice %and3A_151 {offsets = [4], sizes = [1], strides = [1]} : vector<16xi32> to vector<1xi32>
      %squeeze3A_225 = vector.extract %slice3A_224[0] : i32 from vector<1xi32>
      %mul3A_226 = arith.constant 16 : i32
      %mul3A_227 = arith.muli %scan3A_140, %mul3A_226 : i32
      %add3A_228 = arith.constant 4 : i32
      %add3A_229 = arith.addi %mul3A_227, %add3A_228 : i32
      %dma_start3A_230 = arith.constant 0 : i32
      %dma_start3A_231 = tpu.memref_slice %arg9[%add3A_229, %dma_start3A_230] : memref<512x64xf32, #tpu.memory_space<vmem>> -> memref<1x64xf32, #tpu.memory_space<vmem>>
      %dma_start3A_232 = arith.constant 0 : i32
      %dma_start3A_233 = tpu.memref_slice %arg5[%squeeze3A_223, %squeeze3A_225, %dma_start3A_232] : memref<125x8x64xf32, #tpu.memory_space<hbm>> -> memref<1x1x64xf32, #tpu.memory_space<hbm>>
      %dma_start3A_234 = tpu.memref_squeeze %dma_start3A_233 : memref<1x1x64xf32, #tpu.memory_space<hbm>> -> memref<1x64xf32, #tpu.memory_space<hbm>>
      %dma_start3A_235 = arith.constant 0 : i32
      %dma_start3A_236 = tpu.memref_slice %arg9[%add3A_229, %dma_start3A_235] : memref<512x64xf32, #tpu.memory_space<vmem>> -> memref<1x64xf32, #tpu.memory_space<vmem>>
      %dma_start3A_237 = arith.constant 0 : i32
      %dma_start3A_238 = tpu.memref_slice %arg5[%squeeze3A_223, %squeeze3A_225, %dma_start3A_237] : memref<125x8x64xf32, #tpu.memory_space<hbm>> -> memref<1x1x64xf32, #tpu.memory_space<hbm>>
      %dma_start3A_239 = tpu.memref_squeeze %dma_start3A_238 : memref<1x1x64xf32, #tpu.memory_space<hbm>> -> memref<1x64xf32, #tpu.memory_space<hbm>>
      tpu.enqueue_dma source(%dma_start3A_239 : memref<1x64xf32, #tpu.memory_space<hbm>>) target(%dma_start3A_236 : memref<1x64xf32, #tpu.memory_space<vmem>>) target_semaphore(%arg10 : memref<!tpu.dma_semaphore, #tpu.memory_space<semaphore_mem>>)
      %slice3A_240 = vector.extract_strided_slice %shift_right_logical3A_149 {offsets = [5], sizes = [1], strides = [1]} : vector<16xi32> to vector<1xi32>
      %squeeze3A_241 = vector.extract %slice3A_240[0] : i32 from vector<1xi32>
      %slice3A_242 = vector.extract_strided_slice %and3A_151 {offsets = [5], sizes = [1], strides = [1]} : vector<16xi32> to vector<1xi32>
      %squeeze3A_243 = vector.extract %slice3A_242[0] : i32 from vector<1xi32>
      %mul3A_244 = arith.constant 16 : i32
      %mul3A_245 = arith.muli %scan3A_140, %mul3A_244 : i32
      %add3A_246 = arith.constant 5 : i32
      %add3A_247 = arith.addi %mul3A_245, %add3A_246 : i32
      %dma_start3A_248 = arith.constant 0 : i32
      %dma_start3A_249 = tpu.memref_slice %arg9[%add3A_247, %dma_start3A_248] : memref<512x64xf32, #tpu.memory_space<vmem>> -> memref<1x64xf32, #tpu.memory_space<vmem>>
      %dma_start3A_250 = arith.constant 0 : i32
      %dma_start3A_251 = tpu.memref_slice %arg5[%squeeze3A_241, %squeeze3A_243, %dma_start3A_250] : memref<125x8x64xf32, #tpu.memory_space<hbm>> -> memref<1x1x64xf32, #tpu.memory_space<hbm>>
      %dma_start3A_252 = tpu.memref_squeeze %dma_start3A_251 : memref<1x1x64xf32, #tpu.memory_space<hbm>> -> memref<1x64xf32, #tpu.memory_space<hbm>>
      %dma_start3A_253 = arith.constant 0 : i32
      %dma_start3A_254 = tpu.memref_slice %arg9[%add3A_247, %dma_start3A_253] : memref<512x64xf32, #tpu.memory_space<vmem>> -> memref<1x64xf32, #tpu.memory_space<vmem>>
      %dma_start3A_255 = arith.constant 0 : i32
      %dma_start3A_256 = tpu.memref_slice %arg5[%squeeze3A_241, %squeeze3A_243, %dma_start3A_255] : memref<125x8x64xf32, #tpu.memory_space<hbm>> -> memref<1x1x64xf32, #tpu.memory_space<hbm>>
      %dma_start3A_257 = tpu.memref_squeeze %dma_start3A_256 : memref<1x1x64xf32, #tpu.memory_space<hbm>> -> memref<1x64xf32, #tpu.memory_space<hbm>>
      tpu.enqueue_dma source(%dma_start3A_257 : memref<1x64xf32, #tpu.memory_space<hbm>>) target(%dma_start3A_254 : memref<1x64xf32, #tpu.memory_space<vmem>>) target_semaphore(%arg10 : memref<!tpu.dma_semaphore, #tpu.memory_space<semaphore_mem>>)
      %slice3A_258 = vector.extract_strided_slice %shift_right_logical3A_149 {offsets = [6], sizes = [1], strides = [1]} : vector<16xi32> to vector<1xi32>
      %squeeze3A_259 = vector.extract %slice3A_258[0] : i32 from vector<1xi32>
      %slice3A_260 = vector.extract_strided_slice %and3A_151 {offsets = [6], sizes = [1], strides = [1]} : vector<16xi32> to vector<1xi32>
      %squeeze3A_261 = vector.extract %slice3A_260[0] : i32 from vector<1xi32>
      %mul3A_262 = arith.constant 16 : i32
      %mul3A_263 = arith.muli %scan3A_140, %mul3A_262 : i32
      %add3A_264 = arith.constant 6 : i32
      %add3A_265 = arith.addi %mul3A_263, %add3A_264 : i32
      %dma_start3A_266 = arith.constant 0 : i32
      %dma_start3A_267 = tpu.memref_slice %arg9[%add3A_265, %dma_start3A_266] : memref<512x64xf32, #tpu.memory_space<vmem>> -> memref<1x64xf32, #tpu.memory_space<vmem>>
      %dma_start3A_268 = arith.constant 0 : i32
      %dma_start3A_269 = tpu.memref_slice %arg5[%squeeze3A_259, %squeeze3A_261, %dma_start3A_268] : memref<125x8x64xf32, #tpu.memory_space<hbm>> -> memref<1x1x64xf32, #tpu.memory_space<hbm>>
      %dma_start3A_270 = tpu.memref_squeeze %dma_start3A_269 : memref<1x1x64xf32, #tpu.memory_space<hbm>> -> memref<1x64xf32, #tpu.memory_space<hbm>>
      %dma_start3A_271 = arith.constant 0 : i32
      %dma_start3A_272 = tpu.memref_slice %arg9[%add3A_265, %dma_start3A_271] : memref<512x64xf32, #tpu.memory_space<vmem>> -> memref<1x64xf32, #tpu.memory_space<vmem>>
      %dma_start3A_273 = arith.constant 0 : i32
      %dma_start3A_274 = tpu.memref_slice %arg5[%squeeze3A_259, %squeeze3A_261, %dma_start3A_273] : memref<125x8x64xf32, #tpu.memory_space<hbm>> -> memref<1x1x64xf32, #tpu.memory_space<hbm>>
      %dma_start3A_275 = tpu.memref_squeeze %dma_start3A_274 : memref<1x1x64xf32, #tpu.memory_space<hbm>> -> memref<1x64xf32, #tpu.memory_space<hbm>>
      tpu.enqueue_dma source(%dma_start3A_275 : memref<1x64xf32, #tpu.memory_space<hbm>>) target(%dma_start3A_272 : memref<1x64xf32, #tpu.memory_space<vmem>>) target_semaphore(%arg10 : memref<!tpu.dma_semaphore, #tpu.memory_space<semaphore_mem>>)
      %slice3A_276 = vector.extract_strided_slice %shift_right_logical3A_149 {offsets = [7], sizes = [1], strides = [1]} : vector<16xi32> to vector<1xi32>
      %squeeze3A_277 = vector.extract %slice3A_276[0] : i32 from vector<1xi32>
      %slice3A_278 = vector.extract_strided_slice %and3A_151 {offsets = [7], sizes = [1], strides = [1]} : vector<16xi32> to vector<1xi32>
      %squeeze3A_279 = vector.extract %slice3A_278[0] : i32 from vector<1xi32>
      %mul3A_280 = arith.constant 16 : i32
      %mul3A_281 = arith.muli %scan3A_140, %mul3A_280 : i32
      %add3A_282 = arith.constant 7 : i32
      %add3A_283 = arith.addi %mul3A_281, %add3A_282 : i32
      %dma_start3A_284 = arith.constant 0 : i32
      %dma_start3A_285 = tpu.memref_slice %arg9[%add3A_283, %dma_start3A_284] : memref<512x64xf32, #tpu.memory_space<vmem>> -> memref<1x64xf32, #tpu.memory_space<vmem>>
      %dma_start3A_286 = arith.constant 0 : i32
      %dma_start3A_287 = tpu.memref_slice %arg5[%squeeze3A_277, %squeeze3A_279, %dma_start3A_286] : memref<125x8x64xf32, #tpu.memory_space<hbm>> -> memref<1x1x64xf32, #tpu.memory_space<hbm>>
      %dma_start3A_288 = tpu.memref_squeeze %dma_start3A_287 : memref<1x1x64xf32, #tpu.memory_space<hbm>> -> memref<1x64xf32, #tpu.memory_space<hbm>>
      %dma_start3A_289 = arith.constant 0 : i32
      %dma_start3A_290 = tpu.memref_slice %arg9[%add3A_283, %dma_start3A_289] : memref<512x64xf32, #tpu.memory_space<vmem>> -> memref<1x64xf32, #tpu.memory_space<vmem>>
      %dma_start3A_291 = arith.constant 0 : i32
      %dma_start3A_292 = tpu.memref_slice %arg5[%squeeze3A_277, %squeeze3A_279, %dma_start3A_291] : memref<125x8x64xf32, #tpu.memory_space<hbm>> -> memref<1x1x64xf32, #tpu.memory_space<hbm>>
      %dma_start3A_293 = tpu.memref_squeeze %dma_start3A_292 : memref<1x1x64xf32, #tpu.memory_space<hbm>> -> memref<1x64xf32, #tpu.memory_space<hbm>>
      tpu.enqueue_dma source(%dma_start3A_293 : memref<1x64xf32, #tpu.memory_space<hbm>>) target(%dma_start3A_290 : memref<1x64xf32, #tpu.memory_space<vmem>>) target_semaphore(%arg10 : memref<!tpu.dma_semaphore, #tpu.memory_space<semaphore_mem>>)
      %slice3A_294 = vector.extract_strided_slice %shift_right_logical3A_149 {offsets = [8], sizes = [1], strides = [1]} : vector<16xi32> to vector<1xi32>
      %squeeze3A_295 = vector.extract %slice3A_294[0] : i32 from vector<1xi32>
      %slice3A_296 = vector.extract_strided_slice %and3A_151 {offsets = [8], sizes = [1], strides = [1]} : vector<16xi32> to vector<1xi32>
      %squeeze3A_297 = vector.extract %slice3A_296[0] : i32 from vector<1xi32>
      %mul3A_298 = arith.constant 16 : i32
      %mul3A_299 = arith.muli %scan3A_140, %mul3A_298 : i32
      %add3A_300 = arith.constant 8 : i32
      %add3A_301 = arith.addi %mul3A_299, %add3A_300 : i32
      %dma_start3A_302 = arith.constant 0 : i32
      %dma_start3A_303 = tpu.memref_slice %arg9[%add3A_301, %dma_start3A_302] : memref<512x64xf32, #tpu.memory_space<vmem>> -> memref<1x64xf32, #tpu.memory_space<vmem>>
      %dma_start3A_304 = arith.constant 0 : i32
      %dma_start3A_305 = tpu.memref_slice %arg5[%squeeze3A_295, %squeeze3A_297, %dma_start3A_304] : memref<125x8x64xf32, #tpu.memory_space<hbm>> -> memref<1x1x64xf32, #tpu.memory_space<hbm>>
      %dma_start3A_306 = tpu.memref_squeeze %dma_start3A_305 : memref<1x1x64xf32, #tpu.memory_space<hbm>> -> memref<1x64xf32, #tpu.memory_space<hbm>>
      %dma_start3A_307 = arith.constant 0 : i32
      %dma_start3A_308 = tpu.memref_slice %arg9[%add3A_301, %dma_start3A_307] : memref<512x64xf32, #tpu.memory_space<vmem>> -> memref<1x64xf32, #tpu.memory_space<vmem>>
      %dma_start3A_309 = arith.constant 0 : i32
      %dma_start3A_310 = tpu.memref_slice %arg5[%squeeze3A_295, %squeeze3A_297, %dma_start3A_309] : memref<125x8x64xf32, #tpu.memory_space<hbm>> -> memref<1x1x64xf32, #tpu.memory_space<hbm>>
      %dma_start3A_311 = tpu.memref_squeeze %dma_start3A_310 : memref<1x1x64xf32, #tpu.memory_space<hbm>> -> memref<1x64xf32, #tpu.memory_space<hbm>>
      tpu.enqueue_dma source(%dma_start3A_311 : memref<1x64xf32, #tpu.memory_space<hbm>>) target(%dma_start3A_308 : memref<1x64xf32, #tpu.memory_space<vmem>>) target_semaphore(%arg10 : memref<!tpu.dma_semaphore, #tpu.memory_space<semaphore_mem>>)
      %slice3A_312 = vector.extract_strided_slice %shift_right_logical3A_149 {offsets = [9], sizes = [1], strides = [1]} : vector<16xi32> to vector<1xi32>
      %squeeze3A_313 = vector.extract %slice3A_312[0] : i32 from vector<1xi32>
      %slice3A_314 = vector.extract_strided_slice %and3A_151 {offsets = [9], sizes = [1], strides = [1]} : vector<16xi32> to vector<1xi32>
      %squeeze3A_315 = vector.extract %slice3A_314[0] : i32 from vector<1xi32>
      %mul3A_316 = arith.constant 16 : i32
      %mul3A_317 = arith.muli %scan3A_140, %mul3A_316 : i32
      %add3A_318 = arith.constant 9 : i32
      %add3A_319 = arith.addi %mul3A_317, %add3A_318 : i32
      %dma_start3A_320 = arith.constant 0 : i32
      %dma_start3A_321 = tpu.memref_slice %arg9[%add3A_319, %dma_start3A_320] : memref<512x64xf32, #tpu.memory_space<vmem>> -> memref<1x64xf32, #tpu.memory_space<vmem>>
      %dma_start3A_322 = arith.constant 0 : i32
      %dma_start3A_323 = tpu.memref_slice %arg5[%squeeze3A_313, %squeeze3A_315, %dma_start3A_322] : memref<125x8x64xf32, #tpu.memory_space<hbm>> -> memref<1x1x64xf32, #tpu.memory_space<hbm>>
      %dma_start3A_324 = tpu.memref_squeeze %dma_start3A_323 : memref<1x1x64xf32, #tpu.memory_space<hbm>> -> memref<1x64xf32, #tpu.memory_space<hbm>>
      %dma_start3A_325 = arith.constant 0 : i32
      %dma_start3A_326 = tpu.memref_slice %arg9[%add3A_319, %dma_start3A_325] : memref<512x64xf32, #tpu.memory_space<vmem>> -> memref<1x64xf32, #tpu.memory_space<vmem>>
      %dma_start3A_327 = arith.constant 0 : i32
      %dma_start3A_328 = tpu.memref_slice %arg5[%squeeze3A_313, %squeeze3A_315, %dma_start3A_327] : memref<125x8x64xf32, #tpu.memory_space<hbm>> -> memref<1x1x64xf32, #tpu.memory_space<hbm>>
      %dma_start3A_329 = tpu.memref_squeeze %dma_start3A_328 : memref<1x1x64xf32, #tpu.memory_space<hbm>> -> memref<1x64xf32, #tpu.memory_space<hbm>>
      tpu.enqueue_dma source(%dma_start3A_329 : memref<1x64xf32, #tpu.memory_space<hbm>>) target(%dma_start3A_326 : memref<1x64xf32, #tpu.memory_space<vmem>>) target_semaphore(%arg10 : memref<!tpu.dma_semaphore, #tpu.memory_space<semaphore_mem>>)
      %slice3A_330 = vector.extract_strided_slice %shift_right_logical3A_149 {offsets = [10], sizes = [1], strides = [1]} : vector<16xi32> to vector<1xi32>
      %squeeze3A_331 = vector.extract %slice3A_330[0] : i32 from vector<1xi32>
      %slice3A_332 = vector.extract_strided_slice %and3A_151 {offsets = [10], sizes = [1], strides = [1]} : vector<16xi32> to vector<1xi32>
      %squeeze3A_333 = vector.extract %slice3A_332[0] : i32 from vector<1xi32>
      %mul3A_334 = arith.constant 16 : i32
      %mul3A_335 = arith.muli %scan3A_140, %mul3A_334 : i32
      %add3A_336 = arith.constant 10 : i32
      %add3A_337 = arith.addi %mul3A_335, %add3A_336 : i32
      %dma_start3A_338 = arith.constant 0 : i32
      %dma_start3A_339 = tpu.memref_slice %arg9[%add3A_337, %dma_start3A_338] : memref<512x64xf32, #tpu.memory_space<vmem>> -> memref<1x64xf32, #tpu.memory_space<vmem>>
      %dma_start3A_340 = arith.constant 0 : i32
      %dma_start3A_341 = tpu.memref_slice %arg5[%squeeze3A_331, %squeeze3A_333, %dma_start3A_340] : memref<125x8x64xf32, #tpu.memory_space<hbm>> -> memref<1x1x64xf32, #tpu.memory_space<hbm>>
      %dma_start3A_342 = tpu.memref_squeeze %dma_start3A_341 : memref<1x1x64xf32, #tpu.memory_space<hbm>> -> memref<1x64xf32, #tpu.memory_space<hbm>>
      %dma_start3A_343 = arith.constant 0 : i32
      %dma_start3A_344 = tpu.memref_slice %arg9[%add3A_337, %dma_start3A_343] : memref<512x64xf32, #tpu.memory_space<vmem>> -> memref<1x64xf32, #tpu.memory_space<vmem>>
      %dma_start3A_345 = arith.constant 0 : i32
      %dma_start3A_346 = tpu.memref_slice %arg5[%squeeze3A_331, %squeeze3A_333, %dma_start3A_345] : memref<125x8x64xf32, #tpu.memory_space<hbm>> -> memref<1x1x64xf32, #tpu.memory_space<hbm>>
      %dma_start3A_347 = tpu.memref_squeeze %dma_start3A_346 : memref<1x1x64xf32, #tpu.memory_space<hbm>> -> memref<1x64xf32, #tpu.memory_space<hbm>>
      tpu.enqueue_dma source(%dma_start3A_347 : memref<1x64xf32, #tpu.memory_space<hbm>>) target(%dma_start3A_344 : memref<1x64xf32, #tpu.memory_space<vmem>>) target_semaphore(%arg10 : memref<!tpu.dma_semaphore, #tpu.memory_space<semaphore_mem>>)
      %slice3A_348 = vector.extract_strided_slice %shift_right_logical3A_149 {offsets = [11], sizes = [1], strides = [1]} : vector<16xi32> to vector<1xi32>
      %squeeze3A_349 = vector.extract %slice3A_348[0] : i32 from vector<1xi32>
      %slice3A_350 = vector.extract_strided_slice %and3A_151 {offsets = [11], sizes = [1], strides = [1]} : vector<16xi32> to vector<1xi32>
      %squeeze3A_351 = vector.extract %slice3A_350[0] : i32 from vector<1xi32>
      %mul3A_352 = arith.constant 16 : i32
      %mul3A_353 = arith.muli %scan3A_140, %mul3A_352 : i32
      %add3A_354 = arith.constant 11 : i32
      %add3A_355 = arith.addi %mul3A_353, %add3A_354 : i32
      %dma_start3A_356 = arith.constant 0 : i32
      %dma_start3A_357 = tpu.memref_slice %arg9[%add3A_355, %dma_start3A_356] : memref<512x64xf32, #tpu.memory_space<vmem>> -> memref<1x64xf32, #tpu.memory_space<vmem>>
      %dma_start3A_358 = arith.constant 0 : i32
      %dma_start3A_359 = tpu.memref_slice %arg5[%squeeze3A_349, %squeeze3A_351, %dma_start3A_358] : memref<125x8x64xf32, #tpu.memory_space<hbm>> -> memref<1x1x64xf32, #tpu.memory_space<hbm>>
      %dma_start3A_360 = tpu.memref_squeeze %dma_start3A_359 : memref<1x1x64xf32, #tpu.memory_space<hbm>> -> memref<1x64xf32, #tpu.memory_space<hbm>>
      %dma_start3A_361 = arith.constant 0 : i32
      %dma_start3A_362 = tpu.memref_slice %arg9[%add3A_355, %dma_start3A_361] : memref<512x64xf32, #tpu.memory_space<vmem>> -> memref<1x64xf32, #tpu.memory_space<vmem>>
      %dma_start3A_363 = arith.constant 0 : i32
      %dma_start3A_364 = tpu.memref_slice %arg5[%squeeze3A_349, %squeeze3A_351, %dma_start3A_363] : memref<125x8x64xf32, #tpu.memory_space<hbm>> -> memref<1x1x64xf32, #tpu.memory_space<hbm>>
      %dma_start3A_365 = tpu.memref_squeeze %dma_start3A_364 : memref<1x1x64xf32, #tpu.memory_space<hbm>> -> memref<1x64xf32, #tpu.memory_space<hbm>>
      tpu.enqueue_dma source(%dma_start3A_365 : memref<1x64xf32, #tpu.memory_space<hbm>>) target(%dma_start3A_362 : memref<1x64xf32, #tpu.memory_space<vmem>>) target_semaphore(%arg10 : memref<!tpu.dma_semaphore, #tpu.memory_space<semaphore_mem>>)
      %slice3A_366 = vector.extract_strided_slice %shift_right_logical3A_149 {offsets = [12], sizes = [1], strides = [1]} : vector<16xi32> to vector<1xi32>
      %squeeze3A_367 = vector.extract %slice3A_366[0] : i32 from vector<1xi32>
      %slice3A_368 = vector.extract_strided_slice %and3A_151 {offsets = [12], sizes = [1], strides = [1]} : vector<16xi32> to vector<1xi32>
      %squeeze3A_369 = vector.extract %slice3A_368[0] : i32 from vector<1xi32>
      %mul3A_370 = arith.constant 16 : i32
      %mul3A_371 = arith.muli %scan3A_140, %mul3A_370 : i32
      %add3A_372 = arith.constant 12 : i32
      %add3A_373 = arith.addi %mul3A_371, %add3A_372 : i32
      %dma_start3A_374 = arith.constant 0 : i32
      %dma_start3A_375 = tpu.memref_slice %arg9[%add3A_373, %dma_start3A_374] : memref<512x64xf32, #tpu.memory_space<vmem>> -> memref<1x64xf32, #tpu.memory_space<vmem>>
      %dma_start3A_376 = arith.constant 0 : i32
      %dma_start3A_377 = tpu.memref_slice %arg5[%squeeze3A_367, %squeeze3A_369, %dma_start3A_376] : memref<125x8x64xf32, #tpu.memory_space<hbm>> -> memref<1x1x64xf32, #tpu.memory_space<hbm>>
      %dma_start3A_378 = tpu.memref_squeeze %dma_start3A_377 : memref<1x1x64xf32, #tpu.memory_space<hbm>> -> memref<1x64xf32, #tpu.memory_space<hbm>>
      %dma_start3A_379 = arith.constant 0 : i32
      %dma_start3A_380 = tpu.memref_slice %arg9[%add3A_373, %dma_start3A_379] : memref<512x64xf32, #tpu.memory_space<vmem>> -> memref<1x64xf32, #tpu.memory_space<vmem>>
      %dma_start3A_381 = arith.constant 0 : i32
      %dma_start3A_382 = tpu.memref_slice %arg5[%squeeze3A_367, %squeeze3A_369, %dma_start3A_381] : memref<125x8x64xf32, #tpu.memory_space<hbm>> -> memref<1x1x64xf32, #tpu.memory_space<hbm>>
      %dma_start3A_383 = tpu.memref_squeeze %dma_start3A_382 : memref<1x1x64xf32, #tpu.memory_space<hbm>> -> memref<1x64xf32, #tpu.memory_space<hbm>>
      tpu.enqueue_dma source(%dma_start3A_383 : memref<1x64xf32, #tpu.memory_space<hbm>>) target(%dma_start3A_380 : memref<1x64xf32, #tpu.memory_space<vmem>>) target_semaphore(%arg10 : memref<!tpu.dma_semaphore, #tpu.memory_space<semaphore_mem>>)
      %slice3A_384 = vector.extract_strided_slice %shift_right_logical3A_149 {offsets = [13], sizes = [1], strides = [1]} : vector<16xi32> to vector<1xi32>
      %squeeze3A_385 = vector.extract %slice3A_384[0] : i32 from vector<1xi32>
      %slice3A_386 = vector.extract_strided_slice %and3A_151 {offsets = [13], sizes = [1], strides = [1]} : vector<16xi32> to vector<1xi32>
      %squeeze3A_387 = vector.extract %slice3A_386[0] : i32 from vector<1xi32>
      %mul3A_388 = arith.constant 16 : i32
      %mul3A_389 = arith.muli %scan3A_140, %mul3A_388 : i32
      %add3A_390 = arith.constant 13 : i32
      %add3A_391 = arith.addi %mul3A_389, %add3A_390 : i32
      %dma_start3A_392 = arith.constant 0 : i32
      %dma_start3A_393 = tpu.memref_slice %arg9[%add3A_391, %dma_start3A_392] : memref<512x64xf32, #tpu.memory_space<vmem>> -> memref<1x64xf32, #tpu.memory_space<vmem>>
      %dma_start3A_394 = arith.constant 0 : i32
      %dma_start3A_395 = tpu.memref_slice %arg5[%squeeze3A_385, %squeeze3A_387, %dma_start3A_394] : memref<125x8x64xf32, #tpu.memory_space<hbm>> -> memref<1x1x64xf32, #tpu.memory_space<hbm>>
      %dma_start3A_396 = tpu.memref_squeeze %dma_start3A_395 : memref<1x1x64xf32, #tpu.memory_space<hbm>> -> memref<1x64xf32, #tpu.memory_space<hbm>>
      %dma_start3A_397 = arith.constant 0 : i32
      %dma_start3A_398 = tpu.memref_slice %arg9[%add3A_391, %dma_start3A_397] : memref<512x64xf32, #tpu.memory_space<vmem>> -> memref<1x64xf32, #tpu.memory_space<vmem>>
      %dma_start3A_399 = arith.constant 0 : i32
      %dma_start3A_400 = tpu.memref_slice %arg5[%squeeze3A_385, %squeeze3A_387, %dma_start3A_399] : memref<125x8x64xf32, #tpu.memory_space<hbm>> -> memref<1x1x64xf32, #tpu.memory_space<hbm>>
      %dma_start3A_401 = tpu.memref_squeeze %dma_start3A_400 : memref<1x1x64xf32, #tpu.memory_space<hbm>> -> memref<1x64xf32, #tpu.memory_space<hbm>>
      tpu.enqueue_dma source(%dma_start3A_401 : memref<1x64xf32, #tpu.memory_space<hbm>>) target(%dma_start3A_398 : memref<1x64xf32, #tpu.memory_space<vmem>>) target_semaphore(%arg10 : memref<!tpu.dma_semaphore, #tpu.memory_space<semaphore_mem>>)
      %slice3A_402 = vector.extract_strided_slice %shift_right_logical3A_149 {offsets = [14], sizes = [1], strides = [1]} : vector<16xi32> to vector<1xi32>
      %squeeze3A_403 = vector.extract %slice3A_402[0] : i32 from vector<1xi32>
      %slice3A_404 = vector.extract_strided_slice %and3A_151 {offsets = [14], sizes = [1], strides = [1]} : vector<16xi32> to vector<1xi32>
      %squeeze3A_405 = vector.extract %slice3A_404[0] : i32 from vector<1xi32>
      %mul3A_406 = arith.constant 16 : i32
      %mul3A_407 = arith.muli %scan3A_140, %mul3A_406 : i32
      %add3A_408 = arith.constant 14 : i32
      %add3A_409 = arith.addi %mul3A_407, %add3A_408 : i32
      %dma_start3A_410 = arith.constant 0 : i32
      %dma_start3A_411 = tpu.memref_slice %arg9[%add3A_409, %dma_start3A_410] : memref<512x64xf32, #tpu.memory_space<vmem>> -> memref<1x64xf32, #tpu.memory_space<vmem>>
      %dma_start3A_412 = arith.constant 0 : i32
      %dma_start3A_413 = tpu.memref_slice %arg5[%squeeze3A_403, %squeeze3A_405, %dma_start3A_412] : memref<125x8x64xf32, #tpu.memory_space<hbm>> -> memref<1x1x64xf32, #tpu.memory_space<hbm>>
      %dma_start3A_414 = tpu.memref_squeeze %dma_start3A_413 : memref<1x1x64xf32, #tpu.memory_space<hbm>> -> memref<1x64xf32, #tpu.memory_space<hbm>>
      %dma_start3A_415 = arith.constant 0 : i32
      %dma_start3A_416 = tpu.memref_slice %arg9[%add3A_409, %dma_start3A_415] : memref<512x64xf32, #tpu.memory_space<vmem>> -> memref<1x64xf32, #tpu.memory_space<vmem>>
      %dma_start3A_417 = arith.constant 0 : i32
      %dma_start3A_418 = tpu.memref_slice %arg5[%squeeze3A_403, %squeeze3A_405, %dma_start3A_417] : memref<125x8x64xf32, #tpu.memory_space<hbm>> -> memref<1x1x64xf32, #tpu.memory_space<hbm>>
      %dma_start3A_419 = tpu.memref_squeeze %dma_start3A_418 : memref<1x1x64xf32, #tpu.memory_space<hbm>> -> memref<1x64xf32, #tpu.memory_space<hbm>>
      tpu.enqueue_dma source(%dma_start3A_419 : memref<1x64xf32, #tpu.memory_space<hbm>>) target(%dma_start3A_416 : memref<1x64xf32, #tpu.memory_space<vmem>>) target_semaphore(%arg10 : memref<!tpu.dma_semaphore, #tpu.memory_space<semaphore_mem>>)
      %slice3A_420 = vector.extract_strided_slice %shift_right_logical3A_149 {offsets = [15], sizes = [1], strides = [1]} : vector<16xi32> to vector<1xi32>
      %squeeze3A_421 = vector.extract %slice3A_420[0] : i32 from vector<1xi32>
      %slice3A_422 = vector.extract_strided_slice %and3A_151 {offsets = [15], sizes = [1], strides = [1]} : vector<16xi32> to vector<1xi32>
      %squeeze3A_423 = vector.extract %slice3A_422[0] : i32 from vector<1xi32>
      %mul3A_424 = arith.constant 16 : i32
      %mul3A_425 = arith.muli %scan3A_140, %mul3A_424 : i32
      %add3A_426 = arith.constant 15 : i32
      %add3A_427 = arith.addi %mul3A_425, %add3A_426 : i32
      %dma_start3A_428 = arith.constant 0 : i32
      %dma_start3A_429 = tpu.memref_slice %arg9[%add3A_427, %dma_start3A_428] : memref<512x64xf32, #tpu.memory_space<vmem>> -> memref<1x64xf32, #tpu.memory_space<vmem>>
      %dma_start3A_430 = arith.constant 0 : i32
      %dma_start3A_431 = tpu.memref_slice %arg5[%squeeze3A_421, %squeeze3A_423, %dma_start3A_430] : memref<125x8x64xf32, #tpu.memory_space<hbm>> -> memref<1x1x64xf32, #tpu.memory_space<hbm>>
      %dma_start3A_432 = tpu.memref_squeeze %dma_start3A_431 : memref<1x1x64xf32, #tpu.memory_space<hbm>> -> memref<1x64xf32, #tpu.memory_space<hbm>>
      %dma_start3A_433 = arith.constant 0 : i32
      %dma_start3A_434 = tpu.memref_slice %arg9[%add3A_427, %dma_start3A_433] : memref<512x64xf32, #tpu.memory_space<vmem>> -> memref<1x64xf32, #tpu.memory_space<vmem>>
      %dma_start3A_435 = arith.constant 0 : i32
      %dma_start3A_436 = tpu.memref_slice %arg5[%squeeze3A_421, %squeeze3A_423, %dma_start3A_435] : memref<125x8x64xf32, #tpu.memory_space<hbm>> -> memref<1x1x64xf32, #tpu.memory_space<hbm>>
      %dma_start3A_437 = tpu.memref_squeeze %dma_start3A_436 : memref<1x1x64xf32, #tpu.memory_space<hbm>> -> memref<1x64xf32, #tpu.memory_space<hbm>>
      tpu.enqueue_dma source(%dma_start3A_437 : memref<1x64xf32, #tpu.memory_space<hbm>>) target(%dma_start3A_434 : memref<1x64xf32, #tpu.memory_space<vmem>>) target_semaphore(%arg10 : memref<!tpu.dma_semaphore, #tpu.memory_space<semaphore_mem>>)
      %scan3A_438 = arith.constant 0 : i32
      scf.yield %scan3A_438 : i32
    }
    %scan3A_116 = arith.constant 32 : i32
    %dma_wait3A_117 = arith.constant 0 : i32
    %dma_wait3A_118 = arith.constant 0 : i32
    %dma_wait3A_119 = tpu.memref_slice %arg7[%dma_wait3A_117, %dma_wait3A_118] : memref<65536x64xf32, #tpu.memory_space<hbm>> -> memref<512x64xf32, #tpu.memory_space<hbm>>
    %dma_wait3A_120 = arith.constant 0 : i32
    %dma_wait3A_121 = arith.constant 0 : i32
    %dma_wait3A_122 = tpu.memref_slice %arg7[%dma_wait3A_120, %dma_wait3A_121] : memref<65536x64xf32, #tpu.memory_space<hbm>> -> memref<512x64xf32, #tpu.memory_space<hbm>>
    tpu.wait_dma2 semaphore(%arg10 : memref<!tpu.dma_semaphore, #tpu.memory_space<semaphore_mem>>) src(%dma_wait3A_122 : memref<512x64xf32, #tpu.memory_space<hbm>>) dst(%arg9 : memref<512x64xf32, #tpu.memory_space<vmem>>)
    %add3A_123 = arith.constant 32768 : i32
    %add3A_124 = arith.addi %add3A_123, %mul3A_2 : i32
    "tpu.region"() ({
      %run_scoped3A = tpu.sem_alloc : memref<!tpu.dma_semaphore, #tpu.memory_space<semaphore_mem>>
      %dma_start3A_140 = arith.constant 0 : i32
      %dma_start3A_141 = tpu.memref_slice %arg7[%add3A_124, %dma_start3A_140] : memref<65536x64xf32, #tpu.memory_space<hbm>> -> memref<512x64xf32, #tpu.memory_space<hbm>>
      %dma_start3A_142 = arith.constant 0 : i32
      %dma_start3A_143 = tpu.memref_slice %arg7[%add3A_124, %dma_start3A_142] : memref<65536x64xf32, #tpu.memory_space<hbm>> -> memref<512x64xf32, #tpu.memory_space<hbm>>
      tpu.enqueue_dma source(%arg9 : memref<512x64xf32, #tpu.memory_space<vmem>>) target(%dma_start3A_143 : memref<512x64xf32, #tpu.memory_space<hbm>>) target_semaphore(%run_scoped3A : memref<!tpu.dma_semaphore, #tpu.memory_space<semaphore_mem>>)
      %dma_wait3A_144 = arith.constant 0 : i32
      %dma_wait3A_145 = tpu.memref_slice %arg7[%add3A_124, %dma_wait3A_144] : memref<65536x64xf32, #tpu.memory_space<hbm>> -> memref<512x64xf32, #tpu.memory_space<hbm>>
      %dma_wait3A_146 = arith.constant 0 : i32
      %dma_wait3A_147 = tpu.memref_slice %arg7[%add3A_124, %dma_wait3A_146] : memref<65536x64xf32, #tpu.memory_space<hbm>> -> memref<512x64xf32, #tpu.memory_space<hbm>>
      tpu.wait_dma2 semaphore(%run_scoped3A : memref<!tpu.dma_semaphore, #tpu.memory_space<semaphore_mem>>) src(%arg9 : memref<512x64xf32, #tpu.memory_space<vmem>>) dst(%dma_wait3A_147 : memref<512x64xf32, #tpu.memory_space<hbm>>)
      tpu.yield
    }) : () -> ()
    %scan3A_125 = arith.constant 0 : i32
    %scan3A_126 = arith.constant 0 : i32
    %scan3A_127 = arith.constant 32 : i32
    %scan3A_128 = arith.addi %scan3A_126, %scan3A_127 : i32
    %scan3A_129 = arith.constant 1 : i32
    %scan3A_130 = scf.for %scan3A_140 = %scan3A_126 to %scan3A_128 step %scan3A_129 iter_args(%scan3A_141 = %scan3A_125) -> (i32)  : i32 {
      %mul3A_142 = arith.constant 16 : i32
      %mul3A_143 = arith.muli %scan3A_140, %mul3A_142 : i32
      %get3A = arith.constant 3 : i32
      %get3A_144 = arith.index_cast %get3A : i32 to index
      %get3A_145 = arith.index_cast %mul3A_143 : i32 to index
      %get3A_146 = tpu.vector_load %arg8[%get3A_144, %get3A_145] {strides = array<i32>} : memref<4x512xi32, #tpu.memory_space<vmem>>, vector<1x16xi32>,
      %get3A_147 = vector.shape_cast %get3A_146 : vector<1x16xi32> to vector<16xi32>
      %shift_right_logical3A = arith.constant 3 : i32
      %shift_right_logical3A_148 = vector.broadcast %shift_right_logical3A : i32 to vector<16xi32>
      %shift_right_logical3A_149 = arith.shrui %get3A_147, %shift_right_logical3A_148 : vector<16xi32>
      %and3A = arith.constant 7 : i32
      %and3A_150 = vector.broadcast %and3A : i32 to vector<16xi32>
      %and3A_151 = arith.andi %get3A_147, %and3A_150 : vector<16xi32>
      %slice3A = vector.extract_strided_slice %shift_right_logical3A_149 {offsets = [0], sizes = [1], strides = [1]} : vector<16xi32> to vector<1xi32>
      %squeeze3A = vector.extract %slice3A[0] : i32 from vector<1xi32>
      %slice3A_152 = vector.extract_strided_slice %and3A_151 {offsets = [0], sizes = [1], strides = [1]} : vector<16xi32> to vector<1xi32>
      %squeeze3A_153 = vector.extract %slice3A_152[0] : i32 from vector<1xi32>
      %mul3A_154 = arith.constant 16 : i32
      %mul3A_155 = arith.muli %scan3A_140, %mul3A_154 : i32
      %add3A_156 = arith.constant 0 : i32
      %add3A_157 = arith.addi %mul3A_155, %add3A_156 : i32
      %dma_start3A_158 = arith.constant 0 : i32
      %dma_start3A_159 = tpu.memref_slice %arg9[%add3A_157, %dma_start3A_158] : memref<512x64xf32, #tpu.memory_space<vmem>> -> memref<1x64xf32, #tpu.memory_space<vmem>>
      %dma_start3A_160 = arith.constant 0 : i32
      %dma_start3A_161 = tpu.memref_slice %arg6[%squeeze3A, %squeeze3A_153, %dma_start3A_160] : memref<125x8x64xf32, #tpu.memory_space<hbm>> -> memref<1x1x64xf32, #tpu.memory_space<hbm>>
      %dma_start3A_162 = tpu.memref_squeeze %dma_start3A_161 : memref<1x1x64xf32, #tpu.memory_space<hbm>> -> memref<1x64xf32, #tpu.memory_space<hbm>>
      %dma_start3A_163 = arith.constant 0 : i32
      %dma_start3A_164 = tpu.memref_slice %arg9[%add3A_157, %dma_start3A_163] : memref<512x64xf32, #tpu.memory_space<vmem>> -> memref<1x64xf32, #tpu.memory_space<vmem>>
      %dma_start3A_165 = arith.constant 0 : i32
      %dma_start3A_166 = tpu.memref_slice %arg6[%squeeze3A, %squeeze3A_153, %dma_start3A_165] : memref<125x8x64xf32, #tpu.memory_space<hbm>> -> memref<1x1x64xf32, #tpu.memory_space<hbm>>
      %dma_start3A_167 = tpu.memref_squeeze %dma_start3A_166 : memref<1x1x64xf32, #tpu.memory_space<hbm>> -> memref<1x64xf32, #tpu.memory_space<hbm>>
      tpu.enqueue_dma source(%dma_start3A_167 : memref<1x64xf32, #tpu.memory_space<hbm>>) target(%dma_start3A_164 : memref<1x64xf32, #tpu.memory_space<vmem>>) target_semaphore(%arg10 : memref<!tpu.dma_semaphore, #tpu.memory_space<semaphore_mem>>)
      %slice3A_168 = vector.extract_strided_slice %shift_right_logical3A_149 {offsets = [1], sizes = [1], strides = [1]} : vector<16xi32> to vector<1xi32>
      %squeeze3A_169 = vector.extract %slice3A_168[0] : i32 from vector<1xi32>
      %slice3A_170 = vector.extract_strided_slice %and3A_151 {offsets = [1], sizes = [1], strides = [1]} : vector<16xi32> to vector<1xi32>
      %squeeze3A_171 = vector.extract %slice3A_170[0] : i32 from vector<1xi32>
      %mul3A_172 = arith.constant 16 : i32
      %mul3A_173 = arith.muli %scan3A_140, %mul3A_172 : i32
      %add3A_174 = arith.constant 1 : i32
      %add3A_175 = arith.addi %mul3A_173, %add3A_174 : i32
      %dma_start3A_176 = arith.constant 0 : i32
      %dma_start3A_177 = tpu.memref_slice %arg9[%add3A_175, %dma_start3A_176] : memref<512x64xf32, #tpu.memory_space<vmem>> -> memref<1x64xf32, #tpu.memory_space<vmem>>
      %dma_start3A_178 = arith.constant 0 : i32
      %dma_start3A_179 = tpu.memref_slice %arg6[%squeeze3A_169, %squeeze3A_171, %dma_start3A_178] : memref<125x8x64xf32, #tpu.memory_space<hbm>> -> memref<1x1x64xf32, #tpu.memory_space<hbm>>
      %dma_start3A_180 = tpu.memref_squeeze %dma_start3A_179 : memref<1x1x64xf32, #tpu.memory_space<hbm>> -> memref<1x64xf32, #tpu.memory_space<hbm>>
      %dma_start3A_181 = arith.constant 0 : i32
      %dma_start3A_182 = tpu.memref_slice %arg9[%add3A_175, %dma_start3A_181] : memref<512x64xf32, #tpu.memory_space<vmem>> -> memref<1x64xf32, #tpu.memory_space<vmem>>
      %dma_start3A_183 = arith.constant 0 : i32
      %dma_start3A_184 = tpu.memref_slice %arg6[%squeeze3A_169, %squeeze3A_171, %dma_start3A_183] : memref<125x8x64xf32, #tpu.memory_space<hbm>> -> memref<1x1x64xf32, #tpu.memory_space<hbm>>
      %dma_start3A_185 = tpu.memref_squeeze %dma_start3A_184 : memref<1x1x64xf32, #tpu.memory_space<hbm>> -> memref<1x64xf32, #tpu.memory_space<hbm>>
      tpu.enqueue_dma source(%dma_start3A_185 : memref<1x64xf32, #tpu.memory_space<hbm>>) target(%dma_start3A_182 : memref<1x64xf32, #tpu.memory_space<vmem>>) target_semaphore(%arg10 : memref<!tpu.dma_semaphore, #tpu.memory_space<semaphore_mem>>)
      %slice3A_186 = vector.extract_strided_slice %shift_right_logical3A_149 {offsets = [2], sizes = [1], strides = [1]} : vector<16xi32> to vector<1xi32>
      %squeeze3A_187 = vector.extract %slice3A_186[0] : i32 from vector<1xi32>
      %slice3A_188 = vector.extract_strided_slice %and3A_151 {offsets = [2], sizes = [1], strides = [1]} : vector<16xi32> to vector<1xi32>
      %squeeze3A_189 = vector.extract %slice3A_188[0] : i32 from vector<1xi32>
      %mul3A_190 = arith.constant 16 : i32
      %mul3A_191 = arith.muli %scan3A_140, %mul3A_190 : i32
      %add3A_192 = arith.constant 2 : i32
      %add3A_193 = arith.addi %mul3A_191, %add3A_192 : i32
      %dma_start3A_194 = arith.constant 0 : i32
      %dma_start3A_195 = tpu.memref_slice %arg9[%add3A_193, %dma_start3A_194] : memref<512x64xf32, #tpu.memory_space<vmem>> -> memref<1x64xf32, #tpu.memory_space<vmem>>
      %dma_start3A_196 = arith.constant 0 : i32
      %dma_start3A_197 = tpu.memref_slice %arg6[%squeeze3A_187, %squeeze3A_189, %dma_start3A_196] : memref<125x8x64xf32, #tpu.memory_space<hbm>> -> memref<1x1x64xf32, #tpu.memory_space<hbm>>
      %dma_start3A_198 = tpu.memref_squeeze %dma_start3A_197 : memref<1x1x64xf32, #tpu.memory_space<hbm>> -> memref<1x64xf32, #tpu.memory_space<hbm>>
      %dma_start3A_199 = arith.constant 0 : i32
      %dma_start3A_200 = tpu.memref_slice %arg9[%add3A_193, %dma_start3A_199] : memref<512x64xf32, #tpu.memory_space<vmem>> -> memref<1x64xf32, #tpu.memory_space<vmem>>
      %dma_start3A_201 = arith.constant 0 : i32
      %dma_start3A_202 = tpu.memref_slice %arg6[%squeeze3A_187, %squeeze3A_189, %dma_start3A_201] : memref<125x8x64xf32, #tpu.memory_space<hbm>> -> memref<1x1x64xf32, #tpu.memory_space<hbm>>
      %dma_start3A_203 = tpu.memref_squeeze %dma_start3A_202 : memref<1x1x64xf32, #tpu.memory_space<hbm>> -> memref<1x64xf32, #tpu.memory_space<hbm>>
      tpu.enqueue_dma source(%dma_start3A_203 : memref<1x64xf32, #tpu.memory_space<hbm>>) target(%dma_start3A_200 : memref<1x64xf32, #tpu.memory_space<vmem>>) target_semaphore(%arg10 : memref<!tpu.dma_semaphore, #tpu.memory_space<semaphore_mem>>)
      %slice3A_204 = vector.extract_strided_slice %shift_right_logical3A_149 {offsets = [3], sizes = [1], strides = [1]} : vector<16xi32> to vector<1xi32>
      %squeeze3A_205 = vector.extract %slice3A_204[0] : i32 from vector<1xi32>
      %slice3A_206 = vector.extract_strided_slice %and3A_151 {offsets = [3], sizes = [1], strides = [1]} : vector<16xi32> to vector<1xi32>
      %squeeze3A_207 = vector.extract %slice3A_206[0] : i32 from vector<1xi32>
      %mul3A_208 = arith.constant 16 : i32
      %mul3A_209 = arith.muli %scan3A_140, %mul3A_208 : i32
      %add3A_210 = arith.constant 3 : i32
      %add3A_211 = arith.addi %mul3A_209, %add3A_210 : i32
      %dma_start3A_212 = arith.constant 0 : i32
      %dma_start3A_213 = tpu.memref_slice %arg9[%add3A_211, %dma_start3A_212] : memref<512x64xf32, #tpu.memory_space<vmem>> -> memref<1x64xf32, #tpu.memory_space<vmem>>
      %dma_start3A_214 = arith.constant 0 : i32
      %dma_start3A_215 = tpu.memref_slice %arg6[%squeeze3A_205, %squeeze3A_207, %dma_start3A_214] : memref<125x8x64xf32, #tpu.memory_space<hbm>> -> memref<1x1x64xf32, #tpu.memory_space<hbm>>
      %dma_start3A_216 = tpu.memref_squeeze %dma_start3A_215 : memref<1x1x64xf32, #tpu.memory_space<hbm>> -> memref<1x64xf32, #tpu.memory_space<hbm>>
      %dma_start3A_217 = arith.constant 0 : i32
      %dma_start3A_218 = tpu.memref_slice %arg9[%add3A_211, %dma_start3A_217] : memref<512x64xf32, #tpu.memory_space<vmem>> -> memref<1x64xf32, #tpu.memory_space<vmem>>
      %dma_start3A_219 = arith.constant 0 : i32
      %dma_start3A_220 = tpu.memref_slice %arg6[%squeeze3A_205, %squeeze3A_207, %dma_start3A_219] : memref<125x8x64xf32, #tpu.memory_space<hbm>> -> memref<1x1x64xf32, #tpu.memory_space<hbm>>
      %dma_start3A_221 = tpu.memref_squeeze %dma_start3A_220 : memref<1x1x64xf32, #tpu.memory_space<hbm>> -> memref<1x64xf32, #tpu.memory_space<hbm>>
      tpu.enqueue_dma source(%dma_start3A_221 : memref<1x64xf32, #tpu.memory_space<hbm>>) target(%dma_start3A_218 : memref<1x64xf32, #tpu.memory_space<vmem>>) target_semaphore(%arg10 : memref<!tpu.dma_semaphore, #tpu.memory_space<semaphore_mem>>)
      %slice3A_222 = vector.extract_strided_slice %shift_right_logical3A_149 {offsets = [4], sizes = [1], strides = [1]} : vector<16xi32> to vector<1xi32>
      %squeeze3A_223 = vector.extract %slice3A_222[0] : i32 from vector<1xi32>
      %slice3A_224 = vector.extract_strided_slice %and3A_151 {offsets = [4], sizes = [1], strides = [1]} : vector<16xi32> to vector<1xi32>
      %squeeze3A_225 = vector.extract %slice3A_224[0] : i32 from vector<1xi32>
      %mul3A_226 = arith.constant 16 : i32
      %mul3A_227 = arith.muli %scan3A_140, %mul3A_226 : i32
      %add3A_228 = arith.constant 4 : i32
      %add3A_229 = arith.addi %mul3A_227, %add3A_228 : i32
      %dma_start3A_230 = arith.constant 0 : i32
      %dma_start3A_231 = tpu.memref_slice %arg9[%add3A_229, %dma_start3A_230] : memref<512x64xf32, #tpu.memory_space<vmem>> -> memref<1x64xf32, #tpu.memory_space<vmem>>
      %dma_start3A_232 = arith.constant 0 : i32
      %dma_start3A_233 = tpu.memref_slice %arg6[%squeeze3A_223, %squeeze3A_225, %dma_start3A_232] : memref<125x8x64xf32, #tpu.memory_space<hbm>> -> memref<1x1x64xf32, #tpu.memory_space<hbm>>
      %dma_start3A_234 = tpu.memref_squeeze %dma_start3A_233 : memref<1x1x64xf32, #tpu.memory_space<hbm>> -> memref<1x64xf32, #tpu.memory_space<hbm>>
      %dma_start3A_235 = arith.constant 0 : i32
      %dma_start3A_236 = tpu.memref_slice %arg9[%add3A_229, %dma_start3A_235] : memref<512x64xf32, #tpu.memory_space<vmem>> -> memref<1x64xf32, #tpu.memory_space<vmem>>
      %dma_start3A_237 = arith.constant 0 : i32
      %dma_start3A_238 = tpu.memref_slice %arg6[%squeeze3A_223, %squeeze3A_225, %dma_start3A_237] : memref<125x8x64xf32, #tpu.memory_space<hbm>> -> memref<1x1x64xf32, #tpu.memory_space<hbm>>
      %dma_start3A_239 = tpu.memref_squeeze %dma_start3A_238 : memref<1x1x64xf32, #tpu.memory_space<hbm>> -> memref<1x64xf32, #tpu.memory_space<hbm>>
      tpu.enqueue_dma source(%dma_start3A_239 : memref<1x64xf32, #tpu.memory_space<hbm>>) target(%dma_start3A_236 : memref<1x64xf32, #tpu.memory_space<vmem>>) target_semaphore(%arg10 : memref<!tpu.dma_semaphore, #tpu.memory_space<semaphore_mem>>)
      %slice3A_240 = vector.extract_strided_slice %shift_right_logical3A_149 {offsets = [5], sizes = [1], strides = [1]} : vector<16xi32> to vector<1xi32>
      %squeeze3A_241 = vector.extract %slice3A_240[0] : i32 from vector<1xi32>
      %slice3A_242 = vector.extract_strided_slice %and3A_151 {offsets = [5], sizes = [1], strides = [1]} : vector<16xi32> to vector<1xi32>
      %squeeze3A_243 = vector.extract %slice3A_242[0] : i32 from vector<1xi32>
      %mul3A_244 = arith.constant 16 : i32
      %mul3A_245 = arith.muli %scan3A_140, %mul3A_244 : i32
      %add3A_246 = arith.constant 5 : i32
      %add3A_247 = arith.addi %mul3A_245, %add3A_246 : i32
      %dma_start3A_248 = arith.constant 0 : i32
      %dma_start3A_249 = tpu.memref_slice %arg9[%add3A_247, %dma_start3A_248] : memref<512x64xf32, #tpu.memory_space<vmem>> -> memref<1x64xf32, #tpu.memory_space<vmem>>
      %dma_start3A_250 = arith.constant 0 : i32
      %dma_start3A_251 = tpu.memref_slice %arg6[%squeeze3A_241, %squeeze3A_243, %dma_start3A_250] : memref<125x8x64xf32, #tpu.memory_space<hbm>> -> memref<1x1x64xf32, #tpu.memory_space<hbm>>
      %dma_start3A_252 = tpu.memref_squeeze %dma_start3A_251 : memref<1x1x64xf32, #tpu.memory_space<hbm>> -> memref<1x64xf32, #tpu.memory_space<hbm>>
      %dma_start3A_253 = arith.constant 0 : i32
      %dma_start3A_254 = tpu.memref_slice %arg9[%add3A_247, %dma_start3A_253] : memref<512x64xf32, #tpu.memory_space<vmem>> -> memref<1x64xf32, #tpu.memory_space<vmem>>
      %dma_start3A_255 = arith.constant 0 : i32
      %dma_start3A_256 = tpu.memref_slice %arg6[%squeeze3A_241, %squeeze3A_243, %dma_start3A_255] : memref<125x8x64xf32, #tpu.memory_space<hbm>> -> memref<1x1x64xf32, #tpu.memory_space<hbm>>
      %dma_start3A_257 = tpu.memref_squeeze %dma_start3A_256 : memref<1x1x64xf32, #tpu.memory_space<hbm>> -> memref<1x64xf32, #tpu.memory_space<hbm>>
      tpu.enqueue_dma source(%dma_start3A_257 : memref<1x64xf32, #tpu.memory_space<hbm>>) target(%dma_start3A_254 : memref<1x64xf32, #tpu.memory_space<vmem>>) target_semaphore(%arg10 : memref<!tpu.dma_semaphore, #tpu.memory_space<semaphore_mem>>)
      %slice3A_258 = vector.extract_strided_slice %shift_right_logical3A_149 {offsets = [6], sizes = [1], strides = [1]} : vector<16xi32> to vector<1xi32>
      %squeeze3A_259 = vector.extract %slice3A_258[0] : i32 from vector<1xi32>
      %slice3A_260 = vector.extract_strided_slice %and3A_151 {offsets = [6], sizes = [1], strides = [1]} : vector<16xi32> to vector<1xi32>
      %squeeze3A_261 = vector.extract %slice3A_260[0] : i32 from vector<1xi32>
      %mul3A_262 = arith.constant 16 : i32
      %mul3A_263 = arith.muli %scan3A_140, %mul3A_262 : i32
      %add3A_264 = arith.constant 6 : i32
      %add3A_265 = arith.addi %mul3A_263, %add3A_264 : i32
      %dma_start3A_266 = arith.constant 0 : i32
      %dma_start3A_267 = tpu.memref_slice %arg9[%add3A_265, %dma_start3A_266] : memref<512x64xf32, #tpu.memory_space<vmem>> -> memref<1x64xf32, #tpu.memory_space<vmem>>
      %dma_start3A_268 = arith.constant 0 : i32
      %dma_start3A_269 = tpu.memref_slice %arg6[%squeeze3A_259, %squeeze3A_261, %dma_start3A_268] : memref<125x8x64xf32, #tpu.memory_space<hbm>> -> memref<1x1x64xf32, #tpu.memory_space<hbm>>
      %dma_start3A_270 = tpu.memref_squeeze %dma_start3A_269 : memref<1x1x64xf32, #tpu.memory_space<hbm>> -> memref<1x64xf32, #tpu.memory_space<hbm>>
      %dma_start3A_271 = arith.constant 0 : i32
      %dma_start3A_272 = tpu.memref_slice %arg9[%add3A_265, %dma_start3A_271] : memref<512x64xf32, #tpu.memory_space<vmem>> -> memref<1x64xf32, #tpu.memory_space<vmem>>
      %dma_start3A_273 = arith.constant 0 : i32
      %dma_start3A_274 = tpu.memref_slice %arg6[%squeeze3A_259, %squeeze3A_261, %dma_start3A_273] : memref<125x8x64xf32, #tpu.memory_space<hbm>> -> memref<1x1x64xf32, #tpu.memory_space<hbm>>
      %dma_start3A_275 = tpu.memref_squeeze %dma_start3A_274 : memref<1x1x64xf32, #tpu.memory_space<hbm>> -> memref<1x64xf32, #tpu.memory_space<hbm>>
      tpu.enqueue_dma source(%dma_start3A_275 : memref<1x64xf32, #tpu.memory_space<hbm>>) target(%dma_start3A_272 : memref<1x64xf32, #tpu.memory_space<vmem>>) target_semaphore(%arg10 : memref<!tpu.dma_semaphore, #tpu.memory_space<semaphore_mem>>)
      %slice3A_276 = vector.extract_strided_slice %shift_right_logical3A_149 {offsets = [7], sizes = [1], strides = [1]} : vector<16xi32> to vector<1xi32>
      %squeeze3A_277 = vector.extract %slice3A_276[0] : i32 from vector<1xi32>
      %slice3A_278 = vector.extract_strided_slice %and3A_151 {offsets = [7], sizes = [1], strides = [1]} : vector<16xi32> to vector<1xi32>
      %squeeze3A_279 = vector.extract %slice3A_278[0] : i32 from vector<1xi32>
      %mul3A_280 = arith.constant 16 : i32
      %mul3A_281 = arith.muli %scan3A_140, %mul3A_280 : i32
      %add3A_282 = arith.constant 7 : i32
      %add3A_283 = arith.addi %mul3A_281, %add3A_282 : i32
      %dma_start3A_284 = arith.constant 0 : i32
      %dma_start3A_285 = tpu.memref_slice %arg9[%add3A_283, %dma_start3A_284] : memref<512x64xf32, #tpu.memory_space<vmem>> -> memref<1x64xf32, #tpu.memory_space<vmem>>
      %dma_start3A_286 = arith.constant 0 : i32
      %dma_start3A_287 = tpu.memref_slice %arg6[%squeeze3A_277, %squeeze3A_279, %dma_start3A_286] : memref<125x8x64xf32, #tpu.memory_space<hbm>> -> memref<1x1x64xf32, #tpu.memory_space<hbm>>
      %dma_start3A_288 = tpu.memref_squeeze %dma_start3A_287 : memref<1x1x64xf32, #tpu.memory_space<hbm>> -> memref<1x64xf32, #tpu.memory_space<hbm>>
      %dma_start3A_289 = arith.constant 0 : i32
      %dma_start3A_290 = tpu.memref_slice %arg9[%add3A_283, %dma_start3A_289] : memref<512x64xf32, #tpu.memory_space<vmem>> -> memref<1x64xf32, #tpu.memory_space<vmem>>
      %dma_start3A_291 = arith.constant 0 : i32
      %dma_start3A_292 = tpu.memref_slice %arg6[%squeeze3A_277, %squeeze3A_279, %dma_start3A_291] : memref<125x8x64xf32, #tpu.memory_space<hbm>> -> memref<1x1x64xf32, #tpu.memory_space<hbm>>
      %dma_start3A_293 = tpu.memref_squeeze %dma_start3A_292 : memref<1x1x64xf32, #tpu.memory_space<hbm>> -> memref<1x64xf32, #tpu.memory_space<hbm>>
      tpu.enqueue_dma source(%dma_start3A_293 : memref<1x64xf32, #tpu.memory_space<hbm>>) target(%dma_start3A_290 : memref<1x64xf32, #tpu.memory_space<vmem>>) target_semaphore(%arg10 : memref<!tpu.dma_semaphore, #tpu.memory_space<semaphore_mem>>)
      %slice3A_294 = vector.extract_strided_slice %shift_right_logical3A_149 {offsets = [8], sizes = [1], strides = [1]} : vector<16xi32> to vector<1xi32>
      %squeeze3A_295 = vector.extract %slice3A_294[0] : i32 from vector<1xi32>
      %slice3A_296 = vector.extract_strided_slice %and3A_151 {offsets = [8], sizes = [1], strides = [1]} : vector<16xi32> to vector<1xi32>
      %squeeze3A_297 = vector.extract %slice3A_296[0] : i32 from vector<1xi32>
      %mul3A_298 = arith.constant 16 : i32
      %mul3A_299 = arith.muli %scan3A_140, %mul3A_298 : i32
      %add3A_300 = arith.constant 8 : i32
      %add3A_301 = arith.addi %mul3A_299, %add3A_300 : i32
      %dma_start3A_302 = arith.constant 0 : i32
      %dma_start3A_303 = tpu.memref_slice %arg9[%add3A_301, %dma_start3A_302] : memref<512x64xf32, #tpu.memory_space<vmem>> -> memref<1x64xf32, #tpu.memory_space<vmem>>
      %dma_start3A_304 = arith.constant 0 : i32
      %dma_start3A_305 = tpu.memref_slice %arg6[%squeeze3A_295, %squeeze3A_297, %dma_start3A_304] : memref<125x8x64xf32, #tpu.memory_space<hbm>> -> memref<1x1x64xf32, #tpu.memory_space<hbm>>
      %dma_start3A_306 = tpu.memref_squeeze %dma_start3A_305 : memref<1x1x64xf32, #tpu.memory_space<hbm>> -> memref<1x64xf32, #tpu.memory_space<hbm>>
      %dma_start3A_307 = arith.constant 0 : i32
      %dma_start3A_308 = tpu.memref_slice %arg9[%add3A_301, %dma_start3A_307] : memref<512x64xf32, #tpu.memory_space<vmem>> -> memref<1x64xf32, #tpu.memory_space<vmem>>
      %dma_start3A_309 = arith.constant 0 : i32
      %dma_start3A_310 = tpu.memref_slice %arg6[%squeeze3A_295, %squeeze3A_297, %dma_start3A_309] : memref<125x8x64xf32, #tpu.memory_space<hbm>> -> memref<1x1x64xf32, #tpu.memory_space<hbm>>
      %dma_start3A_311 = tpu.memref_squeeze %dma_start3A_310 : memref<1x1x64xf32, #tpu.memory_space<hbm>> -> memref<1x64xf32, #tpu.memory_space<hbm>>
      tpu.enqueue_dma source(%dma_start3A_311 : memref<1x64xf32, #tpu.memory_space<hbm>>) target(%dma_start3A_308 : memref<1x64xf32, #tpu.memory_space<vmem>>) target_semaphore(%arg10 : memref<!tpu.dma_semaphore, #tpu.memory_space<semaphore_mem>>)
      %slice3A_312 = vector.extract_strided_slice %shift_right_logical3A_149 {offsets = [9], sizes = [1], strides = [1]} : vector<16xi32> to vector<1xi32>
      %squeeze3A_313 = vector.extract %slice3A_312[0] : i32 from vector<1xi32>
      %slice3A_314 = vector.extract_strided_slice %and3A_151 {offsets = [9], sizes = [1], strides = [1]} : vector<16xi32> to vector<1xi32>
      %squeeze3A_315 = vector.extract %slice3A_314[0] : i32 from vector<1xi32>
      %mul3A_316 = arith.constant 16 : i32
      %mul3A_317 = arith.muli %scan3A_140, %mul3A_316 : i32
      %add3A_318 = arith.constant 9 : i32
      %add3A_319 = arith.addi %mul3A_317, %add3A_318 : i32
      %dma_start3A_320 = arith.constant 0 : i32
      %dma_start3A_321 = tpu.memref_slice %arg9[%add3A_319, %dma_start3A_320] : memref<512x64xf32, #tpu.memory_space<vmem>> -> memref<1x64xf32, #tpu.memory_space<vmem>>
      %dma_start3A_322 = arith.constant 0 : i32
      %dma_start3A_323 = tpu.memref_slice %arg6[%squeeze3A_313, %squeeze3A_315, %dma_start3A_322] : memref<125x8x64xf32, #tpu.memory_space<hbm>> -> memref<1x1x64xf32, #tpu.memory_space<hbm>>
      %dma_start3A_324 = tpu.memref_squeeze %dma_start3A_323 : memref<1x1x64xf32, #tpu.memory_space<hbm>> -> memref<1x64xf32, #tpu.memory_space<hbm>>
      %dma_start3A_325 = arith.constant 0 : i32
      %dma_start3A_326 = tpu.memref_slice %arg9[%add3A_319, %dma_start3A_325] : memref<512x64xf32, #tpu.memory_space<vmem>> -> memref<1x64xf32, #tpu.memory_space<vmem>>
      %dma_start3A_327 = arith.constant 0 : i32
      %dma_start3A_328 = tpu.memref_slice %arg6[%squeeze3A_313, %squeeze3A_315, %dma_start3A_327] : memref<125x8x64xf32, #tpu.memory_space<hbm>> -> memref<1x1x64xf32, #tpu.memory_space<hbm>>
      %dma_start3A_329 = tpu.memref_squeeze %dma_start3A_328 : memref<1x1x64xf32, #tpu.memory_space<hbm>> -> memref<1x64xf32, #tpu.memory_space<hbm>>
      tpu.enqueue_dma source(%dma_start3A_329 : memref<1x64xf32, #tpu.memory_space<hbm>>) target(%dma_start3A_326 : memref<1x64xf32, #tpu.memory_space<vmem>>) target_semaphore(%arg10 : memref<!tpu.dma_semaphore, #tpu.memory_space<semaphore_mem>>)
      %slice3A_330 = vector.extract_strided_slice %shift_right_logical3A_149 {offsets = [10], sizes = [1], strides = [1]} : vector<16xi32> to vector<1xi32>
      %squeeze3A_331 = vector.extract %slice3A_330[0] : i32 from vector<1xi32>
      %slice3A_332 = vector.extract_strided_slice %and3A_151 {offsets = [10], sizes = [1], strides = [1]} : vector<16xi32> to vector<1xi32>
      %squeeze3A_333 = vector.extract %slice3A_332[0] : i32 from vector<1xi32>
      %mul3A_334 = arith.constant 16 : i32
      %mul3A_335 = arith.muli %scan3A_140, %mul3A_334 : i32
      %add3A_336 = arith.constant 10 : i32
      %add3A_337 = arith.addi %mul3A_335, %add3A_336 : i32
      %dma_start3A_338 = arith.constant 0 : i32
      %dma_start3A_339 = tpu.memref_slice %arg9[%add3A_337, %dma_start3A_338] : memref<512x64xf32, #tpu.memory_space<vmem>> -> memref<1x64xf32, #tpu.memory_space<vmem>>
      %dma_start3A_340 = arith.constant 0 : i32
      %dma_start3A_341 = tpu.memref_slice %arg6[%squeeze3A_331, %squeeze3A_333, %dma_start3A_340] : memref<125x8x64xf32, #tpu.memory_space<hbm>> -> memref<1x1x64xf32, #tpu.memory_space<hbm>>
      %dma_start3A_342 = tpu.memref_squeeze %dma_start3A_341 : memref<1x1x64xf32, #tpu.memory_space<hbm>> -> memref<1x64xf32, #tpu.memory_space<hbm>>
      %dma_start3A_343 = arith.constant 0 : i32
      %dma_start3A_344 = tpu.memref_slice %arg9[%add3A_337, %dma_start3A_343] : memref<512x64xf32, #tpu.memory_space<vmem>> -> memref<1x64xf32, #tpu.memory_space<vmem>>
      %dma_start3A_345 = arith.constant 0 : i32
      %dma_start3A_346 = tpu.memref_slice %arg6[%squeeze3A_331, %squeeze3A_333, %dma_start3A_345] : memref<125x8x64xf32, #tpu.memory_space<hbm>> -> memref<1x1x64xf32, #tpu.memory_space<hbm>>
      %dma_start3A_347 = tpu.memref_squeeze %dma_start3A_346 : memref<1x1x64xf32, #tpu.memory_space<hbm>> -> memref<1x64xf32, #tpu.memory_space<hbm>>
      tpu.enqueue_dma source(%dma_start3A_347 : memref<1x64xf32, #tpu.memory_space<hbm>>) target(%dma_start3A_344 : memref<1x64xf32, #tpu.memory_space<vmem>>) target_semaphore(%arg10 : memref<!tpu.dma_semaphore, #tpu.memory_space<semaphore_mem>>)
      %slice3A_348 = vector.extract_strided_slice %shift_right_logical3A_149 {offsets = [11], sizes = [1], strides = [1]} : vector<16xi32> to vector<1xi32>
      %squeeze3A_349 = vector.extract %slice3A_348[0] : i32 from vector<1xi32>
      %slice3A_350 = vector.extract_strided_slice %and3A_151 {offsets = [11], sizes = [1], strides = [1]} : vector<16xi32> to vector<1xi32>
      %squeeze3A_351 = vector.extract %slice3A_350[0] : i32 from vector<1xi32>
      %mul3A_352 = arith.constant 16 : i32
      %mul3A_353 = arith.muli %scan3A_140, %mul3A_352 : i32
      %add3A_354 = arith.constant 11 : i32
      %add3A_355 = arith.addi %mul3A_353, %add3A_354 : i32
      %dma_start3A_356 = arith.constant 0 : i32
      %dma_start3A_357 = tpu.memref_slice %arg9[%add3A_355, %dma_start3A_356] : memref<512x64xf32, #tpu.memory_space<vmem>> -> memref<1x64xf32, #tpu.memory_space<vmem>>
      %dma_start3A_358 = arith.constant 0 : i32
      %dma_start3A_359 = tpu.memref_slice %arg6[%squeeze3A_349, %squeeze3A_351, %dma_start3A_358] : memref<125x8x64xf32, #tpu.memory_space<hbm>> -> memref<1x1x64xf32, #tpu.memory_space<hbm>>
      %dma_start3A_360 = tpu.memref_squeeze %dma_start3A_359 : memref<1x1x64xf32, #tpu.memory_space<hbm>> -> memref<1x64xf32, #tpu.memory_space<hbm>>
      %dma_start3A_361 = arith.constant 0 : i32
      %dma_start3A_362 = tpu.memref_slice %arg9[%add3A_355, %dma_start3A_361] : memref<512x64xf32, #tpu.memory_space<vmem>> -> memref<1x64xf32, #tpu.memory_space<vmem>>
      %dma_start3A_363 = arith.constant 0 : i32
      %dma_start3A_364 = tpu.memref_slice %arg6[%squeeze3A_349, %squeeze3A_351, %dma_start3A_363] : memref<125x8x64xf32, #tpu.memory_space<hbm>> -> memref<1x1x64xf32, #tpu.memory_space<hbm>>
      %dma_start3A_365 = tpu.memref_squeeze %dma_start3A_364 : memref<1x1x64xf32, #tpu.memory_space<hbm>> -> memref<1x64xf32, #tpu.memory_space<hbm>>
      tpu.enqueue_dma source(%dma_start3A_365 : memref<1x64xf32, #tpu.memory_space<hbm>>) target(%dma_start3A_362 : memref<1x64xf32, #tpu.memory_space<vmem>>) target_semaphore(%arg10 : memref<!tpu.dma_semaphore, #tpu.memory_space<semaphore_mem>>)
      %slice3A_366 = vector.extract_strided_slice %shift_right_logical3A_149 {offsets = [12], sizes = [1], strides = [1]} : vector<16xi32> to vector<1xi32>
      %squeeze3A_367 = vector.extract %slice3A_366[0] : i32 from vector<1xi32>
      %slice3A_368 = vector.extract_strided_slice %and3A_151 {offsets = [12], sizes = [1], strides = [1]} : vector<16xi32> to vector<1xi32>
      %squeeze3A_369 = vector.extract %slice3A_368[0] : i32 from vector<1xi32>
      %mul3A_370 = arith.constant 16 : i32
      %mul3A_371 = arith.muli %scan3A_140, %mul3A_370 : i32
      %add3A_372 = arith.constant 12 : i32
      %add3A_373 = arith.addi %mul3A_371, %add3A_372 : i32
      %dma_start3A_374 = arith.constant 0 : i32
      %dma_start3A_375 = tpu.memref_slice %arg9[%add3A_373, %dma_start3A_374] : memref<512x64xf32, #tpu.memory_space<vmem>> -> memref<1x64xf32, #tpu.memory_space<vmem>>
      %dma_start3A_376 = arith.constant 0 : i32
      %dma_start3A_377 = tpu.memref_slice %arg6[%squeeze3A_367, %squeeze3A_369, %dma_start3A_376] : memref<125x8x64xf32, #tpu.memory_space<hbm>> -> memref<1x1x64xf32, #tpu.memory_space<hbm>>
      %dma_start3A_378 = tpu.memref_squeeze %dma_start3A_377 : memref<1x1x64xf32, #tpu.memory_space<hbm>> -> memref<1x64xf32, #tpu.memory_space<hbm>>
      %dma_start3A_379 = arith.constant 0 : i32
      %dma_start3A_380 = tpu.memref_slice %arg9[%add3A_373, %dma_start3A_379] : memref<512x64xf32, #tpu.memory_space<vmem>> -> memref<1x64xf32, #tpu.memory_space<vmem>>
      %dma_start3A_381 = arith.constant 0 : i32
      %dma_start3A_382 = tpu.memref_slice %arg6[%squeeze3A_367, %squeeze3A_369, %dma_start3A_381] : memref<125x8x64xf32, #tpu.memory_space<hbm>> -> memref<1x1x64xf32, #tpu.memory_space<hbm>>
      %dma_start3A_383 = tpu.memref_squeeze %dma_start3A_382 : memref<1x1x64xf32, #tpu.memory_space<hbm>> -> memref<1x64xf32, #tpu.memory_space<hbm>>
      tpu.enqueue_dma source(%dma_start3A_383 : memref<1x64xf32, #tpu.memory_space<hbm>>) target(%dma_start3A_380 : memref<1x64xf32, #tpu.memory_space<vmem>>) target_semaphore(%arg10 : memref<!tpu.dma_semaphore, #tpu.memory_space<semaphore_mem>>)
      %slice3A_384 = vector.extract_strided_slice %shift_right_logical3A_149 {offsets = [13], sizes = [1], strides = [1]} : vector<16xi32> to vector<1xi32>
      %squeeze3A_385 = vector.extract %slice3A_384[0] : i32 from vector<1xi32>
      %slice3A_386 = vector.extract_strided_slice %and3A_151 {offsets = [13], sizes = [1], strides = [1]} : vector<16xi32> to vector<1xi32>
      %squeeze3A_387 = vector.extract %slice3A_386[0] : i32 from vector<1xi32>
      %mul3A_388 = arith.constant 16 : i32
      %mul3A_389 = arith.muli %scan3A_140, %mul3A_388 : i32
      %add3A_390 = arith.constant 13 : i32
      %add3A_391 = arith.addi %mul3A_389, %add3A_390 : i32
      %dma_start3A_392 = arith.constant 0 : i32
      %dma_start3A_393 = tpu.memref_slice %arg9[%add3A_391, %dma_start3A_392] : memref<512x64xf32, #tpu.memory_space<vmem>> -> memref<1x64xf32, #tpu.memory_space<vmem>>
      %dma_start3A_394 = arith.constant 0 : i32
      %dma_start3A_395 = tpu.memref_slice %arg6[%squeeze3A_385, %squeeze3A_387, %dma_start3A_394] : memref<125x8x64xf32, #tpu.memory_space<hbm>> -> memref<1x1x64xf32, #tpu.memory_space<hbm>>
      %dma_start3A_396 = tpu.memref_squeeze %dma_start3A_395 : memref<1x1x64xf32, #tpu.memory_space<hbm>> -> memref<1x64xf32, #tpu.memory_space<hbm>>
      %dma_start3A_397 = arith.constant 0 : i32
      %dma_start3A_398 = tpu.memref_slice %arg9[%add3A_391, %dma_start3A_397] : memref<512x64xf32, #tpu.memory_space<vmem>> -> memref<1x64xf32, #tpu.memory_space<vmem>>
      %dma_start3A_399 = arith.constant 0 : i32
      %dma_start3A_400 = tpu.memref_slice %arg6[%squeeze3A_385, %squeeze3A_387, %dma_start3A_399] : memref<125x8x64xf32, #tpu.memory_space<hbm>> -> memref<1x1x64xf32, #tpu.memory_space<hbm>>
      %dma_start3A_401 = tpu.memref_squeeze %dma_start3A_400 : memref<1x1x64xf32, #tpu.memory_space<hbm>> -> memref<1x64xf32, #tpu.memory_space<hbm>>
      tpu.enqueue_dma source(%dma_start3A_401 : memref<1x64xf32, #tpu.memory_space<hbm>>) target(%dma_start3A_398 : memref<1x64xf32, #tpu.memory_space<vmem>>) target_semaphore(%arg10 : memref<!tpu.dma_semaphore, #tpu.memory_space<semaphore_mem>>)
      %slice3A_402 = vector.extract_strided_slice %shift_right_logical3A_149 {offsets = [14], sizes = [1], strides = [1]} : vector<16xi32> to vector<1xi32>
      %squeeze3A_403 = vector.extract %slice3A_402[0] : i32 from vector<1xi32>
      %slice3A_404 = vector.extract_strided_slice %and3A_151 {offsets = [14], sizes = [1], strides = [1]} : vector<16xi32> to vector<1xi32>
      %squeeze3A_405 = vector.extract %slice3A_404[0] : i32 from vector<1xi32>
      %mul3A_406 = arith.constant 16 : i32
      %mul3A_407 = arith.muli %scan3A_140, %mul3A_406 : i32
      %add3A_408 = arith.constant 14 : i32
      %add3A_409 = arith.addi %mul3A_407, %add3A_408 : i32
      %dma_start3A_410 = arith.constant 0 : i32
      %dma_start3A_411 = tpu.memref_slice %arg9[%add3A_409, %dma_start3A_410] : memref<512x64xf32, #tpu.memory_space<vmem>> -> memref<1x64xf32, #tpu.memory_space<vmem>>
      %dma_start3A_412 = arith.constant 0 : i32
      %dma_start3A_413 = tpu.memref_slice %arg6[%squeeze3A_403, %squeeze3A_405, %dma_start3A_412] : memref<125x8x64xf32, #tpu.memory_space<hbm>> -> memref<1x1x64xf32, #tpu.memory_space<hbm>>
      %dma_start3A_414 = tpu.memref_squeeze %dma_start3A_413 : memref<1x1x64xf32, #tpu.memory_space<hbm>> -> memref<1x64xf32, #tpu.memory_space<hbm>>
      %dma_start3A_415 = arith.constant 0 : i32
      %dma_start3A_416 = tpu.memref_slice %arg9[%add3A_409, %dma_start3A_415] : memref<512x64xf32, #tpu.memory_space<vmem>> -> memref<1x64xf32, #tpu.memory_space<vmem>>
      %dma_start3A_417 = arith.constant 0 : i32
      %dma_start3A_418 = tpu.memref_slice %arg6[%squeeze3A_403, %squeeze3A_405, %dma_start3A_417] : memref<125x8x64xf32, #tpu.memory_space<hbm>> -> memref<1x1x64xf32, #tpu.memory_space<hbm>>
      %dma_start3A_419 = tpu.memref_squeeze %dma_start3A_418 : memref<1x1x64xf32, #tpu.memory_space<hbm>> -> memref<1x64xf32, #tpu.memory_space<hbm>>
      tpu.enqueue_dma source(%dma_start3A_419 : memref<1x64xf32, #tpu.memory_space<hbm>>) target(%dma_start3A_416 : memref<1x64xf32, #tpu.memory_space<vmem>>) target_semaphore(%arg10 : memref<!tpu.dma_semaphore, #tpu.memory_space<semaphore_mem>>)
      %slice3A_420 = vector.extract_strided_slice %shift_right_logical3A_149 {offsets = [15], sizes = [1], strides = [1]} : vector<16xi32> to vector<1xi32>
      %squeeze3A_421 = vector.extract %slice3A_420[0] : i32 from vector<1xi32>
      %slice3A_422 = vector.extract_strided_slice %and3A_151 {offsets = [15], sizes = [1], strides = [1]} : vector<16xi32> to vector<1xi32>
      %squeeze3A_423 = vector.extract %slice3A_422[0] : i32 from vector<1xi32>
      %mul3A_424 = arith.constant 16 : i32
      %mul3A_425 = arith.muli %scan3A_140, %mul3A_424 : i32
      %add3A_426 = arith.constant 15 : i32
      %add3A_427 = arith.addi %mul3A_425, %add3A_426 : i32
      %dma_start3A_428 = arith.constant 0 : i32
      %dma_start3A_429 = tpu.memref_slice %arg9[%add3A_427, %dma_start3A_428] : memref<512x64xf32, #tpu.memory_space<vmem>> -> memref<1x64xf32, #tpu.memory_space<vmem>>
      %dma_start3A_430 = arith.constant 0 : i32
      %dma_start3A_431 = tpu.memref_slice %arg6[%squeeze3A_421, %squeeze3A_423, %dma_start3A_430] : memref<125x8x64xf32, #tpu.memory_space<hbm>> -> memref<1x1x64xf32, #tpu.memory_space<hbm>>
      %dma_start3A_432 = tpu.memref_squeeze %dma_start3A_431 : memref<1x1x64xf32, #tpu.memory_space<hbm>> -> memref<1x64xf32, #tpu.memory_space<hbm>>
      %dma_start3A_433 = arith.constant 0 : i32
      %dma_start3A_434 = tpu.memref_slice %arg9[%add3A_427, %dma_start3A_433] : memref<512x64xf32, #tpu.memory_space<vmem>> -> memref<1x64xf32, #tpu.memory_space<vmem>>
      %dma_start3A_435 = arith.constant 0 : i32
      %dma_start3A_436 = tpu.memref_slice %arg6[%squeeze3A_421, %squeeze3A_423, %dma_start3A_435] : memref<125x8x64xf32, #tpu.memory_space<hbm>> -> memref<1x1x64xf32, #tpu.memory_space<hbm>>
      %dma_start3A_437 = tpu.memref_squeeze %dma_start3A_436 : memref<1x1x64xf32, #tpu.memory_space<hbm>> -> memref<1x64xf32, #tpu.memory_space<hbm>>
      tpu.enqueue_dma source(%dma_start3A_437 : memref<1x64xf32, #tpu.memory_space<hbm>>) target(%dma_start3A_434 : memref<1x64xf32, #tpu.memory_space<vmem>>) target_semaphore(%arg10 : memref<!tpu.dma_semaphore, #tpu.memory_space<semaphore_mem>>)
      %scan3A_438 = arith.constant 0 : i32
      scf.yield %scan3A_438 : i32
    }
    %scan3A_131 = arith.constant 32 : i32
    %dma_wait3A_132 = arith.constant 0 : i32
    %dma_wait3A_133 = arith.constant 0 : i32
    %dma_wait3A_134 = tpu.memref_slice %arg7[%dma_wait3A_132, %dma_wait3A_133] : memref<65536x64xf32, #tpu.memory_space<hbm>> -> memref<512x64xf32, #tpu.memory_space<hbm>>
    %dma_wait3A_135 = arith.constant 0 : i32
    %dma_wait3A_136 = arith.constant 0 : i32
    %dma_wait3A_137 = tpu.memref_slice %arg7[%dma_wait3A_135, %dma_wait3A_136] : memref<65536x64xf32, #tpu.memory_space<hbm>> -> memref<512x64xf32, #tpu.memory_space<hbm>>
    tpu.wait_dma2 semaphore(%arg10 : memref<!tpu.dma_semaphore, #tpu.memory_space<semaphore_mem>>) src(%dma_wait3A_137 : memref<512x64xf32, #tpu.memory_space<hbm>>) dst(%arg9 : memref<512x64xf32, #tpu.memory_space<vmem>>)
    %add3A_138 = arith.constant 49152 : i32
    %add3A_139 = arith.addi %add3A_138, %mul3A_2 : i32
    "tpu.region"() ({
      %run_scoped3A = tpu.sem_alloc : memref<!tpu.dma_semaphore, #tpu.memory_space<semaphore_mem>>
      %dma_start3A_140 = arith.constant 0 : i32
      %dma_start3A_141 = tpu.memref_slice %arg7[%add3A_139, %dma_start3A_140] : memref<65536x64xf32, #tpu.memory_space<hbm>> -> memref<512x64xf32, #tpu.memory_space<hbm>>
      %dma_start3A_142 = arith.constant 0 : i32
      %dma_start3A_143 = tpu.memref_slice %arg7[%add3A_139, %dma_start3A_142] : memref<65536x64xf32, #tpu.memory_space<hbm>> -> memref<512x64xf32, #tpu.memory_space<hbm>>
      tpu.enqueue_dma source(%arg9 : memref<512x64xf32, #tpu.memory_space<vmem>>) target(%dma_start3A_143 : memref<512x64xf32, #tpu.memory_space<hbm>>) target_semaphore(%run_scoped3A : memref<!tpu.dma_semaphore, #tpu.memory_space<semaphore_mem>>)
      %dma_wait3A_144 = arith.constant 0 : i32
      %dma_wait3A_145 = tpu.memref_slice %arg7[%add3A_139, %dma_wait3A_144] : memref<65536x64xf32, #tpu.memory_space<hbm>> -> memref<512x64xf32, #tpu.memory_space<hbm>>
      %dma_wait3A_146 = arith.constant 0 : i32
      %dma_wait3A_147 = tpu.memref_slice %arg7[%add3A_139, %dma_wait3A_146] : memref<65536x64xf32, #tpu.memory_space<hbm>> -> memref<512x64xf32, #tpu.memory_space<hbm>>
      tpu.wait_dma2 semaphore(%run_scoped3A : memref<!tpu.dma_semaphore, #tpu.memory_space<semaphore_mem>>) src(%arg9 : memref<512x64xf32, #tpu.memory_space<vmem>>) dst(%dma_wait3A_147 : memref<512x64xf32, #tpu.memory_space<hbm>>)
      tpu.yield
    }) : () -> ()
    return
  }
}

module attributes {stable_mosaic.version = 14 : i64} {
  func.func @_dense_body(%arg0: i32, %arg1: i32, %arg2: memref<1024x64xf32, #tpu.memory_space<vmem>>, %arg3: memref<1024x64xf32, #tpu.memory_space<vmem>>, %arg4: memref<1024x64xf32, #tpu.memory_space<vmem>>, %arg5: memref<1024x64xf32, #tpu.memory_space<vmem>>, %arg6: memref<256xf32, #tpu.memory_space<vmem>>, %arg7: memref<256xf32, #tpu.memory_space<vmem>>, %arg8: memref<192xf32, #tpu.memory_space<vmem>>, %arg9: memref<192x256xf32, #tpu.memory_space<vmem>>, %arg10: memref<192xf32, #tpu.memory_space<vmem>>, %arg11: memref<1024x192xf32, #tpu.memory_space<vmem>>, %arg12: memref<2x256xf32, #tpu.memory_space<vmem>>, %arg13: memref<192x256xf32, #tpu.memory_space<vmem>>, %arg14: memref<1x192xf32, #tpu.memory_space<vmem>>, %arg15: memref<16384x256xf32, #tpu.memory_space<vmem>>) attributes {dimension_semantics = [#tpu.dimension_semantics<arbitrary>, #tpu.dimension_semantics<arbitrary>], iteration_bounds = array<i64: 2, 16>, scalar_prefetch = 0 : i64, scratch_operands = 4 : i64, tpu.core_type = #tpu.core_type<tc>, window_params = [{transform_indices = @transform_0, window_bounds = array<i64: 1024, 64>}, {transform_indices = @transform_1, window_bounds = array<i64: 1024, 64>}, {transform_indices = @transform_2, window_bounds = array<i64: 1024, 64>}, {transform_indices = @transform_3, window_bounds = array<i64: 1024, 64>}, {pipeline_mode = #tpu.pipeline_mode<synchronous>, transform_indices = @transform_4, window_bounds = array<i64: 256>}, {pipeline_mode = #tpu.pipeline_mode<synchronous>, transform_indices = @transform_5, window_bounds = array<i64: 256>}, {pipeline_mode = #tpu.pipeline_mode<synchronous>, transform_indices = @transform_6, window_bounds = array<i64: 192>}, {pipeline_mode = #tpu.pipeline_mode<synchronous>, transform_indices = @transform_7, window_bounds = array<i64: 192, 256>}, {pipeline_mode = #tpu.pipeline_mode<synchronous>, transform_indices = @transform_8, window_bounds = array<i64: 192>}, {transform_indices = @transform_9, window_bounds = array<i64: 1024, 192>}]} {
    %eq3A = arith.constant 0 : i32
    %eq3A_0 = arith.cmpi eq, %arg0, %eq3A : i32
    %convert_element_type3A = arith.extui %eq3A_0 : i1 to i32
    %cond3A = arith.constant 0 : i32
    %cond3A_1 = arith.cmpi ne, %convert_element_type3A, %cond3A : i32
    scf.if %cond3A_1 {
      %eq3A_7 = arith.constant 0 : i32
      %eq3A_8 = arith.cmpi eq, %arg1, %eq3A_7 : i32
      %convert_element_type3A_9 = arith.extui %eq3A_8 : i1 to i32
      %cond3A_10 = arith.constant 0 : i32
      %cond3A_11 = arith.cmpi ne, %convert_element_type3A_9, %cond3A_10 : i32
      scf.if %cond3A_11 {
        %broadcast_in_dim3A_49 = arith.constant 0.000000e+00 : f32
        %broadcast_in_dim3A_50 = vector.broadcast %broadcast_in_dim3A_49 : f32 to vector<2x256xf32>
        %swap3A_51 = arith.constant 0 : index
        %swap3A_52 = arith.constant 0 : index
        %swap3A_53 = vector.load %arg12[%swap3A_51, %swap3A_52] : memref<2x256xf32, #tpu.memory_space<vmem>>, vector<2x256xf32>
        tpu.vector_store %arg12[%swap3A_51, %swap3A_52], %broadcast_in_dim3A_50 {strides = array<i32>} : memref<2x256xf32, #tpu.memory_space<vmem>>, vector<2x256xf32>,
      } else {
      }
      %get3A = arith.constant 0 : index
      %get3A_12 = arith.constant 0 : index
      %get3A_13 = vector.load %arg2[%get3A, %get3A_12] : memref<1024x64xf32, #tpu.memory_space<vmem>>, vector<1024x64xf32>
      %get3A_14 = arith.constant 0 : index
      %get3A_15 = arith.constant 0 : index
      %get3A_16 = vector.load %arg3[%get3A_14, %get3A_15] : memref<1024x64xf32, #tpu.memory_space<vmem>>, vector<1024x64xf32>
      %get3A_17 = arith.constant 0 : index
      %get3A_18 = arith.constant 0 : index
      %get3A_19 = vector.load %arg4[%get3A_17, %get3A_18] : memref<1024x64xf32, #tpu.memory_space<vmem>>, vector<1024x64xf32>
      %get3A_20 = arith.constant 0 : index
      %get3A_21 = arith.constant 0 : index
      %get3A_22 = vector.load %arg5[%get3A_20, %get3A_21] : memref<1024x64xf32, #tpu.memory_space<vmem>>, vector<1024x64xf32>
      %concatenate3A = tpu.concatenate %get3A_13, %get3A_16, %get3A_19, %get3A_22 in 1 : vector<1024x64xf32>, vector<1024x64xf32>, vector<1024x64xf32>, vector<1024x64xf32> -> vector<1024x256xf32>
      %mul3A = arith.constant 1024 : i32
      %mul3A_23 = arith.muli %arg1, %mul3A : i32
      %swap3A = arith.index_cast %mul3A_23 : i32 to index
      %swap3A_24 = arith.constant 0 : index
      %swap3A_25 = vector.load %arg15[%swap3A, %swap3A_24] : memref<16384x256xf32, #tpu.memory_space<vmem>>, vector<1024x256xf32>
      tpu.vector_store %arg15[%swap3A, %swap3A_24], %concatenate3A {strides = array<i32>} : memref<16384x256xf32, #tpu.memory_space<vmem>>, vector<1024x256xf32>,
      %get3A_26 = arith.constant 0 : index
      %get3A_27 = arith.constant 0 : index
      %get3A_28 = vector.load %arg12[%get3A_26, %get3A_27] : memref<2x256xf32, #tpu.memory_space<vmem>>, vector<1x256xf32>
      %reduce_sum3A = arith.constant dense<0.000000e+00> : vector<256xf32>
      %reduce_sum3A_29 = vector.multi_reduction <add>, %concatenate3A, %reduce_sum3A [0] : vector<1024x256xf32> to vector<256xf32>
      %broadcast_in_dim3A = vector.shape_cast %reduce_sum3A_29 : vector<256xf32> to vector<1x256xf32>
      %add3A = arith.addf %get3A_28, %broadcast_in_dim3A : vector<1x256xf32>
      %swap3A_30 = arith.constant 0 : index
      %swap3A_31 = arith.constant 0 : index
      %swap3A_32 = vector.load %arg12[%swap3A_30, %swap3A_31] : memref<2x256xf32, #tpu.memory_space<vmem>>, vector<1x256xf32>
      tpu.vector_store %arg12[%swap3A_30, %swap3A_31], %add3A {strides = array<i32>} : memref<2x256xf32, #tpu.memory_space<vmem>>, vector<1x256xf32>,
      %get3A_33 = arith.constant 1 : index
      %get3A_34 = arith.constant 0 : index
      %get3A_35 = vector.load %arg12[%get3A_33, %get3A_34] : memref<2x256xf32, #tpu.memory_space<vmem>>, vector<1x256xf32>
      %mul3A_36 = arith.mulf %concatenate3A, %concatenate3A : vector<1024x256xf32>
      %reduce_sum3A_37 = arith.constant dense<0.000000e+00> : vector<256xf32>
      %reduce_sum3A_38 = vector.multi_reduction <add>, %mul3A_36, %reduce_sum3A_37 [0] : vector<1024x256xf32> to vector<256xf32>
      %broadcast_in_dim3A_39 = vector.shape_cast %reduce_sum3A_38 : vector<256xf32> to vector<1x256xf32>
      %add3A_40 = arith.addf %get3A_35, %broadcast_in_dim3A_39 : vector<1x256xf32>
      %swap3A_41 = arith.constant 1 : index
      %swap3A_42 = arith.constant 0 : index
      %swap3A_43 = vector.load %arg12[%swap3A_41, %swap3A_42] : memref<2x256xf32, #tpu.memory_space<vmem>>, vector<1x256xf32>
      tpu.vector_store %arg12[%swap3A_41, %swap3A_42], %add3A_40 {strides = array<i32>} : memref<2x256xf32, #tpu.memory_space<vmem>>, vector<1x256xf32>,
      %eq3A_44 = arith.constant 15 : i32
      %eq3A_45 = arith.cmpi eq, %arg1, %eq3A_44 : i32
      %convert_element_type3A_46 = arith.extui %eq3A_45 : i1 to i32
      %cond3A_47 = arith.constant 0 : i32
      %cond3A_48 = arith.cmpi ne, %convert_element_type3A_46, %cond3A_47 : i32
      scf.if %cond3A_48 {
        %get3A_49 = arith.constant 0 : index
        %get3A_50 = arith.constant 0 : index
        %get3A_51 = vector.load %arg12[%get3A_49, %get3A_50] : memref<2x256xf32, #tpu.memory_space<vmem>>, vector<1x256xf32>
        %div3A = arith.constant 1.638400e+04 : f32
        %div3A_52 = vector.broadcast %div3A : f32 to vector<1x256xf32>
        %div3A_53 = arith.divf %get3A_51, %div3A_52 : vector<1x256xf32>
        %get3A_54 = arith.constant 1 : index
        %get3A_55 = arith.constant 0 : index
        %get3A_56 = vector.load %arg12[%get3A_54, %get3A_55] : memref<2x256xf32, #tpu.memory_space<vmem>>, vector<1x256xf32>
        %div3A_57 = arith.constant 1.638400e+04 : f32
        %div3A_58 = vector.broadcast %div3A_57 : f32 to vector<1x256xf32>
        %div3A_59 = arith.divf %get3A_56, %div3A_58 : vector<1x256xf32>
        %mul3A_60 = arith.mulf %div3A_53, %div3A_53 : vector<1x256xf32>
        %sub3A = arith.subf %div3A_59, %mul3A_60 : vector<1x256xf32>
        %get3A_61 = arith.constant 0 : index
        %get3A_62 = vector.load %arg6[%get3A_61] : memref<256xf32, #tpu.memory_space<vmem>>, vector<256xf32>
        %broadcast_in_dim3A_63 = vector.shape_cast %get3A_62 : vector<256xf32> to vector<1x256xf32>
        %add3A_64 = arith.constant 9.99999974E-6 : f32
        %add3A_65 = vector.broadcast %add3A_64 : f32 to vector<1x256xf32>
        %add3A_66 = arith.addf %sub3A, %add3A_65 : vector<1x256xf32>
        %sqrt3A = math.sqrt %add3A_66 : vector<1x256xf32>
        %div3A_67 = arith.divf %broadcast_in_dim3A_63, %sqrt3A : vector<1x256xf32>
        %get3A_68 = arith.constant 0 : index
        %get3A_69 = vector.load %arg7[%get3A_68] : memref<256xf32, #tpu.memory_space<vmem>>, vector<256xf32>
        %broadcast_in_dim3A_70 = vector.shape_cast %get3A_69 : vector<256xf32> to vector<1x256xf32>
        %mul3A_71 = arith.mulf %div3A_53, %div3A_67 : vector<1x256xf32>
        %sub3A_72 = arith.subf %broadcast_in_dim3A_70, %mul3A_71 : vector<1x256xf32>
        %get3A_73 = arith.constant 0 : index
        %get3A_74 = arith.constant 0 : index
        %get3A_75 = vector.load %arg9[%get3A_73, %get3A_74] : memref<192x256xf32, #tpu.memory_space<vmem>>, vector<192x256xf32>
        %mul3A_76 = arith.mulf %get3A_75, %get3A_75 : vector<192x256xf32>
        %reduce_sum3A_77 = arith.constant dense<0.000000e+00> : vector<192xf32>
        %reduce_sum3A_78 = vector.multi_reduction <add>, %mul3A_76, %reduce_sum3A_77 [1] : vector<192x256xf32> to vector<192xf32>
        %broadcast_in_dim3A_79 = vector.shape_cast %reduce_sum3A_78 : vector<192xf32> to vector<192x1xf32>
        %sqrt3A_80 = math.sqrt %broadcast_in_dim3A_79 : vector<192x1xf32>
        %get3A_81 = arith.constant 0 : index
        %get3A_82 = vector.load %arg8[%get3A_81] : memref<192xf32, #tpu.memory_space<vmem>>, vector<192xf32>
        %broadcast_in_dim3A_83 = vector.shape_cast %get3A_82 : vector<192xf32> to vector<192x1xf32>
        %div3A_84 = arith.divf %broadcast_in_dim3A_83, %sqrt3A_80 : vector<192x1xf32>
        %mul3A_85 = vector.broadcast %div3A_84 : vector<192x1xf32> to vector<192x256xf32>
        %mul3A_86 = arith.mulf %mul3A_85, %get3A_75 : vector<192x256xf32>
        %mul3A_87 = vector.broadcast %div3A_67 : vector<1x256xf32> to vector<192x256xf32>
        %mul3A_88 = arith.mulf %mul3A_86, %mul3A_87 : vector<192x256xf32>
        %swap3A_89 = arith.constant 0 : index
        %swap3A_90 = arith.constant 0 : index
        %swap3A_91 = vector.load %arg13[%swap3A_89, %swap3A_90] : memref<192x256xf32, #tpu.memory_space<vmem>>, vector<192x256xf32>
        tpu.vector_store %arg13[%swap3A_89, %swap3A_90], %mul3A_88 {strides = array<i32>} : memref<192x256xf32, #tpu.memory_space<vmem>>, vector<192x256xf32>,
        %get3A_92 = arith.constant 0 : index
        %get3A_93 = vector.load %arg10[%get3A_92] : memref<192xf32, #tpu.memory_space<vmem>>, vector<192xf32>
        %squeeze3A = vector.shape_cast %sub3A_72 : vector<1x256xf32> to vector<256xf32>
        %dot_general3A = arith.constant dense<0.000000e+00> : vector<192xf32>
        %dot_general3A_94 = tpu.matmul %mul3A_86, %squeeze3A, %dot_general3A {dimension_numbers = #tpu.dot_dimension_numbers<[1], [0], [0], [], [0, 0], [], []>, transpose_lhs_hint = false} : vector<192x256xf32>, vector<256xf32>, vector<192xf32> -> vector<192xf32>
        %add3A_95 = arith.addf %get3A_93, %dot_general3A_94 : vector<192xf32>
        %broadcast_in_dim3A_96 = vector.shape_cast %add3A_95 : vector<192xf32> to vector<1x192xf32>
        %swap3A_97 = arith.constant 0 : index
        %swap3A_98 = arith.constant 0 : index
        %swap3A_99 = vector.load %arg14[%swap3A_97, %swap3A_98] : memref<1x192xf32, #tpu.memory_space<vmem>>, vector<1x192xf32>
        tpu.vector_store %arg14[%swap3A_97, %swap3A_98], %broadcast_in_dim3A_96 {strides = array<i32>} : memref<1x192xf32, #tpu.memory_space<vmem>>, vector<1x192xf32>,
      } else {
      }
    } else {
    }
    %eq3A_2 = arith.constant 1 : i32
    %eq3A_3 = arith.cmpi eq, %arg0, %eq3A_2 : i32
    %convert_element_type3A_4 = arith.extui %eq3A_3 : i1 to i32
    %cond3A_5 = arith.constant 0 : i32
    %cond3A_6 = arith.cmpi ne, %convert_element_type3A_4, %cond3A_5 : i32
    scf.if %cond3A_6 {
      %mul3A = arith.constant 1024 : i32
      %mul3A_7 = arith.muli %arg1, %mul3A : i32
      %get3A = arith.index_cast %mul3A_7 : i32 to index
      %get3A_8 = arith.constant 0 : index
      %get3A_9 = vector.load %arg15[%get3A, %get3A_8] : memref<16384x256xf32, #tpu.memory_space<vmem>>, vector<1024x256xf32>
      %get3A_10 = arith.constant 0 : index
      %get3A_11 = arith.constant 0 : index
      %get3A_12 = vector.load %arg13[%get3A_10, %get3A_11] : memref<192x256xf32, #tpu.memory_space<vmem>>, vector<192x256xf32>
      %dot_general3A = arith.constant dense<0.000000e+00> : vector<1024x192xf32>
      %dot_general3A_13 = tpu.matmul %get3A_9, %get3A_12, %dot_general3A {dimension_numbers = #tpu.dot_dimension_numbers<[1], [1], [0], [0], [0, 0, 1, 0], [], []>, transpose_lhs_hint = false} : vector<1024x256xf32>, vector<192x256xf32>, vector<1024x192xf32> -> vector<1024x192xf32>
      %get3A_14 = arith.constant 0 : index
      %get3A_15 = arith.constant 0 : index
      %get3A_16 = vector.load %arg14[%get3A_14, %get3A_15] : memref<1x192xf32, #tpu.memory_space<vmem>>, vector<1x192xf32>
      %add3A = vector.broadcast %get3A_16 : vector<1x192xf32> to vector<1024x192xf32>
      %add3A_17 = arith.addf %dot_general3A_13, %add3A : vector<1024x192xf32>
      %logistic3A = arith.negf %add3A_17 : vector<1024x192xf32>
      %logistic3A_18 = math.exp %logistic3A : vector<1024x192xf32>
      %logistic3A_19 = arith.constant 1.000000e+00 : f32
      %logistic3A_20 = vector.broadcast %logistic3A_19 : f32 to vector<1024x192xf32>
      %logistic3A_21 = arith.addf %logistic3A_20, %logistic3A_18 : vector<1024x192xf32>
      %logistic3A_22 = arith.divf %logistic3A_20, %logistic3A_21 : vector<1024x192xf32>
      %swap3A = arith.constant 0 : index
      %swap3A_23 = arith.constant 0 : index
      %swap3A_24 = vector.load %arg11[%swap3A, %swap3A_23] : memref<1024x192xf32, #tpu.memory_space<vmem>>, vector<1024x192xf32>
      tpu.vector_store %arg11[%swap3A, %swap3A_23], %logistic3A_22 {strides = array<i32>} : memref<1024x192xf32, #tpu.memory_space<vmem>>, vector<1024x192xf32>,
    } else {
    }
    return
  }
  func.func @transform_0(%arg0: i32, %arg1: i32) -> (i32, i32) {
    %eq3A = arith.constant 0 : i32
    %eq3A_0 = arith.cmpi eq, %arg0, %eq3A : i32
    %jit3A = arith.constant 0 : i32
    %select_n3A = arith.select %eq3A_0, %arg1, %jit3A : i32
    %add3A = arith.constant 0 : i32
    %add3A_1 = arith.addi %add3A, %select_n3A : i32
    %c0_i32 = arith.constant 0 : i32
    %c0_i32_2 = arith.constant 0 : i32
    return %add3A_1, %c0_i32 : i32, i32
  }
  func.func @transform_1(%arg0: i32, %arg1: i32) -> (i32, i32) {
    %eq3A = arith.constant 0 : i32
    %eq3A_0 = arith.cmpi eq, %arg0, %eq3A : i32
    %jit3A = arith.constant 0 : i32
    %select_n3A = arith.select %eq3A_0, %arg1, %jit3A : i32
    %add3A = arith.constant 16 : i32
    %add3A_1 = arith.addi %add3A, %select_n3A : i32
    %c0_i32 = arith.constant 0 : i32
    %c0_i32_2 = arith.constant 0 : i32
    return %add3A_1, %c0_i32 : i32, i32
  }
  func.func @transform_2(%arg0: i32, %arg1: i32) -> (i32, i32) {
    %eq3A = arith.constant 0 : i32
    %eq3A_0 = arith.cmpi eq, %arg0, %eq3A : i32
    %jit3A = arith.constant 0 : i32
    %select_n3A = arith.select %eq3A_0, %arg1, %jit3A : i32
    %add3A = arith.constant 32 : i32
    %add3A_1 = arith.addi %add3A, %select_n3A : i32
    %c0_i32 = arith.constant 0 : i32
    %c0_i32_2 = arith.constant 0 : i32
    return %add3A_1, %c0_i32 : i32, i32
  }
  func.func @transform_3(%arg0: i32, %arg1: i32) -> (i32, i32) {
    %eq3A = arith.constant 0 : i32
    %eq3A_0 = arith.cmpi eq, %arg0, %eq3A : i32
    %jit3A = arith.constant 0 : i32
    %select_n3A = arith.select %eq3A_0, %arg1, %jit3A : i32
    %add3A = arith.constant 48 : i32
    %add3A_1 = arith.addi %add3A, %select_n3A : i32
    %c0_i32 = arith.constant 0 : i32
    %c0_i32_2 = arith.constant 0 : i32
    return %add3A_1, %c0_i32 : i32, i32
  }
  func.func @transform_4(%arg0: i32, %arg1: i32) -> i32 {
    %c0_i32 = arith.constant 0 : i32
    %c0_i32_0 = arith.constant 0 : i32
    return %c0_i32 : i32
  }
  func.func @transform_5(%arg0: i32, %arg1: i32) -> i32 {
    %c0_i32 = arith.constant 0 : i32
    %c0_i32_0 = arith.constant 0 : i32
    return %c0_i32 : i32
  }
  func.func @transform_6(%arg0: i32, %arg1: i32) -> i32 {
    %c0_i32 = arith.constant 0 : i32
    %c0_i32_0 = arith.constant 0 : i32
    return %c0_i32 : i32
  }
  func.func @transform_7(%arg0: i32, %arg1: i32) -> (i32, i32) {
    %c0_i32 = arith.constant 0 : i32
    %c0_i32_0 = arith.constant 0 : i32
    %c0_i32_1 = arith.constant 0 : i32
    return %c0_i32, %c0_i32_0 : i32, i32
  }
  func.func @transform_8(%arg0: i32, %arg1: i32) -> i32 {
    %c0_i32 = arith.constant 0 : i32
    %c0_i32_0 = arith.constant 0 : i32
    return %c0_i32 : i32
  }
  func.func @transform_9(%arg0: i32, %arg1: i32) -> (i32, i32) {
    %eq3A = arith.constant 0 : i32
    %eq3A_0 = arith.cmpi eq, %arg0, %eq3A : i32
    %jit3A = arith.constant 0 : i32
    %select_n3A = arith.select %eq3A_0, %jit3A, %arg1 : i32
    %c0_i32 = arith.constant 0 : i32
    %c0_i32_1 = arith.constant 0 : i32
    return %select_n3A, %c0_i32 : i32, i32
  }
}

</mosaic_0001>

<sc_bundles>
// kernel: kernel.4.cloned.1.call-start
scs
__scs_entry_jumppad:
0x0: {  	(pc) =	sbr.rel $0x88, $3  }
0x1: {  	(tag) =	ssettag $0x0;
	lr =	simm.s32 $0x1  }
0x2: {  	[smem:$0x3F94] =	sst lr;
	_ =	strace $0xD0000000  }
0x3: {  	_ = 	snop  }
0x4: {  	_ = 	snop  }
0x5: {  	_ = 	snop  }
0x6: {  	_ = 	snop  }
0x7: {  	_ = 	snop  }
__scs_overlays_trampoline_lowered:
0x8: {  	[smem:$0x3FA3] =	sst s0  }
0x9: {  	[smem:$0x3FA4] =	sst s1  }
0xa: {  	[smem:$0x3FA5] =	sst s2  }
0xb: {  	[smem:$0x3FA6] =	sst s3  }
0xc: {  	[smem:$0x3FA7] =	sst s4  }
0xd: {  	[smem:$0x3FA8] =	sst s5  }
0xe: {  	[smem:$0x3FA9] =	sst s6  }
0xf: {  	[smem:$0x3FAA] =	sst s7  }
0x10: {  	[smem:$0x3FAB] =	sst s8  }
0x11: {  	[smem:$0x3FAC] =	sst s9;
	s0 =	simm.s32 @!p0 $0x0  }
0x12: {  	s1 =	sld [smem:$0x3F92];
	s0 =	simm.s32 @p0 $0x1  }
0x13: {  	[smem:$0x3FAD] =	sst s0;
	s0 =	simm.s32 @!p1 $0x0  }
0x14: {  	s2 =	sld [smem:$0x3F91];
	s0 =	simm.s32 @p1 $0x1  }
0x15: {  	[smem:$0x3FAE] =	sst s0;
	s0 =	simm.s32 @!p2 $0x0  }
0x16: {  	s3 =	sld [smem:$0x3FDB];
	s0 =	simm.s32 @p2 $0x1  }
0x17: {  	s4 =	simm.s32 $0x1BF5;
	[smem:$0x3FB0] =	sst s0  }
0x18: {  	s0 =	sld [smem:$0x3F93];
	_ =	swait.ge [sflag:s4], $0x0  }
0x19: {  	s7 =	sld [smem:$0x3F94]  }
0x1a: {  	s8 =	sadd.s32 $0xFFFFE003, lr  }
0x1b: {  	s9 =	sadd.s32 $0xFFFFFEF7, lr;
	s5 =	simm.s32 $0xFFFFFFFF;
	p2 =	slt.u32 s8, $0xFFFFF086  }
0x1c: {  	p1 =	slt.u32 s9, $0xF7A;
	s5 =	simm.s32 @!p2 $0x0  }
0x1d: {  	s5 =	simm.s32 @p1 $0x1;
	p0 =	seq.s32 s7, s2  }
0x1e: {  	s7 =	smul.u32 @!p0 $0xF7A, s2;
	p2 =	seq.s32 @!p0 s5, $0x0  }
0x1f: {  	s9 =	smul.u32 $0xF7A, s1;
	s8 =	simm.s32 @!p0 $0x1BF5;
	p2 =	por !p2, p0  }
0x20: {  	[sflag:s8] =	ssyncset.s32 @!p0 $0xFFFFF086;
	s6 =	sadd.s32 @!p0 s3, s7;
	s7 =	simm.s32 @!p0 $0x108  }
0x21: {  	s3 =	sadd.s32 s3, s9;
	s6 =	sadd.s32 @!p0 $0x88, s6;
	s7 =	simm.s32 @p2 $0x1082  }
0x22: {  	[simem:s7], [sflag:s8] =	dma.local @!p0 [hbm:s6], $0xF7A  }
0x23: {  	s9 =	sor.u32 $0xD0000000, s2;
	s6 =	simm.s32 $0x108;
	_ =	swait.ge @!p0 [sflag:s8], $0x0  }
0x24: {  	s3 =	sadd.s32 $0x88, s3;
	s6 =	simm.s32 @!p1 $0x1082;
	[sflag:s4] =	ssyncset.s32 $0xFFFFF086  }
0x25: {  	[simem:s6], [sflag:s4] =	dma.local [hbm:s3], $0xF7A  }
0x26: {  	[smem:$0x3F94] =	sst s1;
	(tag) =	ssettag s2;
	_ =	strace s9  }
0x27: {  	s1 =	sld [smem:$0x3FA4]  }
0x28: {  	s2 =	sld [smem:$0x3FA5]  }
0x29: {  	s4 =	sld [smem:$0x3FA7]  }
0x2a: {  	p0 =	seq.s32 s5, $0x0;
	s5 =	sld [smem:$0x3FA8]  }
0x2b: {  	s6 =	sld [smem:$0x3FA9]  }
0x2c: {  	s7 =	sld [smem:$0x3FAA]  }
0x2d: {  	s3 =	simm.s32 $0x108;
	s8 =	sld [smem:$0x3FAB]  }
0x2e: {  	s3 =	simm.s32 @!p0 $0x1082;
	s9 =	sld [smem:$0x3FAC]  }
0x2f: {  	lr =	sadd.s32 s0, s3;
	s0 =	sld [smem:$0x3FA3]  }
0x30: {  	s3 =	sld [smem:$0x3FA6]  }
0x31: {  	[smem:$0x3FAF] =	sst s10  }
0x32: {  	s10 =	sld [smem:$0x3FAD];
	_ =	sdelay $0x3  }
0x33: {  	p0 =	seq.s32 s10, $0x1;
	s10 =	sld [smem:$0x3FAF];
	_ =	sdelay $0x3  }
0x34: {  	[smem:$0x3FAF] =	sst s10  }
0x35: {  	s10 =	sld [smem:$0x3FAE];
	_ =	sdelay $0x3  }
0x36: {  	p1 =	seq.s32 s10, $0x1;
	s10 =	sld [smem:$0x3FAF];
	_ =	sdelay $0x3  }
0x37: {  	[smem:$0x3FAF] =	sst s10  }
0x38: {  	s10 =	sld [smem:$0x3FB0]  }
0x39: {  	_ = 	snop;
	(pc) =	sbr.ind lr, $3  }
0x3a: {  	_ = 	snop  }
0x3b: {  	_ = 	snop  }
0x3c: {  	p2 =	seq.s32 s10, $0x1;
	s10 =	sld [smem:$0x3FAF]  }
0x3d: {  	_ =	shalt  }
0x3e: {  	_ =	shalt  }
0x3f: {  	_ =	shalt  }
0x40: {  	_ =	shalt  }
0x41: {  	_ =	shalt  }
0x42: {  	_ =	shalt  }
0x43: {  	_ =	shalt  }
0x44: {  	_ =	shalt  }
0x45: {  	_ =	shalt  }
0x46: {  	_ =	shalt  }
0x47: {  	_ =	shalt  }
0x48: {  	_ =	shalt  }
0x49: {  	_ =	shalt  }
0x4a: {  	_ =	shalt  }
0x4b: {  	_ =	shalt  }
0x4c: {  	_ =	shalt  }
0x4d: {  	_ =	shalt  }
0x4e: {  	_ =	shalt  }
0x4f: {  	_ =	shalt  }
0x50: {  	_ =	shalt  }
0x51: {  	_ =	shalt  }
0x52: {  	_ =	shalt  }
0x53: {  	_ =	shalt  }
0x54: {  	_ =	shalt  }
0x55: {  	_ =	shalt  }
0x56: {  	_ =	shalt  }
0x57: {  	_ =	shalt  }
0x58: {  	_ =	shalt  }
0x59: {  	_ =	shalt  }
0x5a: {  	_ =	shalt  }
0x5b: {  	_ =	shalt  }
0x5c: {  	_ =	shalt  }
0x5d: {  	_ =	shalt  }
0x5e: {  	_ =	shalt  }
0x5f: {  	_ =	shalt  }
0x60: {  	_ =	shalt  }
0x61: {  	_ =	shalt  }
0x62: {  	_ =	shalt  }
0x63: {  	_ =	shalt  }
0x64: {  	_ =	shalt  }
0x65: {  	_ =	shalt  }
0x66: {  	_ =	shalt  }
0x67: {  	_ =	shalt  }
0x68: {  	_ =	shalt  }
0x69: {  	_ =	shalt  }
0x6a: {  	_ =	shalt  }
0x6b: {  	_ =	shalt  }
0x6c: {  	_ =	shalt  }
0x6d: {  	_ =	shalt  }
0x6e: {  	_ =	shalt  }
0x6f: {  	_ =	shalt  }
0x70: {  	_ =	shalt  }
0x71: {  	_ =	shalt  }
0x72: {  	_ =	shalt  }
0x73: {  	_ =	shalt  }
0x74: {  	_ =	shalt  }
0x75: {  	_ =	shalt  }
0x76: {  	_ =	shalt  }
0x77: {  	_ =	shalt  }
0x78: {  	_ =	shalt  }
0x79: {  	_ =	shalt  }
0x7a: {  	_ =	shalt  }
0x7b: {  	_ =	shalt  }
0x7c: {  	_ =	shalt  }
0x7d: {  	_ =	shalt  }
0x7e: {  	_ =	shalt  }
0x7f: {  	_ =	shalt  }
0x80: {  	_ =	shalt  }
0x81: {  	_ =	shalt  }
0x82: {  	_ =	shalt  }
0x83: {  	_ =	shalt  }
0x84: {  	_ =	shalt  }
0x85: {  	_ =	shalt  }
0x86: {  	_ =	shalt  }
0x87: {  	_ =	shalt  }
.Lfunc_end0:
.L_simem_size_0:
called_computation_lowered:
.L_overlay_start_0:
0x88: {  	s2 =	sld [smem:$0x3FD9]  }
0x89: {  	s3 =	sld [smem:$0x3FFE];
	_ =	sdelay $0x1  }
0x8a: {  	s1 =	srdreg.scid  }
0x8b: {  	s0 =	sand.u32 $0x1, s1  }
0x8c: {  	s17 =	sshll.u32 s0, $0xA;
	s2 =	sadd.s32 s3, s2  }
0x8d: {  	s2 =	sadd.s32 s2, s17  }
0x8e: {  	[smem:$0x3FBB] =	sst s2  }
0x8f: {  	_ = 	snop  }
0x90: {  	s2 =	sld [smem:$0x3FD0];
	(tm) =	ssettm $0x1  }
0x91: {  	s18 =	sld [smem:$0x3FFB];
	_ =	sdelay $0x3  }
0x92: {  	_ =	strace s18  }
0x93: {  	s3 =	sld [smem:$0x3FFC];
	_ =	sdelay $0x3  }
0x94: {  	_ =	strace s3  }
0x95: {  	s3 =	sld [smem:$0x3FFD];
	_ =	sdelay $0x3  }
0x96: {  	_ =	strace s3  }
0x97: {  	_ =	strace $0x8FFFFFFF  }
0x98: {  	s19 =	sld [smem:$0x3FDB];
	_ =	sdelay $0x1  }
0x99: {  	s4 =	simm.s32 $_scs_section_size  }
0x9a: {  	s5 =	simm.s32 $_size__tile_overlayer_lowered;
	s6 =	simm.s32 $_tile_overlayer_lowered  }
0x9b: {  	s22 =	simm.s32 $0x1BFF;
	s21 =	sshll.u32 s6, $0x1;
	s3 =	sadd.s32 s4, s19  }
0x9c: {  	s7 =	simm.s32 $0x0;
	s20 =	sshll.u32 s5, $0x1;
	s5 =	sadd.s32 s21, s3  }
0x9d: {  	[timem:s7], [sflag:s22] =	dma.local [hbm:s5], s20  }
0x9e: {  	_ =	swait.ge [sflag:s22], s20  }
0x9f: {  	s4 =	ssub.s32 $0x0, s20;
	[sflag:s22] =	ssyncset.done $0x0  }
0xa0: {  	[sflag:s22] =	ssyncadd.s32 s4;
	_ =	sdelay $0x1  }
0xa1: {  	s23 =	simm.s32 $0x1B8B  }
0xa2: {  	_ =	swait.ge [sflag:s23], $0x1  }
0xa3: {  	[sflag:s23] =	ssyncset.done $0x0  }
0xa4: {  	s25 =	simm.s32 $0x1B8E;
	s24 =	sld [smem:$0x3FFE];
	[sflag:s23] =	ssyncadd.s32 $0xFFFFFFFF  }
0xa5: {  	s26 =	simm.s32 $execute0_lowered;
	[smem:$0x3FD2] =	sst s25  }
0xa6: {  	s5 =	sshll.u32 s26, $0x1;
	_ =	strace $0x80000046;
	[dreg:$0x1] =	wrdreg $0xFFFFFFFF  }
0xa7: {  	s28 =	simm.s32 $_size_execute0_lowered;
	s3 =	sadd.s32 s3, s5;
	[dreg:$0x0] =	wrdreg $0x0  }
0xa8: {  	s5 =	sshll.u32 s28, $0x1;
	[dreg:$0x2] =	wrdreg s3  }
0xa9: {  	[dreg:$0x3] =	wrdreg s5  }
0xaa: {  	[dreg:$0x4] =	wrdreg $0xC0  }
0xab: {  	_ =	task [dreg:s7], $0x5FFFF  }
0xac: {  	[dreg:$0x1] =	wrdreg $0xFFFFFFFF  }
0xad: {  	[dreg:$0x0] =	wrdreg $0x60  }
0xae: {  	[dreg:$0x2] =	wrdreg s24  }
0xaf: {  	[dreg:$0x3] =	wrdreg s2  }
0xb0: {  	[dreg:$0x4] =	wrdreg $0x9  }
0xb1: {  	_ =	task.clear_ibuf [dreg:s7], $0x5FFFF;
	_ =	strace $0x90000046  }
0xb2: {  	s29 =	simm.s32 $0x9;
	_ =	strace $0x80000048  }
0xb3: {  	_ =	swait.ge [sflag:s29], $0x1  }
0xb4: {  	[sflag:s29] =	ssyncadd.s32 $0xFFFFFFFF  }
0xb5: {  	_ =	strace $0x90000048  }
0xb6: {  	_ =	sfence  }
0xb7: {  	s30 =	sld [smem:$0x0];
	_ =	sdelay $0x2  }
0xb8: {  	s31 =	sshll.u32 s1, $0xD;
	s1 =	sshrl.u32 s1, $0x2  }
0xb9: {  	s3 =	sand.u32 $0x4000, s31;
	s1 =	sadd.s32 s1, s30  }
0xba: {  	s0 =	sor.u32 s3, s0;
	s1 =	sshll.u32 s1, $0x11  }
0xbb: {  	s0 =	sor.u32 s1, s0  }
0xbc: {  	s0 =	sadd.s32 $0x8F2B, s0  }
0xbd: {  	[sflag:s0] =	ssyncadd.remote.s32 $0x1  }
0xbe: {  	_ =	sfence.sel $0xFFFF  }
0xbf: {  	[dreg:$0x0] =	wrdreg $0xFFFFFFFF;
	(pc) =	sbr.abs _section_cstart, $3  }
0xc0: {  	[dreg:$0x1] =	wrdreg $0xFFFFFFFF  }
0xc1: {  	_ =	task.clear_ibuf [dreg:s7], $0x2FFFF;
	_ =	strace $0x9FFFFFFF  }
0xc2: {  	(tm) =	ssettm $0x7FFFFFFF  }
0xc3: {  	_ =	shalt  }
tec
execute0_lowered:
.L_overlay_start_1:
0x0: {  	(tag) =	ssettag $0x1  }
0x1: {  	s0 =	rddreg [dreg:$0x0]  }
0x2: {  	s1 =	rddreg [dreg:$0x1];
	s2 =	simm.s32 $0x0  }
0x3: {  	s5 =	srdreg.scid;
	s6 =	stileid.u32;
	s29 =	simm.s32 $0x1  }
0x4: {  	s30 =	simm.s32 $0x800;
	s31 =	simm.s32 $0x2;
	[smem:$0x7FF] =	sst s2  }
0x5: {  	s3 =	sadd.s32 $0x10CE400, s0;
	s4 =	sadd.s32 $0x5600, s0;
	s7 =	sand.u32 $0x1, s5  }
0x6: {  	s5 =	sadd.s32 $0x18C000, s0;
	s8 =	sshll.u32 s6, $0xA;
	s6 =	sadd.s32 $0x1600, s0  }
0x7: {  	s0 =	sadd.s32 $0x10D0400, s0;
	s9 =	sshll.u32 s7, $0x9;
	s7 =	ssub.s32 $0x2, s7  }
0x8: {  	_ =	strace $0x80000047;
	s11 =	sor.u32 s9, s8;
	s18 =	sshrl.u32 s7, $0x1  }
0x9: {  	s9 =	sshrl.u32 s11, $0x3;
	s12 =	ssub.s32 s7, s18;
	s13 =	sor.u32 $0x4000, s11  }
0xa: {  	s14 =	sor.u32 $0x8000, s11;
	s15 =	sor.u32 $0xC000, s11;
	s21 =	sshll.u32 s11, $0x4  }
0xb: {  	s7 =	sadd.s32 s3, s9;
	s19 =	sshrl.u32 s13, $0x3;
	s20 =	sshrl.u32 s14, $0x3  }
0xc: {  	s10 =	sshrl.u32 s15, $0x3;
	s22 =	sshll.u32 s13, $0x4;
	s23 =	sshll.u32 s14, $0x4  }
0xd: {  	s25 =	sshll.u32 s15, $0x4;
	s26 =	smax.u32 s12, $0x1;
	s8 =	sadd.s32 s3, s19  }
0xe: {  	s9 =	sadd.s32 s3, s20;
	s10 =	sadd.s32 s3, s10;
	s3 =	sadd.s32 s0, s21  }
0xf: {  	s24 =	sadd.s32 s0, s23;
	[dreg:$0x7] =	wrdreg s26;
	s16 =	sadd.s32 $0x10, s7  }
0x10: {  	s17 =	sadd.s32 $0x20, s7;
	s18 =	sadd.s32 $0x30, s7;
	[dreg:$0x3] =	wrdreg s3  }
0x11: {  	s3 =	sadd.s32 s0, s22;
	[dreg:$0x5] =	wrdreg s24;
	s0 =	sadd.s32 s0, s25  }
0x12: {  	s19 =	sadd.s32 $0x10, s8;
	s20 =	sadd.s32 $0x20, s8;
	s21 =	sadd.s32 $0x30, s8  }
0x13: {  	s22 =	sadd.s32 $0x10, s9;
	s23 =	sadd.s32 $0x20, s9;
	s24 =	sadd.s32 $0x30, s9  }
0x14: {  	s25 =	sadd.s32 $0x10, s10;
	s26 =	sadd.s32 $0x20, s10;
	[dreg:$0x4] =	wrdreg s3  }
0x15: {  	s28 =	sadd.s32 $0x30, s10;
	[dreg:$0x6] =	wrdreg s0;
	s0 =	simm.s32 $0x0  }
.LBB2_1:
0x16: {  	[tilespmem:s2], [sflag:$0x1] =	stream.linear.gather [hbm4b:s7+s2], $0x80, $0x38;
	[tilespmem:$0x10800] =	vst v63  }
0x17: {  	s3 =	simm.s32 $0x200  }
0x18: {  	[tilespmem:s3], [sflag:$0x1] =	stream.linear.gather [hbm4b:s16+s2], $0x80, $0x38;
	[tilespmem:$0x10800] =	vst v63  }
0x19: {  	s12 =	simm.s32 $0x400  }
0x1a: {  	[tilespmem:s12], [sflag:$0x1] =	stream.linear.gather [hbm4b:s17+s2], $0x80, $0x38;
	[tilespmem:$0x10800] =	vst v63  }
0x1b: {  	s13 =	simm.s32 $0x600  }
0x1c: {  	[tilespmem:s13], [sflag:$0x1] =	stream.linear.gather [hbm4b:s18+s2], $0x80, $0x38;
	[tilespmem:$0x10800] =	vst v63  }
0x1d: {  	s14 =	simm.s32 $0x80  }
0x1e: {  	[tilespmem:s14], [sflag:$0x1] =	stream.linear.gather [hbm4b:s8+s2], $0x80, $0x38;
	[tilespmem:$0x10800] =	vst v63  }
0x1f: {  	s15 =	simm.s32 $0x280  }
0x20: {  	[tilespmem:s15], [sflag:$0x1] =	stream.linear.gather [hbm4b:s19+s2], $0x80, $0x38;
	[tilespmem:$0x10800] =	vst v63  }
0x21: {  	s11 =	simm.s32 $0x480  }
0x22: {  	[tilespmem:s11], [sflag:$0x1] =	stream.linear.gather [hbm4b:s20+s2], $0x80, $0x38;
	[tilespmem:$0x10800] =	vst v63  }
0x23: {  	s12 =	simm.s32 $0x680  }
0x24: {  	[tilespmem:s12], [sflag:$0x1] =	stream.linear.gather [hbm4b:s21+s2], $0x80, $0x38;
	[tilespmem:$0x10800] =	vst v63  }
0x25: {  	s13 =	simm.s32 $0x100  }
0x26: {  	[tilespmem:s13], [sflag:$0x1] =	stream.linear.gather [hbm4b:s9+s2], $0x80, $0x38;
	[tilespmem:$0x10800] =	vst v63  }
0x27: {  	s14 =	simm.s32 $0x300  }
0x28: {  	[tilespmem:s14], [sflag:$0x1] =	stream.linear.gather [hbm4b:s22+s2], $0x80, $0x38;
	[tilespmem:$0x10800] =	vst v63  }
0x29: {  	s15 =	simm.s32 $0x500  }
0x2a: {  	[tilespmem:s15], [sflag:$0x1] =	stream.linear.gather [hbm4b:s23+s2], $0x80, $0x38;
	[tilespmem:$0x10800] =	vst v63  }
0x2b: {  	s11 =	simm.s32 $0x700  }
0x2c: {  	[tilespmem:s11], [sflag:$0x1] =	stream.linear.gather [hbm4b:s24+s2], $0x80, $0x38;
	[tilespmem:$0x10800] =	vst v63  }
0x2d: {  	s12 =	simm.s32 $0x180  }
0x2e: {  	[tilespmem:s12], [sflag:$0x1] =	stream.linear.gather [hbm4b:s10+s2], $0x80, $0x38;
	[tilespmem:$0x10800] =	vst v63  }
0x2f: {  	s13 =	simm.s32 $0x380  }
0x30: {  	[tilespmem:s13], [sflag:$0x1] =	stream.linear.gather [hbm4b:s25+s2], $0x80, $0x38;
	[tilespmem:$0x10800] =	vst v63  }
0x31: {  	s14 =	simm.s32 $0x580  }
0x32: {  	[tilespmem:s14], [sflag:$0x1] =	stream.linear.gather [hbm4b:s26+s2], $0x80, $0x38;
	[tilespmem:$0x10800] =	vst v63  }
0x33: {  	s15 =	simm.s32 $0x780  }
0x34: {  	[tilespmem:s15], [sflag:$0x1] =	stream.linear.gather [hbm4b:s28+s2], $0x80, $0x38;
	[tilespmem:$0x10800] =	vst v63  }
0x35: {  	_ =	swait.ge [sflag:s29], $0x200  }
0x36: {  	[sflag:s29] =	ssyncset.done $0x0  }
0x37: {  	[sflag:s29] =	ssyncadd.s32 $0xFFFFFE00  }
0x38: {  	_ =	swait.ge [sflag:s29], $0x200  }
0x39: {  	[sflag:s29] =	ssyncset.done $0x0  }
0x3a: {  	[sflag:s29] =	ssyncadd.s32 $0xFFFFFE00  }
0x3b: {  	_ =	swait.ge [sflag:s29], $0x200  }
0x3c: {  	[sflag:s29] =	ssyncset.done $0x0  }
0x3d: {  	[sflag:s29] =	ssyncadd.s32 $0xFFFFFE00  }
0x3e: {  	_ =	swait.ge [sflag:s29], $0x200  }
0x3f: {  	s3 =	simm.s32 $0x0;
	[sflag:s29] =	ssyncset.done $0x0  }
0x40: {  	s11 =	simm.s32 $0x0;
	s12 =	simm.s32 $0x0;
	[sflag:s29] =	ssyncadd.s32 $0xFFFFFE00  }
.LBB2_2:
0x41: {  	s13 =	sand.u32 $0x70, s3;
	s14 =	sand.u32 $0x600, s11  }
0x42: {  	s13 =	sor.u32 s13, s14  }
0x43: {  	v0 =	vld [tilespmem:s13+$0x0];
	_ =	sdelay $0x4  }
0x44: {  	v1 =	vshrl.u32 v0, $0x3  }
0x45: {  	v0 =	vand.u32 $0x7, v0;
	v1 =	vshll.u32 v1, $0xA  }
0x46: {  	v0 =	vshll.u32 v0, $0x7;
	(v2sf) =	vpush v1, $0x0  }
0x47: {  	(v2sf) =	vpush v0, $0x0;
	_ =	sdelay $0x4  }
0x48: {  	(v2sf) =	vpush v1, $0x1  }
0x49: {  	(v2sf) =	vpush v0, $0x1;
	_ =	sdelay $0x4  }
0x4a: {  	(v2sf) =	vpush v1, $0x2  }
0x4b: {  	(v2sf) =	vpush v0, $0x2;
	_ =	sdelay $0x1  }
0x4c: {  	s14 =	spop (v2sf)  }
0x4d: {  	s15 =	spop (v2sf)  }
0x4e: {  	s14 =	sor.u32 s15, s14  }
0x4f: {  	s13 =	sshra.s32 s12, $0x2;
	(v2sf) =	vpush v1, $0x3;
	s14 =	sshrl.u32 s14, $0x3  }
0x50: {  	(v2sf) =	vpush v0, $0x3;
	s15 =	sadd.s32 $0x800, s13;
	s14 =	sadd.s32 s4, s14  }
0x51: {  	[tilespmem:s15], [sflag:$0x1] =	stream.linear.gather [hbm4b:s14+s2], $0x80, $0x38;
	[tilespmem:$0x10800] =	vst v63  }
0x52: {  	s14 =	spop (v2sf)  }
0x53: {  	s15 =	spop (v2sf)  }
0x54: {  	s14 =	sor.u32 s15, s14  }
0x55: {  	(v2sf) =	vpush v1, $0x4;
	s14 =	sshrl.u32 s14, $0x3  }
0x56: {  	(v2sf) =	vpush v0, $0x4;
	s15 =	sadd.s32 $0x880, s13;
	s14 =	sadd.s32 s4, s14  }
0x57: {  	[tilespmem:s15], [sflag:$0x1] =	stream.linear.gather [hbm4b:s14+s2], $0x80, $0x38;
	[tilespmem:$0x10800] =	vst v63  }
0x58: {  	s14 =	spop (v2sf)  }
0x59: {  	s15 =	spop (v2sf)  }
0x5a: {  	s14 =	sor.u32 s15, s14  }
0x5b: {  	(v2sf) =	vpush v1, $0x5;
	s14 =	sshrl.u32 s14, $0x3  }
0x5c: {  	(v2sf) =	vpush v0, $0x5;
	s15 =	sadd.s32 $0x900, s13;
	s14 =	sadd.s32 s4, s14  }
0x5d: {  	[tilespmem:s15], [sflag:$0x1] =	stream.linear.gather [hbm4b:s14+s2], $0x80, $0x38;
	[tilespmem:$0x10800] =	vst v63  }
0x5e: {  	s14 =	spop (v2sf)  }
0x5f: {  	s15 =	spop (v2sf)  }
0x60: {  	s14 =	sor.u32 s15, s14  }
0x61: {  	(v2sf) =	vpush v1, $0x6;
	s14 =	sshrl.u32 s14, $0x3  }
0x62: {  	(v2sf) =	vpush v0, $0x6;
	s15 =	sadd.s32 $0x980, s13;
	s14 =	sadd.s32 s4, s14  }
0x63: {  	[tilespmem:s15], [sflag:$0x1] =	stream.linear.gather [hbm4b:s14+s2], $0x80, $0x38;
	[tilespmem:$0x10800] =	vst v63  }
0x64: {  	s14 =	spop (v2sf)  }
0x65: {  	s15 =	spop (v2sf)  }
0x66: {  	s14 =	sor.u32 s15, s14  }
0x67: {  	(v2sf) =	vpush v1, $0x7;
	s14 =	sshrl.u32 s14, $0x3  }
0x68: {  	(v2sf) =	vpush v0, $0x7;
	s15 =	sadd.s32 $0xA00, s13;
	s14 =	sadd.s32 s4, s14  }
0x69: {  	[tilespmem:s15], [sflag:$0x1] =	stream.linear.gather [hbm4b:s14+s2], $0x80, $0x38;
	[tilespmem:$0x10800] =	vst v63  }
0x6a: {  	s14 =	spop (v2sf)  }
0x6b: {  	s15 =	spop (v2sf)  }
0x6c: {  	s14 =	sor.u32 s15, s14  }
0x6d: {  	(v2sf) =	vpush v1, $0x8;
	s14 =	sshrl.u32 s14, $0x3  }
0x6e: {  	(v2sf) =	vpush v0, $0x8;
	s15 =	sadd.s32 $0xA80, s13;
	s14 =	sadd.s32 s4, s14  }
0x6f: {  	[tilespmem:s15], [sflag:$0x1] =	stream.linear.gather [hbm4b:s14+s2], $0x80, $0x38;
	[tilespmem:$0x10800] =	vst v63  }
0x70: {  	s14 =	spop (v2sf)  }
0x71: {  	s15 =	spop (v2sf)  }
0x72: {  	s14 =	sor.u32 s15, s14  }
0x73: {  	(v2sf) =	vpush v1, $0x9;
	s14 =	sshrl.u32 s14, $0x3  }
0x74: {  	(v2sf) =	vpush v0, $0x9;
	s15 =	sadd.s32 $0xB00, s13;
	s14 =	sadd.s32 s4, s14  }
0x75: {  	[tilespmem:s15], [sflag:$0x1] =	stream.linear.gather [hbm4b:s14+s2], $0x80, $0x38;
	[tilespmem:$0x10800] =	vst v63  }
0x76: {  	s14 =	spop (v2sf)  }
0x77: {  	s15 =	spop (v2sf)  }
0x78: {  	s14 =	sor.u32 s15, s14  }
0x79: {  	(v2sf) =	vpush v1, $0xA;
	s14 =	sshrl.u32 s14, $0x3  }
0x7a: {  	(v2sf) =	vpush v0, $0xA;
	s15 =	sadd.s32 $0xB80, s13;
	s14 =	sadd.s32 s4, s14  }
0x7b: {  	[tilespmem:s15], [sflag:$0x1] =	stream.linear.gather [hbm4b:s14+s2], $0x80, $0x38;
	[tilespmem:$0x10800] =	vst v63  }
0x7c: {  	s14 =	spop (v2sf)  }
0x7d: {  	s15 =	spop (v2sf)  }
0x7e: {  	s14 =	sor.u32 s15, s14  }
0x7f: {  	(v2sf) =	vpush v1, $0xB;
	s14 =	sshrl.u32 s14, $0x3  }
0x80: {  	(v2sf) =	vpush v0, $0xB;
	s15 =	sadd.s32 $0xC00, s13;
	s14 =	sadd.s32 s4, s14  }
0x81: {  	[tilespmem:s15], [sflag:$0x1] =	stream.linear.gather [hbm4b:s14+s2], $0x80, $0x38;
	[tilespmem:$0x10800] =	vst v63  }
0x82: {  	s14 =	spop (v2sf)  }
0x83: {  	s15 =	spop (v2sf)  }
0x84: {  	s14 =	sor.u32 s15, s14  }
0x85: {  	(v2sf) =	vpush v1, $0xC;
	s14 =	sshrl.u32 s14, $0x3  }
0x86: {  	(v2sf) =	vpush v0, $0xC;
	s15 =	sadd.s32 $0xC80, s13;
	s14 =	sadd.s32 s4, s14  }
0x87: {  	[tilespmem:s15], [sflag:$0x1] =	stream.linear.gather [hbm4b:s14+s2], $0x80, $0x38;
	[tilespmem:$0x10800] =	vst v63  }
0x88: {  	s14 =	spop (v2sf)  }
0x89: {  	s15 =	spop (v2sf)  }
0x8a: {  	s14 =	sor.u32 s15, s14  }
0x8b: {  	(v2sf) =	vpush v1, $0xD;
	s14 =	sshrl.u32 s14, $0x3  }
0x8c: {  	(v2sf) =	vpush v0, $0xD;
	s15 =	sadd.s32 $0xD00, s13;
	s14 =	sadd.s32 s4, s14  }
0x8d: {  	[tilespmem:s15], [sflag:$0x1] =	stream.linear.gather [hbm4b:s14+s2], $0x80, $0x38;
	[tilespmem:$0x10800] =	vst v63  }
0x8e: {  	s14 =	spop (v2sf)  }
0x8f: {  	s15 =	spop (v2sf)  }
0x90: {  	s14 =	sor.u32 s15, s14  }
0x91: {  	(v2sf) =	vpush v1, $0xE;
	s14 =	sshrl.u32 s14, $0x3  }
0x92: {  	(v2sf) =	vpush v0, $0xE;
	s15 =	sadd.s32 $0xD80, s13;
	s14 =	sadd.s32 s4, s14  }
0x93: {  	[tilespmem:s15], [sflag:$0x1] =	stream.linear.gather [hbm4b:s14+s2], $0x80, $0x38;
	[tilespmem:$0x10800] =	vst v63  }
0x94: {  	s14 =	spop (v2sf)  }
0x95: {  	s15 =	spop (v2sf)  }
0x96: {  	s14 =	sor.u32 s15, s14  }
0x97: {  	(v2sf) =	vpush v1, $0xF;
	s14 =	sshrl.u32 s14, $0x3  }
0x98: {  	(v2sf) =	vpush v0, $0xF;
	s15 =	sadd.s32 $0xE00, s13;
	s14 =	sadd.s32 s4, s14  }
0x99: {  	[tilespmem:s15], [sflag:$0x1] =	stream.linear.gather [hbm4b:s14+s2], $0x80, $0x38;
	[tilespmem:$0x10800] =	vst v63  }
0x9a: {  	s14 =	spop (v2sf)  }
0x9b: {  	s15 =	spop (v2sf)  }
0x9c: {  	s14 =	sor.u32 s15, s14  }
0x9d: {  	s14 =	sshrl.u32 s14, $0x3  }
0x9e: {  	s15 =	sadd.s32 $0xE80, s13;
	s14 =	sadd.s32 s4, s14  }
0x9f: {  	[tilespmem:s15], [sflag:$0x1] =	stream.linear.gather [hbm4b:s14+s2], $0x80, $0x38;
	[tilespmem:$0x10800] =	vst v63  }
0xa0: {  	s14 =	spop (v2sf)  }
0xa1: {  	s15 =	spop (v2sf)  }
0xa2: {  	s14 =	sor.u32 s15, s14  }
0xa3: {  	s14 =	sshrl.u32 s14, $0x3  }
0xa4: {  	s15 =	sadd.s32 $0xF00, s13;
	s14 =	sadd.s32 s4, s14  }
0xa5: {  	[tilespmem:s15], [sflag:$0x1] =	stream.linear.gather [hbm4b:s14+s2], $0x80, $0x38;
	[tilespmem:$0x10800] =	vst v63  }
0xa6: {  	p0 =	sne.s32 s12, $0x3E000;
	s14 =	spop (v2sf)  }
.Ltmp0:
0xa7: {  	s15 =	spop (v2sf);
	(pc) =	sbr.rel @p0 .LBB2_2-.Ltmp0, $4  }
0xa8: {  	s14 =	sor.u32 s15, s14  }
0xa9: {  	s11 =	sadd.s32 $0x40, s11;
	s3 =	sadd.s32 $0x10, s3;
	s14 =	sshrl.u32 s14, $0x3  }
0xaa: {  	s12 =	sadd.s32 $0x2000, s12;
	s13 =	sadd.s32 $0xF80, s13;
	s14 =	sadd.s32 s4, s14  }
0xab: {  	[tilespmem:s13], [sflag:$0x1] =	stream.linear.gather [hbm4b:s14+s2], $0x80, $0x38;
	[tilespmem:$0x10800] =	vst v63  }
0xac: {  	_ =	swait.ge [sflag:s29], $0x10000  }
0xad: {  	[sflag:s29] =	ssyncset.done $0x0  }
0xae: {  	s3 =	simm.s32 $0x0;
	s11 =	rddreg [dreg:$0x3];
	[sflag:s29] =	ssyncadd.s32 $0xFFFF0000  }
0xaf: {  	[hbm4b:s11+s3] =	stream.linear.scatter [tilespmem:s30], [sflag:$0x2], $0x10000, $0x38;
	[tilespmem:$0x10800] =	vst v63  }
0xb0: {  	_ =	swait.ge [sflag:s31], $0x10000  }
0xb1: {  	[sflag:s31] =	ssyncset.done $0x0  }
0xb2: {  	s12 =	simm.s32 $0x0;
	s11 =	simm.s32 $0x0;
	[sflag:s31] =	ssyncadd.s32 $0xFFFF0000  }
.LBB2_4:
0xb3: {  	s13 =	sand.u32 $0x70, s3;
	s14 =	sand.u32 $0x600, s11  }
0xb4: {  	s13 =	sor.u32 s13, s14  }
0xb5: {  	v0 =	vld [tilespmem:s13+$0x80];
	_ =	sdelay $0x4  }
0xb6: {  	v1 =	vshrl.u32 v0, $0x3  }
0xb7: {  	v0 =	vand.u32 $0x7, v0;
	v1 =	vshll.u32 v1, $0xA  }
0xb8: {  	v0 =	vshll.u32 v0, $0x7;
	(v2sf) =	vpush v1, $0x0  }
0xb9: {  	(v2sf) =	vpush v0, $0x0;
	_ =	sdelay $0x4  }
0xba: {  	(v2sf) =	vpush v1, $0x1  }
0xbb: {  	(v2sf) =	vpush v0, $0x1;
	_ =	sdelay $0x4  }
0xbc: {  	(v2sf) =	vpush v1, $0x2  }
0xbd: {  	(v2sf) =	vpush v0, $0x2;
	_ =	sdelay $0x1  }
0xbe: {  	s14 =	spop (v2sf)  }
0xbf: {  	s15 =	spop (v2sf)  }
0xc0: {  	s14 =	sor.u32 s15, s14  }
0xc1: {  	s13 =	sshra.s32 s12, $0x2;
	(v2sf) =	vpush v1, $0x3;
	s14 =	sshrl.u32 s14, $0x3  }
0xc2: {  	(v2sf) =	vpush v0, $0x3;
	s15 =	sadd.s32 $0x800, s13;
	s14 =	sadd.s32 s5, s14  }
0xc3: {  	[tilespmem:s15], [sflag:$0x1] =	stream.linear.gather [hbm4b:s14+s2], $0x80, $0x38;
	[tilespmem:$0x10800] =	vst v63  }
0xc4: {  	s14 =	spop (v2sf)  }
0xc5: {  	s15 =	spop (v2sf)  }
0xc6: {  	s14 =	sor.u32 s15, s14  }
0xc7: {  	(v2sf) =	vpush v1, $0x4;
	s14 =	sshrl.u32 s14, $0x3  }
0xc8: {  	(v2sf) =	vpush v0, $0x4;
	s15 =	sadd.s32 $0x880, s13;
	s14 =	sadd.s32 s5, s14  }
0xc9: {  	[tilespmem:s15], [sflag:$0x1] =	stream.linear.gather [hbm4b:s14+s2], $0x80, $0x38;
	[tilespmem:$0x10800] =	vst v63  }
0xca: {  	s14 =	spop (v2sf)  }
0xcb: {  	s15 =	spop (v2sf)  }
0xcc: {  	s14 =	sor.u32 s15, s14  }
0xcd: {  	(v2sf) =	vpush v1, $0x5;
	s14 =	sshrl.u32 s14, $0x3  }
0xce: {  	(v2sf) =	vpush v0, $0x5;
	s15 =	sadd.s32 $0x900, s13;
	s14 =	sadd.s32 s5, s14  }
0xcf: {  	[tilespmem:s15], [sflag:$0x1] =	stream.linear.gather [hbm4b:s14+s2], $0x80, $0x38;
	[tilespmem:$0x10800] =	vst v63  }
0xd0: {  	s14 =	spop (v2sf)  }
0xd1: {  	s15 =	spop (v2sf)  }
0xd2: {  	s14 =	sor.u32 s15, s14  }
0xd3: {  	(v2sf) =	vpush v1, $0x6;
	s14 =	sshrl.u32 s14, $0x3  }
0xd4: {  	(v2sf) =	vpush v0, $0x6;
	s15 =	sadd.s32 $0x980, s13;
	s14 =	sadd.s32 s5, s14  }
0xd5: {  	[tilespmem:s15], [sflag:$0x1] =	stream.linear.gather [hbm4b:s14+s2], $0x80, $0x38;
	[tilespmem:$0x10800] =	vst v63  }
0xd6: {  	s14 =	spop (v2sf)  }
0xd7: {  	s15 =	spop (v2sf)  }
0xd8: {  	s14 =	sor.u32 s15, s14  }
0xd9: {  	(v2sf) =	vpush v1, $0x7;
	s14 =	sshrl.u32 s14, $0x3  }
0xda: {  	(v2sf) =	vpush v0, $0x7;
	s15 =	sadd.s32 $0xA00, s13;
	s14 =	sadd.s32 s5, s14  }
0xdb: {  	[tilespmem:s15], [sflag:$0x1] =	stream.linear.gather [hbm4b:s14+s2], $0x80, $0x38;
	[tilespmem:$0x10800] =	vst v63  }
0xdc: {  	s14 =	spop (v2sf)  }
0xdd: {  	s15 =	spop (v2sf)  }
0xde: {  	s14 =	sor.u32 s15, s14  }
0xdf: {  	(v2sf) =	vpush v1, $0x8;
	s14 =	sshrl.u32 s14, $0x3  }
0xe0: {  	(v2sf) =	vpush v0, $0x8;
	s15 =	sadd.s32 $0xA80, s13;
	s14 =	sadd.s32 s5, s14  }
0xe1: {  	[tilespmem:s15], [sflag:$0x1] =	stream.linear.gather [hbm4b:s14+s2], $0x80, $0x38;
	[tilespmem:$0x10800] =	vst v63  }
0xe2: {  	s14 =	spop (v2sf)  }
0xe3: {  	s15 =	spop (v2sf)  }
0xe4: {  	s14 =	sor.u32 s15, s14  }
0xe5: {  	(v2sf) =	vpush v1, $0x9;
	s14 =	sshrl.u32 s14, $0x3  }
0xe6: {  	(v2sf) =	vpush v0, $0x9;
	s15 =	sadd.s32 $0xB00, s13;
	s14 =	sadd.s32 s5, s14  }
0xe7: {  	[tilespmem:s15], [sflag:$0x1] =	stream.linear.gather [hbm4b:s14+s2], $0x80, $0x38;
	[tilespmem:$0x10800] =	vst v63  }
0xe8: {  	s14 =	spop (v2sf)  }
0xe9: {  	s15 =	spop (v2sf)  }
0xea: {  	s14 =	sor.u32 s15, s14  }
0xeb: {  	(v2sf) =	vpush v1, $0xA;
	s14 =	sshrl.u32 s14, $0x3  }
0xec: {  	(v2sf) =	vpush v0, $0xA;
	s15 =	sadd.s32 $0xB80, s13;
	s14 =	sadd.s32 s5, s14  }
0xed: {  	[tilespmem:s15], [sflag:$0x1] =	stream.linear.gather [hbm4b:s14+s2], $0x80, $0x38;
	[tilespmem:$0x10800] =	vst v63  }
0xee: {  	s14 =	spop (v2sf)  }
0xef: {  	s15 =	spop (v2sf)  }
0xf0: {  	s14 =	sor.u32 s15, s14  }
0xf1: {  	(v2sf) =	vpush v1, $0xB;
	s14 =	sshrl.u32 s14, $0x3  }
0xf2: {  	(v2sf) =	vpush v0, $0xB;
	s15 =	sadd.s32 $0xC00, s13;
	s14 =	sadd.s32 s5, s14  }
0xf3: {  	[tilespmem:s15], [sflag:$0x1] =	stream.linear.gather [hbm4b:s14+s2], $0x80, $0x38;
	[tilespmem:$0x10800] =	vst v63  }
0xf4: {  	s14 =	spop (v2sf)  }
0xf5: {  	s15 =	spop (v2sf)  }
0xf6: {  	s14 =	sor.u32 s15, s14  }
0xf7: {  	(v2sf) =	vpush v1, $0xC;
	s14 =	sshrl.u32 s14, $0x3  }
0xf8: {  	(v2sf) =	vpush v0, $0xC;
	s15 =	sadd.s32 $0xC80, s13;
	s14 =	sadd.s32 s5, s14  }
0xf9: {  	[tilespmem:s15], [sflag:$0x1] =	stream.linear.gather [hbm4b:s14+s2], $0x80, $0x38;
	[tilespmem:$0x10800] =	vst v63  }
0xfa: {  	s14 =	spop (v2sf)  }
0xfb: {  	s15 =	spop (v2sf)  }
0xfc: {  	s14 =	sor.u32 s15, s14  }
0xfd: {  	(v2sf) =	vpush v1, $0xD;
	s14 =	sshrl.u32 s14, $0x3  }
0xfe: {  	(v2sf) =	vpush v0, $0xD;
	s15 =	sadd.s32 $0xD00, s13;
	s14 =	sadd.s32 s5, s14  }
0xff: {  	[tilespmem:s15], [sflag:$0x1] =	stream.linear.gather [hbm4b:s14+s2], $0x80, $0x38;
	[tilespmem:$0x10800] =	vst v63  }
0x100: {  	s14 =	spop (v2sf)  }
0x101: {  	s15 =	spop (v2sf)  }
0x102: {  	s14 =	sor.u32 s15, s14  }
0x103: {  	(v2sf) =	vpush v1, $0xE;
	s14 =	sshrl.u32 s14, $0x3  }
0x104: {  	(v2sf) =	vpush v0, $0xE;
	s15 =	sadd.s32 $0xD80, s13;
	s14 =	sadd.s32 s5, s14  }
0x105: {  	[tilespmem:s15], [sflag:$0x1] =	stream.linear.gather [hbm4b:s14+s2], $0x80, $0x38;
	[tilespmem:$0x10800] =	vst v63  }
0x106: {  	s14 =	spop (v2sf)  }
0x107: {  	s15 =	spop (v2sf)  }
0x108: {  	s14 =	sor.u32 s15, s14  }
0x109: {  	(v2sf) =	vpush v1, $0xF;
	s14 =	sshrl.u32 s14, $0x3  }
0x10a: {  	(v2sf) =	vpush v0, $0xF;
	s15 =	sadd.s32 $0xE00, s13;
	s14 =	sadd.s32 s5, s14  }
0x10b: {  	[tilespmem:s15], [sflag:$0x1] =	stream.linear.gather [hbm4b:s14+s2], $0x80, $0x38;
	[tilespmem:$0x10800] =	vst v63  }
0x10c: {  	s14 =	spop (v2sf)  }
0x10d: {  	s15 =	spop (v2sf)  }
0x10e: {  	s14 =	sor.u32 s15, s14  }
0x10f: {  	s14 =	sshrl.u32 s14, $0x3  }
0x110: {  	s15 =	sadd.s32 $0xE80, s13;
	s14 =	sadd.s32 s5, s14  }
0x111: {  	[tilespmem:s15], [sflag:$0x1] =	stream.linear.gather [hbm4b:s14+s2], $0x80, $0x38;
	[tilespmem:$0x10800] =	vst v63  }
0x112: {  	s14 =	spop (v2sf)  }
0x113: {  	s15 =	spop (v2sf)  }
0x114: {  	s14 =	sor.u32 s15, s14  }
0x115: {  	s14 =	sshrl.u32 s14, $0x3  }
0x116: {  	s15 =	sadd.s32 $0xF00, s13;
	s14 =	sadd.s32 s5, s14  }
0x117: {  	[tilespmem:s15], [sflag:$0x1] =	stream.linear.gather [hbm4b:s14+s2], $0x80, $0x38;
	[tilespmem:$0x10800] =	vst v63  }
0x118: {  	p0 =	sne.s32 s12, $0x3E000;
	s14 =	spop (v2sf)  }
.Ltmp1:
0x119: {  	s15 =	spop (v2sf);
	(pc) =	sbr.rel @p0 .LBB2_4-.Ltmp1, $4  }
0x11a: {  	s14 =	sor.u32 s15, s14  }
0x11b: {  	s11 =	sadd.s32 $0x40, s11;
	s3 =	sadd.s32 $0x10, s3;
	s14 =	sshrl.u32 s14, $0x3  }
0x11c: {  	s12 =	sadd.s32 $0x2000, s12;
	s13 =	sadd.s32 $0xF80, s13;
	s14 =	sadd.s32 s5, s14  }
0x11d: {  	[tilespmem:s13], [sflag:$0x1] =	stream.linear.gather [hbm4b:s14+s2], $0x80, $0x38;
	[tilespmem:$0x10800] =	vst v63  }
0x11e: {  	_ =	swait.ge [sflag:s29], $0x10000  }
0x11f: {  	[sflag:s29] =	ssyncset.done $0x0  }
0x120: {  	s3 =	simm.s32 $0x0;
	s11 =	rddreg [dreg:$0x4];
	[sflag:s29] =	ssyncadd.s32 $0xFFFF0000  }
0x121: {  	[hbm4b:s11+s3] =	stream.linear.scatter [tilespmem:s30], [sflag:$0x2], $0x10000, $0x38;
	[tilespmem:$0x10800] =	vst v63  }
0x122: {  	_ =	swait.ge [sflag:s31], $0x10000  }
0x123: {  	[sflag:s31] =	ssyncset.done $0x0  }
0x124: {  	s12 =	simm.s32 $0x0;
	s11 =	simm.s32 $0x0;
	[sflag:s31] =	ssyncadd.s32 $0xFFFF0000  }
.LBB2_6:
0x125: {  	s13 =	sand.u32 $0x70, s3;
	s14 =	sand.u32 $0x600, s11  }
0x126: {  	s13 =	sor.u32 s13, s14  }
0x127: {  	v0 =	vld [tilespmem:s13+$0x100];
	_ =	sdelay $0x4  }
0x128: {  	v1 =	vshrl.u32 v0, $0x3  }
0x129: {  	v0 =	vand.u32 $0x7, v0;
	v1 =	vshll.u32 v1, $0xA  }
0x12a: {  	v0 =	vshll.u32 v0, $0x7;
	(v2sf) =	vpush v1, $0x0  }
0x12b: {  	(v2sf) =	vpush v0, $0x0;
	_ =	sdelay $0x4  }
0x12c: {  	(v2sf) =	vpush v1, $0x1  }
0x12d: {  	(v2sf) =	vpush v0, $0x1;
	_ =	sdelay $0x4  }
0x12e: {  	(v2sf) =	vpush v1, $0x2  }
0x12f: {  	(v2sf) =	vpush v0, $0x2;
	_ =	sdelay $0x1  }
0x130: {  	s14 =	spop (v2sf)  }
0x131: {  	s15 =	spop (v2sf)  }
0x132: {  	s14 =	sor.u32 s15, s14  }
0x133: {  	s13 =	sshra.s32 s12, $0x2;
	(v2sf) =	vpush v1, $0x3;
	s14 =	sshrl.u32 s14, $0x3  }
0x134: {  	(v2sf) =	vpush v0, $0x3;
	s15 =	sadd.s32 $0x800, s13;
	s14 =	sadd.s32 s1, s14  }
0x135: {  	[tilespmem:s15], [sflag:$0x1] =	stream.linear.gather [hbm4b:s14+s2], $0x80, $0x38;
	[tilespmem:$0x10800] =	vst v63  }
0x136: {  	s14 =	spop (v2sf)  }
0x137: {  	s15 =	spop (v2sf)  }
0x138: {  	s14 =	sor.u32 s15, s14  }
0x139: {  	(v2sf) =	vpush v1, $0x4;
	s14 =	sshrl.u32 s14, $0x3  }
0x13a: {  	(v2sf) =	vpush v0, $0x4;
	s15 =	sadd.s32 $0x880, s13;
	s14 =	sadd.s32 s1, s14  }
0x13b: {  	[tilespmem:s15], [sflag:$0x1] =	stream.linear.gather [hbm4b:s14+s2], $0x80, $0x38;
	[tilespmem:$0x10800] =	vst v63  }
0x13c: {  	s14 =	spop (v2sf)  }
0x13d: {  	s15 =	spop (v2sf)  }
0x13e: {  	s14 =	sor.u32 s15, s14  }
0x13f: {  	(v2sf) =	vpush v1, $0x5;
	s14 =	sshrl.u32 s14, $0x3  }
0x140: {  	(v2sf) =	vpush v0, $0x5;
	s15 =	sadd.s32 $0x900, s13;
	s14 =	sadd.s32 s1, s14  }
0x141: {  	[tilespmem:s15], [sflag:$0x1] =	stream.linear.gather [hbm4b:s14+s2], $0x80, $0x38;
	[tilespmem:$0x10800] =	vst v63  }
0x142: {  	s14 =	spop (v2sf)  }
0x143: {  	s15 =	spop (v2sf)  }
0x144: {  	s14 =	sor.u32 s15, s14  }
0x145: {  	(v2sf) =	vpush v1, $0x6;
	s14 =	sshrl.u32 s14, $0x3  }
0x146: {  	(v2sf) =	vpush v0, $0x6;
	s15 =	sadd.s32 $0x980, s13;
	s14 =	sadd.s32 s1, s14  }
0x147: {  	[tilespmem:s15], [sflag:$0x1] =	stream.linear.gather [hbm4b:s14+s2], $0x80, $0x38;
	[tilespmem:$0x10800] =	vst v63  }
0x148: {  	s14 =	spop (v2sf)  }
0x149: {  	s15 =	spop (v2sf)  }
0x14a: {  	s14 =	sor.u32 s15, s14  }
0x14b: {  	(v2sf) =	vpush v1, $0x7;
	s14 =	sshrl.u32 s14, $0x3  }
0x14c: {  	(v2sf) =	vpush v0, $0x7;
	s15 =	sadd.s32 $0xA00, s13;
	s14 =	sadd.s32 s1, s14  }
0x14d: {  	[tilespmem:s15], [sflag:$0x1] =	stream.linear.gather [hbm4b:s14+s2], $0x80, $0x38;
	[tilespmem:$0x10800] =	vst v63  }
0x14e: {  	s14 =	spop (v2sf)  }
0x14f: {  	s15 =	spop (v2sf)  }
0x150: {  	s14 =	sor.u32 s15, s14  }
0x151: {  	(v2sf) =	vpush v1, $0x8;
	s14 =	sshrl.u32 s14, $0x3  }
0x152: {  	(v2sf) =	vpush v0, $0x8;
	s15 =	sadd.s32 $0xA80, s13;
	s14 =	sadd.s32 s1, s14  }
0x153: {  	[tilespmem:s15], [sflag:$0x1] =	stream.linear.gather [hbm4b:s14+s2], $0x80, $0x38;
	[tilespmem:$0x10800] =	vst v63  }
0x154: {  	s14 =	spop (v2sf)  }
0x155: {  	s15 =	spop (v2sf)  }
0x156: {  	s14 =	sor.u32 s15, s14  }
0x157: {  	(v2sf) =	vpush v1, $0x9;
	s14 =	sshrl.u32 s14, $0x3  }
0x158: {  	(v2sf) =	vpush v0, $0x9;
	s15 =	sadd.s32 $0xB00, s13;
	s14 =	sadd.s32 s1, s14  }
0x159: {  	[tilespmem:s15], [sflag:$0x1] =	stream.linear.gather [hbm4b:s14+s2], $0x80, $0x38;
	[tilespmem:$0x10800] =	vst v63  }
0x15a: {  	s14 =	spop (v2sf)  }
0x15b: {  	s15 =	spop (v2sf)  }
0x15c: {  	s14 =	sor.u32 s15, s14  }
0x15d: {  	(v2sf) =	vpush v1, $0xA;
	s14 =	sshrl.u32 s14, $0x3  }
0x15e: {  	(v2sf) =	vpush v0, $0xA;
	s15 =	sadd.s32 $0xB80, s13;
	s14 =	sadd.s32 s1, s14  }
0x15f: {  	[tilespmem:s15], [sflag:$0x1] =	stream.linear.gather [hbm4b:s14+s2], $0x80, $0x38;
	[tilespmem:$0x10800] =	vst v63  }
0x160: {  	s14 =	spop (v2sf)  }
0x161: {  	s15 =	spop (v2sf)  }
0x162: {  	s14 =	sor.u32 s15, s14  }
0x163: {  	(v2sf) =	vpush v1, $0xB;
	s14 =	sshrl.u32 s14, $0x3  }
0x164: {  	(v2sf) =	vpush v0, $0xB;
	s15 =	sadd.s32 $0xC00, s13;
	s14 =	sadd.s32 s1, s14  }
0x165: {  	[tilespmem:s15], [sflag:$0x1] =	stream.linear.gather [hbm4b:s14+s2], $0x80, $0x38;
	[tilespmem:$0x10800] =	vst v63  }
0x166: {  	s14 =	spop (v2sf)  }
0x167: {  	s15 =	spop (v2sf)  }
0x168: {  	s14 =	sor.u32 s15, s14  }
0x169: {  	(v2sf) =	vpush v1, $0xC;
	s14 =	sshrl.u32 s14, $0x3  }
0x16a: {  	(v2sf) =	vpush v0, $0xC;
	s15 =	sadd.s32 $0xC80, s13;
	s14 =	sadd.s32 s1, s14  }
0x16b: {  	[tilespmem:s15], [sflag:$0x1] =	stream.linear.gather [hbm4b:s14+s2], $0x80, $0x38;
	[tilespmem:$0x10800] =	vst v63  }
0x16c: {  	s14 =	spop (v2sf)  }
0x16d: {  	s15 =	spop (v2sf)  }
0x16e: {  	s14 =	sor.u32 s15, s14  }
0x16f: {  	(v2sf) =	vpush v1, $0xD;
	s14 =	sshrl.u32 s14, $0x3  }
0x170: {  	(v2sf) =	vpush v0, $0xD;
	s15 =	sadd.s32 $0xD00, s13;
	s14 =	sadd.s32 s1, s14  }
0x171: {  	[tilespmem:s15], [sflag:$0x1] =	stream.linear.gather [hbm4b:s14+s2], $0x80, $0x38;
	[tilespmem:$0x10800] =	vst v63  }
0x172: {  	s14 =	spop (v2sf)  }
0x173: {  	s15 =	spop (v2sf)  }
0x174: {  	s14 =	sor.u32 s15, s14  }
0x175: {  	(v2sf) =	vpush v1, $0xE;
	s14 =	sshrl.u32 s14, $0x3  }
0x176: {  	(v2sf) =	vpush v0, $0xE;
	s15 =	sadd.s32 $0xD80, s13;
	s14 =	sadd.s32 s1, s14  }
0x177: {  	[tilespmem:s15], [sflag:$0x1] =	stream.linear.gather [hbm4b:s14+s2], $0x80, $0x38;
	[tilespmem:$0x10800] =	vst v63  }
0x178: {  	s14 =	spop (v2sf)  }
0x179: {  	s15 =	spop (v2sf)  }
0x17a: {  	s14 =	sor.u32 s15, s14  }
0x17b: {  	(v2sf) =	vpush v1, $0xF;
	s14 =	sshrl.u32 s14, $0x3  }
0x17c: {  	(v2sf) =	vpush v0, $0xF;
	s15 =	sadd.s32 $0xE00, s13;
	s14 =	sadd.s32 s1, s14  }
0x17d: {  	[tilespmem:s15], [sflag:$0x1] =	stream.linear.gather [hbm4b:s14+s2], $0x80, $0x38;
	[tilespmem:$0x10800] =	vst v63  }
0x17e: {  	s14 =	spop (v2sf)  }
0x17f: {  	s15 =	spop (v2sf)  }
0x180: {  	s14 =	sor.u32 s15, s14  }
0x181: {  	s14 =	sshrl.u32 s14, $0x3  }
0x182: {  	s15 =	sadd.s32 $0xE80, s13;
	s14 =	sadd.s32 s1, s14  }
0x183: {  	[tilespmem:s15], [sflag:$0x1] =	stream.linear.gather [hbm4b:s14+s2], $0x80, $0x38;
	[tilespmem:$0x10800] =	vst v63  }
0x184: {  	s14 =	spop (v2sf)  }
0x185: {  	s15 =	spop (v2sf)  }
0x186: {  	s14 =	sor.u32 s15, s14  }
0x187: {  	s14 =	sshrl.u32 s14, $0x3  }
0x188: {  	s15 =	sadd.s32 $0xF00, s13;
	s14 =	sadd.s32 s1, s14  }
0x189: {  	[tilespmem:s15], [sflag:$0x1] =	stream.linear.gather [hbm4b:s14+s2], $0x80, $0x38;
	[tilespmem:$0x10800] =	vst v63  }
0x18a: {  	p0 =	sne.s32 s12, $0x3E000;
	s14 =	spop (v2sf)  }
.Ltmp2:
0x18b: {  	s15 =	spop (v2sf);
	(pc) =	sbr.rel @p0 .LBB2_6-.Ltmp2, $4  }
0x18c: {  	s14 =	sor.u32 s15, s14  }
0x18d: {  	s11 =	sadd.s32 $0x40, s11;
	s3 =	sadd.s32 $0x10, s3;
	s14 =	sshrl.u32 s14, $0x3  }
0x18e: {  	s12 =	sadd.s32 $0x2000, s12;
	s13 =	sadd.s32 $0xF80, s13;
	s14 =	sadd.s32 s1, s14  }
0x18f: {  	[tilespmem:s13], [sflag:$0x1] =	stream.linear.gather [hbm4b:s14+s2], $0x80, $0x38;
	[tilespmem:$0x10800] =	vst v63  }
0x190: {  	_ =	swait.ge [sflag:s29], $0x10000  }
0x191: {  	[sflag:s29] =	ssyncset.done $0x0  }
0x192: {  	s3 =	simm.s32 $0x0;
	s11 =	rddreg [dreg:$0x5];
	[sflag:s29] =	ssyncadd.s32 $0xFFFF0000  }
0x193: {  	[hbm4b:s11+s3] =	stream.linear.scatter [tilespmem:s30], [sflag:$0x2], $0x10000, $0x38;
	[tilespmem:$0x10800] =	vst v63  }
0x194: {  	_ =	swait.ge [sflag:s31], $0x10000  }
0x195: {  	[sflag:s31] =	ssyncset.done $0x0  }
0x196: {  	s12 =	simm.s32 $0x0;
	s11 =	simm.s32 $0x0;
	[sflag:s31] =	ssyncadd.s32 $0xFFFF0000  }
.LBB2_8:
0x197: {  	s13 =	sand.u32 $0x70, s3;
	s14 =	sand.u32 $0x600, s11  }
0x198: {  	s13 =	sor.u32 s13, s14  }
0x199: {  	v0 =	vld [tilespmem:s13+$0x180];
	_ =	sdelay $0x4  }
0x19a: {  	v1 =	vshrl.u32 v0, $0x3  }
0x19b: {  	v0 =	vand.u32 $0x7, v0;
	v1 =	vshll.u32 v1, $0xA  }
0x19c: {  	v0 =	vshll.u32 v0, $0x7;
	(v2sf) =	vpush v1, $0x0  }
0x19d: {  	(v2sf) =	vpush v0, $0x0;
	_ =	sdelay $0x4  }
0x19e: {  	(v2sf) =	vpush v1, $0x1  }
0x19f: {  	(v2sf) =	vpush v0, $0x1;
	_ =	sdelay $0x4  }
0x1a0: {  	(v2sf) =	vpush v1, $0x2  }
0x1a1: {  	(v2sf) =	vpush v0, $0x2;
	_ =	sdelay $0x1  }
0x1a2: {  	s14 =	spop (v2sf)  }
0x1a3: {  	s15 =	spop (v2sf)  }
0x1a4: {  	s14 =	sor.u32 s15, s14  }
0x1a5: {  	s13 =	sshra.s32 s12, $0x2;
	(v2sf) =	vpush v1, $0x3;
	s14 =	sshrl.u32 s14, $0x3  }
0x1a6: {  	(v2sf) =	vpush v0, $0x3;
	s15 =	sadd.s32 $0x800, s13;
	s14 =	sadd.s32 s6, s14  }
0x1a7: {  	[tilespmem:s15], [sflag:$0x1] =	stream.linear.gather [hbm4b:s14+s2], $0x80, $0x38;
	[tilespmem:$0x10800] =	vst v63  }
0x1a8: {  	s14 =	spop (v2sf)  }
0x1a9: {  	s15 =	spop (v2sf)  }
0x1aa: {  	s14 =	sor.u32 s15, s14  }
0x1ab: {  	(v2sf) =	vpush v1, $0x4;
	s14 =	sshrl.u32 s14, $0x3  }
0x1ac: {  	(v2sf) =	vpush v0, $0x4;
	s15 =	sadd.s32 $0x880, s13;
	s14 =	sadd.s32 s6, s14  }
0x1ad: {  	[tilespmem:s15], [sflag:$0x1] =	stream.linear.gather [hbm4b:s14+s2], $0x80, $0x38;
	[tilespmem:$0x10800] =	vst v63  }
0x1ae: {  	s14 =	spop (v2sf)  }
0x1af: {  	s15 =	spop (v2sf)  }
0x1b0: {  	s14 =	sor.u32 s15, s14  }
0x1b1: {  	(v2sf) =	vpush v1, $0x5;
	s14 =	sshrl.u32 s14, $0x3  }
0x1b2: {  	(v2sf) =	vpush v0, $0x5;
	s15 =	sadd.s32 $0x900, s13;
	s14 =	sadd.s32 s6, s14  }
0x1b3: {  	[tilespmem:s15], [sflag:$0x1] =	stream.linear.gather [hbm4b:s14+s2], $0x80, $0x38;
	[tilespmem:$0x10800] =	vst v63  }
0x1b4: {  	s14 =	spop (v2sf)  }
0x1b5: {  	s15 =	spop (v2sf)  }
0x1b6: {  	s14 =	sor.u32 s15, s14  }
0x1b7: {  	(v2sf) =	vpush v1, $0x6;
	s14 =	sshrl.u32 s14, $0x3  }
0x1b8: {  	(v2sf) =	vpush v0, $0x6;
	s15 =	sadd.s32 $0x980, s13;
	s14 =	sadd.s32 s6, s14  }
0x1b9: {  	[tilespmem:s15], [sflag:$0x1] =	stream.linear.gather [hbm4b:s14+s2], $0x80, $0x38;
	[tilespmem:$0x10800] =	vst v63  }
0x1ba: {  	s14 =	spop (v2sf)  }
0x1bb: {  	s15 =	spop (v2sf)  }
0x1bc: {  	s14 =	sor.u32 s15, s14  }
0x1bd: {  	(v2sf) =	vpush v1, $0x7;
	s14 =	sshrl.u32 s14, $0x3  }
0x1be: {  	(v2sf) =	vpush v0, $0x7;
	s15 =	sadd.s32 $0xA00, s13;
	s14 =	sadd.s32 s6, s14  }
0x1bf: {  	[tilespmem:s15], [sflag:$0x1] =	stream.linear.gather [hbm4b:s14+s2], $0x80, $0x38;
	[tilespmem:$0x10800] =	vst v63  }
0x1c0: {  	s14 =	spop (v2sf)  }
0x1c1: {  	s15 =	spop (v2sf)  }
0x1c2: {  	s14 =	sor.u32 s15, s14  }
0x1c3: {  	(v2sf) =	vpush v1, $0x8;
	s14 =	sshrl.u32 s14, $0x3  }
0x1c4: {  	(v2sf) =	vpush v0, $0x8;
	s15 =	sadd.s32 $0xA80, s13;
	s14 =	sadd.s32 s6, s14  }
0x1c5: {  	[tilespmem:s15], [sflag:$0x1] =	stream.linear.gather [hbm4b:s14+s2], $0x80, $0x38;
	[tilespmem:$0x10800] =	vst v63  }
0x1c6: {  	s14 =	spop (v2sf)  }
0x1c7: {  	s15 =	spop (v2sf)  }
0x1c8: {  	s14 =	sor.u32 s15, s14  }
0x1c9: {  	(v2sf) =	vpush v1, $0x9;
	s14 =	sshrl.u32 s14, $0x3  }
0x1ca: {  	(v2sf) =	vpush v0, $0x9;
	s15 =	sadd.s32 $0xB00, s13;
	s14 =	sadd.s32 s6, s14  }
0x1cb: {  	[tilespmem:s15], [sflag:$0x1] =	stream.linear.gather [hbm4b:s14+s2], $0x80, $0x38;
	[tilespmem:$0x10800] =	vst v63  }
0x1cc: {  	s14 =	spop (v2sf)  }
0x1cd: {  	s15 =	spop (v2sf)  }
0x1ce: {  	s14 =	sor.u32 s15, s14  }
0x1cf: {  	(v2sf) =	vpush v1, $0xA;
	s14 =	sshrl.u32 s14, $0x3  }
0x1d0: {  	(v2sf) =	vpush v0, $0xA;
	s15 =	sadd.s32 $0xB80, s13;
	s14 =	sadd.s32 s6, s14  }
0x1d1: {  	[tilespmem:s15], [sflag:$0x1] =	stream.linear.gather [hbm4b:s14+s2], $0x80, $0x38;
	[tilespmem:$0x10800] =	vst v63  }
0x1d2: {  	s14 =	spop (v2sf)  }
0x1d3: {  	s15 =	spop (v2sf)  }
0x1d4: {  	s14 =	sor.u32 s15, s14  }
0x1d5: {  	(v2sf) =	vpush v1, $0xB;
	s14 =	sshrl.u32 s14, $0x3  }
0x1d6: {  	(v2sf) =	vpush v0, $0xB;
	s15 =	sadd.s32 $0xC00, s13;
	s14 =	sadd.s32 s6, s14  }
0x1d7: {  	[tilespmem:s15], [sflag:$0x1] =	stream.linear.gather [hbm4b:s14+s2], $0x80, $0x38;
	[tilespmem:$0x10800] =	vst v63  }
0x1d8: {  	s14 =	spop (v2sf)  }
0x1d9: {  	s15 =	spop (v2sf)  }
0x1da: {  	s14 =	sor.u32 s15, s14  }
0x1db: {  	(v2sf) =	vpush v1, $0xC;
	s14 =	sshrl.u32 s14, $0x3  }
0x1dc: {  	(v2sf) =	vpush v0, $0xC;
	s15 =	sadd.s32 $0xC80, s13;
	s14 =	sadd.s32 s6, s14  }
0x1dd: {  	[tilespmem:s15], [sflag:$0x1] =	stream.linear.gather [hbm4b:s14+s2], $0x80, $0x38;
	[tilespmem:$0x10800] =	vst v63  }
0x1de: {  	s14 =	spop (v2sf)  }
0x1df: {  	s15 =	spop (v2sf)  }
0x1e0: {  	s14 =	sor.u32 s15, s14  }
0x1e1: {  	(v2sf) =	vpush v1, $0xD;
	s14 =	sshrl.u32 s14, $0x3  }
0x1e2: {  	(v2sf) =	vpush v0, $0xD;
	s15 =	sadd.s32 $0xD00, s13;
	s14 =	sadd.s32 s6, s14  }
0x1e3: {  	[tilespmem:s15], [sflag:$0x1] =	stream.linear.gather [hbm4b:s14+s2], $0x80, $0x38;
	[tilespmem:$0x10800] =	vst v63  }
0x1e4: {  	s14 =	spop (v2sf)  }
0x1e5: {  	s15 =	spop (v2sf)  }
0x1e6: {  	s14 =	sor.u32 s15, s14  }
0x1e7: {  	(v2sf) =	vpush v1, $0xE;
	s14 =	sshrl.u32 s14, $0x3  }
0x1e8: {  	(v2sf) =	vpush v0, $0xE;
	s15 =	sadd.s32 $0xD80, s13;
	s14 =	sadd.s32 s6, s14  }
0x1e9: {  	[tilespmem:s15], [sflag:$0x1] =	stream.linear.gather [hbm4b:s14+s2], $0x80, $0x38;
	[tilespmem:$0x10800] =	vst v63  }
0x1ea: {  	s14 =	spop (v2sf)  }
0x1eb: {  	s15 =	spop (v2sf)  }
0x1ec: {  	s14 =	sor.u32 s15, s14  }
0x1ed: {  	(v2sf) =	vpush v1, $0xF;
	s14 =	sshrl.u32 s14, $0x3  }
0x1ee: {  	(v2sf) =	vpush v0, $0xF;
	s15 =	sadd.s32 $0xE00, s13;
	s14 =	sadd.s32 s6, s14  }
0x1ef: {  	[tilespmem:s15], [sflag:$0x1] =	stream.linear.gather [hbm4b:s14+s2], $0x80, $0x38;
	[tilespmem:$0x10800] =	vst v63  }
0x1f0: {  	s14 =	spop (v2sf)  }
0x1f1: {  	s15 =	spop (v2sf)  }
0x1f2: {  	s14 =	sor.u32 s15, s14  }
0x1f3: {  	s14 =	sshrl.u32 s14, $0x3  }
0x1f4: {  	s15 =	sadd.s32 $0xE80, s13;
	s14 =	sadd.s32 s6, s14  }
0x1f5: {  	[tilespmem:s15], [sflag:$0x1] =	stream.linear.gather [hbm4b:s14+s2], $0x80, $0x38;
	[tilespmem:$0x10800] =	vst v63  }
0x1f6: {  	s14 =	spop (v2sf)  }
0x1f7: {  	s15 =	spop (v2sf)  }
0x1f8: {  	s14 =	sor.u32 s15, s14  }
0x1f9: {  	s14 =	sshrl.u32 s14, $0x3  }
0x1fa: {  	s15 =	sadd.s32 $0xF00, s13;
	s14 =	sadd.s32 s6, s14  }
0x1fb: {  	[tilespmem:s15], [sflag:$0x1] =	stream.linear.gather [hbm4b:s14+s2], $0x80, $0x38;
	[tilespmem:$0x10800] =	vst v63  }
0x1fc: {  	p0 =	sne.s32 s12, $0x3E000;
	s14 =	spop (v2sf)  }
.Ltmp3:
0x1fd: {  	s15 =	spop (v2sf);
	(pc) =	sbr.rel @p0 .LBB2_8-.Ltmp3, $4  }
0x1fe: {  	s14 =	sor.u32 s15, s14  }
0x1ff: {  	s11 =	sadd.s32 $0x40, s11;
	s3 =	sadd.s32 $0x10, s3;
	s14 =	sshrl.u32 s14, $0x3  }
0x200: {  	s12 =	sadd.s32 $0x2000, s12;
	s13 =	sadd.s32 $0xF80, s13;
	s14 =	sadd.s32 s6, s14  }
0x201: {  	[tilespmem:s13], [sflag:$0x1] =	stream.linear.gather [hbm4b:s14+s2], $0x80, $0x38;
	[tilespmem:$0x10800] =	vst v63  }
0x202: {  	_ =	swait.ge [sflag:s29], $0x10000  }
0x203: {  	[sflag:s29] =	ssyncset.done $0x0  }
0x204: {  	s3 =	rddreg [dreg:$0x6];
	[sflag:s29] =	ssyncadd.s32 $0xFFFF0000  }
0x205: {  	[hbm4b:s3+s2] =	stream.linear.scatter [tilespmem:s30], [sflag:$0x2], $0x10000, $0x38;
	[tilespmem:$0x10800] =	vst v63  }
0x206: {  	_ =	swait.ge [sflag:s31], $0x10000  }
0x207: {  	s0 =	sadd.s32 $0x1, s0;
	s15 =	rddreg [dreg:$0x7]  }
0x208: {  	p0 =	sne.s32 s0, s15  }
.Ltmp4:
0x209: {  	_ = 	snop;
	(pc) =	sbr.rel @p0 .LBB2_1-.Ltmp4, $3  }
0x20a: {  	_ =	sdelay $0x1  }
0x20b: {  	[sflag:s31] =	ssyncset.done $0x0  }
0x20c: {  	[sflag:s31] =	ssyncadd.s32 $0xFFFF0000  }
0x20d: {  	_ =	sfence.sel $0x180000  }
0x20e: {  	[bflag:$0x0] =	sbarrier.arrive $0xFFFF  }
0x20f: {  	_ =	strace $0x90000047  }
0x210: {  	s0 =	stileid.u32;
	[bflag:$0x2] =	sbarrier.arrive $0xFFFF  }
0x211: {  	p0 =	sne.s32 s0, $0x0;
	s0 =	rddreg [dreg:$0x2]  }
0x212: {  	s0 =	sadd.s32 @!p0 $0x100000, s0  }
0x213: {  	[sflag:s0] =	ssyncadd.tile.s32 @!p0 $0x1;
	_ =	shalt  }
.Lfunc_end2:
_tile_overlayer_lowered:
.L_overlay_start_2:
0x214: {  	(tag) =	ssettag $0x2  }
0x215: {  	s0 =	rddreg [dreg:$0x0];
	s2 =	stileid.u32  }
0x216: {  	s1 =	rddreg [dreg:$0x1];
	p0 =	sne.s32 s2, $0x0  }
0x217: {  	s3 =	rddreg [dreg:$0x2];
	[bflag:$0x3] =	sbarrier.arrive $0xFFFF;
	s2 =	simm.s32 @!p0 $0x1C02  }
0x218: {  	[timem:s3], [sflag:s2] =	dma.local @!p0 [hbm:s0], s1  }
0x219: {  	s0 =	simm.s32 @!p0 $0x2  }
0x21a: {  	_ =	swait.ge @!p0 [sflag:s0], s1  }
0x21b: {  	s1 =	ssub.s32 @!p0 $0x0, s1;
	[sflag:s0] =	ssyncset.done @!p0 $0x0  }
0x21c: {  	[sflag:s0] =	ssyncadd.s32 @!p0 s1  }
0x21d: {  	[bflag:$0x3] =	sbarrier.arrive $0xFFFF  }
0x21e: {  	_ =	shalt  }

</sc_bundles>
